<compile_context>
chip_gen: v7x
topology: tpu7x:2x2x1
jax: 0.10.2.dev20260603
libtpu: 0.0.44.dev20260713+nightly
codegen_flags: <defaults>
</compile_context>

<pallas_src>
import functools

import jax
import jax.numpy as jnp
from jax import lax
from jax.experimental import pallas as pl
from jax.experimental.pallas import tpu as pltpu
from jax.experimental.pallas import tpu_sc as plsc

N = 10000
D = 128
E = 320000
EPS = 1e-5

NC, NS, L = 2, 16, 16
NW = NC * NS
EPT = E // NW
K = 125
NCH = EPT // K
STG = 40
NST = NCH // STG
NPAD = 10240
RPT = NPAD // NS

_mesh = plsc.VectorSubcoreMesh(
    core_axis_name="c", subcore_axis_name="s", num_cores=NC, num_subcores=NS
)


def _seg_core(x_hbm, src_hbm, dst_hbm, out_hbm,
              acc_sh, src_v, dst_v, rows_a, rows_b, ga, gb, sa, sb,
              c, s, wid, r0):
    for p in range(NST):
        base = wid * NCH + p * STG
        pltpu.sync_copy(src_hbm.at[pl.ds(base, STG)], src_v)
        pltpu.sync_copy(dst_hbm.at[pl.ds(base, STG)], dst_v)

        pltpu.async_copy(x_hbm.at[src_v.at[0]], rows_a, ga)

        def chunk(j, carry):
            nxt = j + 1

            @pl.when(j % 2 == 0)
            def _even():
                @pl.when(nxt < STG)
                def _():
                    @pl.when(j >= 2)
                    def _():
                        pltpu.make_async_copy(
                            rows_b, acc_sh.at[dst_v.at[j]], sb).wait()
                    pltpu.async_copy(x_hbm.at[src_v.at[nxt]], rows_b, gb)
                pltpu.make_async_copy(x_hbm.at[src_v.at[j]], rows_a, ga).wait()
                pltpu.async_copy(rows_a, acc_sh.at[dst_v.at[j]], sa, add=True)

            @pl.when(j % 2 == 1)
            def _odd():
                @pl.when(nxt < STG)
                def _():
                    pltpu.make_async_copy(
                        rows_a, acc_sh.at[dst_v.at[j]], sa).wait()
                    pltpu.async_copy(x_hbm.at[src_v.at[nxt]], rows_a, ga)
                pltpu.make_async_copy(x_hbm.at[src_v.at[j]], rows_b, gb).wait()
                pltpu.async_copy(rows_b, acc_sh.at[dst_v.at[j]], sb, add=True)

            return carry

        lax.fori_loop(0, STG, chunk, 0)
        pltpu.make_async_copy(rows_a, acc_sh.at[dst_v.at[0]], sa).wait()
        pltpu.make_async_copy(rows_b, acc_sh.at[dst_v.at[0]], sb).wait()

    plsc.subcore_barrier()
    pltpu.sync_copy(acc_sh.at[pl.ds(r0, RPT)], out_hbm.at[c, pl.ds(r0, RPT)])


def _seg_body(x_hbm, src_hbm, dst_hbm, zeros_hbm, parts,
              acc_sh, src_v, dst_v, rows_a, rows_b, ga, gb, sa, sb):
    c = lax.axis_index("c")
    s = lax.axis_index("s")
    wid = c * NS + s
    r0 = s * RPT

    pltpu.sync_copy(zeros_hbm, acc_sh.at[pl.ds(r0, RPT)])
    plsc.subcore_barrier()
    _seg_core(x_hbm, src_hbm, dst_hbm, parts,
              acc_sh, src_v, dst_v, rows_a, rows_b, ga, gb, sa, sb,
              c, s, wid, r0)


_SEG_SCRATCH = [
    pltpu.VMEM_SHARED((NPAD, D), jnp.float32),
    pltpu.VMEM((STG, K), jnp.int32),
    pltpu.VMEM((STG, K), jnp.int32),
    pltpu.VMEM((K, D), jnp.float32),
    pltpu.VMEM((K, D), jnp.float32),
    pltpu.SemaphoreType.DMA,
    pltpu.SemaphoreType.DMA,
    pltpu.SemaphoreType.DMA,
    pltpu.SemaphoreType.DMA,
]

_sc_seg = functools.partial(
    pl.kernel,
    out_type=jax.ShapeDtypeStruct((NC, NPAD, D), jnp.float32),
    mesh=_mesh,
    scratch_types=list(_SEG_SCRATCH),
)(_seg_body)


DW = D


def _segdeg_body(x_hbm, src_hbm, dst_hbm, zeros_hbm, ones_hbm, degp, parts,
                 acc_sh, src_v, dst_v, rows_a, rows_b, ga, gb, sa, sb):
    c = lax.axis_index("c")
    s = lax.axis_index("s")
    wid = c * NS + s
    r0 = s * RPT

    pltpu.sync_copy(zeros_hbm, acc_sh.at[pl.ds(r0, RPT)])
    pltpu.sync_copy(ones_hbm, rows_a)
    plsc.subcore_barrier()

    for p in range(NST):
        base = wid * NCH + p * STG
        pltpu.sync_copy(dst_hbm.at[pl.ds(base, STG)], dst_v)

        def group(g, carry):
            for t in range(8):
                pltpu.async_copy(
                    rows_a, acc_sh.at[dst_v.at[g * 8 + t]], sa, add=True)
            for t in range(8):
                pltpu.make_async_copy(rows_a, acc_sh.at[dst_v.at[0]], sa).wait()
            return carry

        lax.fori_loop(0, STG // 8, group, 0)

    plsc.subcore_barrier()
    pltpu.sync_copy(acc_sh.at[pl.ds(r0, RPT)], degp.at[c, pl.ds(r0, RPT)])
    plsc.subcore_barrier()
    pltpu.sync_copy(zeros_hbm, acc_sh.at[pl.ds(r0, RPT)])
    plsc.subcore_barrier()
    _seg_core(x_hbm, src_hbm, dst_hbm, parts,
              acc_sh, src_v, dst_v, rows_a, rows_b, ga, gb, sa, sb,
              c, s, wid, r0)


_sc_segdeg = functools.partial(
    pl.kernel,
    out_type=[
        jax.ShapeDtypeStruct((NC, NPAD, DW), jnp.float32),
        jax.ShapeDtypeStruct((NC, NPAD, D), jnp.float32),
    ],
    mesh=_mesh,
    scratch_types=list(_SEG_SCRATCH),
)(_segdeg_body)


def _tc_body(relu, parts_ref, degp_ref, h_ref, wlT_ref, wrT_ref, b_ref, out_ref):
    ssum = parts_ref[0] + parts_ref[1]
    deg = degp_ref[0, :, 0:1] + degp_ref[1, :, 0:1]
    agg = ssum / jnp.maximum(deg, 1.0)
    out = jnp.dot(agg, wlT_ref[...], preferred_element_type=jnp.float32)
    out = out + jnp.dot(h_ref[...], wrT_ref[...], preferred_element_type=jnp.float32)
    out = out + b_ref[...]
    if relu:
        out = jnp.maximum(out, 0.0)
    out_ref[...] = out


_BN = 2000


def _tc_layer(parts, degp, h, wlT, wrT, b, relu):
    grid = (N // _BN,)
    return pl.pallas_call(
        functools.partial(_tc_body, relu),
        grid=grid,
        in_specs=[
            pl.BlockSpec((NC, _BN, D), lambda i: (0, i, 0)),
            pl.BlockSpec((NC, _BN, DW), lambda i: (0, i, 0)),
            pl.BlockSpec((_BN, D), lambda i: (i, 0)),
            pl.BlockSpec((D, D), lambda i: (0, 0)),
            pl.BlockSpec((D, D), lambda i: (0, 0)),
            pl.BlockSpec((1, D), lambda i: (0, 0)),
        ],
        out_specs=pl.BlockSpec((_BN, D), lambda i: (i, 0)),
        out_shape=jax.ShapeDtypeStruct((N, D), jnp.float32),
    )(parts, degp, h, wlT, wrT, b)


def kernel(x, edge_index, Wl1, bl1, Wr1, Wl2, bl2, Wr2, Wl3, bl3, Wr3,
           g1, be1, g2, be2):
    src = edge_index[0].astype(jnp.int32).reshape(NW * NCH, K)
    dst = edge_index[1].astype(jnp.int32).reshape(NW * NCH, K)
    zeros = jnp.zeros((RPT, D), jnp.float32)
    ones = jnp.ones((K, D), jnp.float32)

    gs1 = g1 / jnp.sqrt(1.0 + EPS)
    gs2 = g2 / jnp.sqrt(1.0 + EPS)
    wlT1 = Wl1.T * gs1[None, :]
    wrT1 = Wr1.T * gs1[None, :]
    b1 = (bl1 * gs1 + be1)[None, :]
    wlT2 = Wl2.T * gs2[None, :]
    wrT2 = Wr2.T * gs2[None, :]
    b2 = (bl2 * gs2 + be2)[None, :]
    wlT3 = Wl3.T
    wrT3 = Wr3.T
    b3 = bl3[None, :]

    degp, parts = _sc_segdeg(x, src, dst, zeros, ones)
    h = _tc_layer(parts, degp, x, wlT1, wrT1, b1, True)
    parts = _sc_seg(h, src, dst, zeros)
    h = _tc_layer(parts, degp, h, wlT2, wrT2, b2, True)
    parts = _sc_seg(h, src, dst, zeros)
    h = _tc_layer(parts, degp, h, wlT3, wrT3, b3, False)
    return h

# --- scband reference (transcript-rebuilt; emitter-appended) ---
"""Pipeline reference for scband-sage-79310866088057 (READ-ONLY COPY).

The authoritative reference and input builder live on the scoring server;
editing this copy changes nothing except your own understanding.
"""

import jax, jax.numpy as jnp
import numpy as np

EPS = 1e-5

def _sage_conv(x, src, dst, Wl, bl, Wr):
    # PyG SAGEConv (aggr='mean'): out = lin_l(mean_j x_j) + lin_r(x_i); lin_r has no bias
    N = x.shape[0]
    msg = jnp.take(x, src, axis=0)
    s = jax.ops.segment_sum(msg, dst, num_segments=N)
    deg = jax.ops.segment_sum(jnp.ones((dst.shape[0],), jnp.float32), dst, num_segments=N)
    agg = s / jnp.clip(deg, 1.0)[:, None]
    return agg @ Wl.T + bl + x @ Wr.T

def _bn_eval(x, g, b):
    # BatchNorm1d in eval mode with fresh buffers: running_mean=0, running_var=1
    return x / jnp.sqrt(1.0 + EPS) * g + b

def setup_inputs(seed: int = 0) -> dict:
    key = jax.random.key(seed)
    ks = jax.random.split(key, 16)
    N, E, D = 10000, 320000, 128
    x = jax.random.normal(ks[0], (N, D), dtype=jnp.float32)
    edge_index = jax.random.randint(ks[1], (2, E), 0, N, dtype=jnp.int64)
    sc = 1.0 / np.sqrt(D)
    inp = {"x": x, "edge_index": edge_index}
    for i in range(3):
        inp[f"Wl{i+1}"] = jax.random.normal(ks[2 + 3 * i], (D, D), dtype=jnp.float32) * sc
        inp[f"bl{i+1}"] = jnp.zeros((D,), dtype=jnp.float32)
        inp[f"Wr{i+1}"] = jax.random.normal(ks[3 + 3 * i], (D, D), dtype=jnp.float32) * sc
    for i in range(2):
        inp[f"g{i+1}"] = jnp.ones((D,), dtype=jnp.float32)
        inp[f"be{i+1}"] = jnp.zeros((D,), dtype=jnp.float32)
    return inp

def reference(x, edge_index, Wl1, bl1, Wr1, Wl2, bl2, Wr2, Wl3, bl3, Wr3, g1, be1, g2, be2):
    src = edge_index[0].astype(jnp.int32)
    dst = edge_index[1].astype(jnp.int32)
    h = _sage_conv(x, src, dst, Wl1, bl1, Wr1)
    h = _bn_eval(h, g1, be1)
    h = jax.nn.relu(h)  # dropout p=0.0 in eval -> identity
    h = _sage_conv(h, src, dst, Wl2, bl2, Wr2)
    h = _bn_eval(h, g2, be2)
    h = jax.nn.relu(h)
    h = _sage_conv(h, src, dst, Wl3, bl3, Wr3)
    return h

if __name__ == "__main__":
    import jax
    _d = setup_inputs()
    print(jax.jit(kernel)(*tuple(_d.values())))

</pallas_src>

<mosaic_0001>
#map = affine_map<(d0, d1) -> (0, 0)>
#map1 = affine_map<(d0, d1) -> (0, 0, 0)>
module attributes {stable_mosaic.version = 14 : i64} {
  func.func @_seg_body(%arg0: i32, %arg1: i32, %arg2: memref<10000x128xf32, #tpu.memory_space<hbm>>, %arg3: memref<2560x125xi32, #tpu.memory_space<hbm>>, %arg4: memref<2560x125xi32, #tpu.memory_space<hbm>>, %arg5: memref<640x128xf32, #tpu.memory_space<hbm>>, %arg6: memref<2x10240x128xf32, #tpu.memory_space<hbm>>, %arg7: memref<10240x128xf32, #tpu.memory_space<vmem_shared>>, %arg8: memref<40x125xi32, #tpu.memory_space<vmem>>, %arg9: memref<40x125xi32, #tpu.memory_space<vmem>>, %arg10: memref<125x128xf32, #tpu.memory_space<vmem>>, %arg11: memref<125x128xf32, #tpu.memory_space<vmem>>, %arg12: memref<!tpu.dma_semaphore, #tpu.memory_space<semaphore_mem>>, %arg13: memref<!tpu.dma_semaphore, #tpu.memory_space<semaphore_mem>>, %arg14: memref<!tpu.dma_semaphore, #tpu.memory_space<semaphore_mem>>, %arg15: memref<!tpu.dma_semaphore, #tpu.memory_space<semaphore_mem>>) attributes {dimension_semantics = [#tpu.dimension_semantics<core_parallel>, #tpu.dimension_semantics<subcore_parallel>], iteration_bounds = array<i64: 2, 16>, scalar_prefetch = 0 : i64, scratch_operands = 9 : i64, tpu.core_type = #tpu.core_type<sc_vector_subcore>, window_params = [{transform_indices = #map}, {transform_indices = #map}, {transform_indices = #map}, {transform_indices = #map}, {transform_indices = #map1}]} {
    %mul3A = arith.constant 16 : i32
    %mul3A_0 = arith.muli %arg0, %mul3A : i32
    %add3A = arith.addi %mul3A_0, %arg1 : i32
    %mul3A_1 = arith.constant 640 : i32
    %mul3A_2 = arith.muli %arg1, %mul3A_1 : i32
    "tpu.region"() ({
      %run_scoped3A = tpu.sem_alloc : memref<!tpu.dma_semaphore, #tpu.memory_space<semaphore_mem>>
      %dma_start3A_63 = arith.constant 0 : i32
      %dma_start3A_64 = tpu.memref_slice %arg7[%mul3A_2, %dma_start3A_63] : memref<10240x128xf32, #tpu.memory_space<vmem_shared>> -> memref<640x128xf32, #tpu.memory_space<vmem_shared>>
      tpu.enqueue_dma source(%arg5 : memref<640x128xf32, #tpu.memory_space<hbm>>) target(%dma_start3A_64 : memref<640x128xf32, #tpu.memory_space<vmem_shared>>) target_semaphore(%run_scoped3A : memref<!tpu.dma_semaphore, #tpu.memory_space<semaphore_mem>>)
      %dma_wait3A_65 = arith.constant 0 : i32
      %dma_wait3A_66 = tpu.memref_slice %arg7[%mul3A_2, %dma_wait3A_65] : memref<10240x128xf32, #tpu.memory_space<vmem_shared>> -> memref<640x128xf32, #tpu.memory_space<vmem_shared>>
      tpu.wait_dma2 semaphore(%run_scoped3A : memref<!tpu.dma_semaphore, #tpu.memory_space<semaphore_mem>>) src(%arg5 : memref<640x128xf32, #tpu.memory_space<hbm>>) dst(%dma_wait3A_66 : memref<640x128xf32, #tpu.memory_space<vmem_shared>>)
      tpu.yield
    }) : () -> ()
    %barrier3A = arith.constant 0 : index
    tpu.barrier barrier_id(%barrier3A)
    %mul3A_3 = arith.constant 80 : i32
    %mul3A_4 = arith.muli %add3A, %mul3A_3 : i32
    %add3A_5 = arith.constant 0 : i32
    %add3A_6 = arith.addi %mul3A_4, %add3A_5 : i32
    "tpu.region"() ({
      %run_scoped3A = tpu.sem_alloc : memref<!tpu.dma_semaphore, #tpu.memory_space<semaphore_mem>>
      %dma_start3A_63 = arith.constant 0 : i32
      %dma_start3A_64 = tpu.memref_slice %arg3[%add3A_6, %dma_start3A_63] : memref<2560x125xi32, #tpu.memory_space<hbm>> -> memref<40x125xi32, #tpu.memory_space<hbm>>
      %dma_start3A_65 = arith.constant 0 : i32
      %dma_start3A_66 = tpu.memref_slice %arg3[%add3A_6, %dma_start3A_65] : memref<2560x125xi32, #tpu.memory_space<hbm>> -> memref<40x125xi32, #tpu.memory_space<hbm>>
      tpu.enqueue_dma source(%dma_start3A_66 : memref<40x125xi32, #tpu.memory_space<hbm>>) target(%arg8 : memref<40x125xi32, #tpu.memory_space<vmem>>) target_semaphore(%run_scoped3A : memref<!tpu.dma_semaphore, #tpu.memory_space<semaphore_mem>>)
      %dma_wait3A_67 = arith.constant 0 : i32
      %dma_wait3A_68 = tpu.memref_slice %arg3[%add3A_6, %dma_wait3A_67] : memref<2560x125xi32, #tpu.memory_space<hbm>> -> memref<40x125xi32, #tpu.memory_space<hbm>>
      %dma_wait3A_69 = arith.constant 0 : i32
      %dma_wait3A_70 = tpu.memref_slice %arg3[%add3A_6, %dma_wait3A_69] : memref<2560x125xi32, #tpu.memory_space<hbm>> -> memref<40x125xi32, #tpu.memory_space<hbm>>
      tpu.wait_dma2 semaphore(%run_scoped3A : memref<!tpu.dma_semaphore, #tpu.memory_space<semaphore_mem>>) src(%dma_wait3A_70 : memref<40x125xi32, #tpu.memory_space<hbm>>) dst(%arg8 : memref<40x125xi32, #tpu.memory_space<vmem>>)
      tpu.yield
    }) : () -> ()
    "tpu.region"() ({
      %run_scoped3A = tpu.sem_alloc : memref<!tpu.dma_semaphore, #tpu.memory_space<semaphore_mem>>
      %dma_start3A_63 = arith.constant 0 : i32
      %dma_start3A_64 = tpu.memref_slice %arg4[%add3A_6, %dma_start3A_63] : memref<2560x125xi32, #tpu.memory_space<hbm>> -> memref<40x125xi32, #tpu.memory_space<hbm>>
      %dma_start3A_65 = arith.constant 0 : i32
      %dma_start3A_66 = tpu.memref_slice %arg4[%add3A_6, %dma_start3A_65] : memref<2560x125xi32, #tpu.memory_space<hbm>> -> memref<40x125xi32, #tpu.memory_space<hbm>>
      tpu.enqueue_dma source(%dma_start3A_66 : memref<40x125xi32, #tpu.memory_space<hbm>>) target(%arg9 : memref<40x125xi32, #tpu.memory_space<vmem>>) target_semaphore(%run_scoped3A : memref<!tpu.dma_semaphore, #tpu.memory_space<semaphore_mem>>)
      %dma_wait3A_67 = arith.constant 0 : i32
      %dma_wait3A_68 = tpu.memref_slice %arg4[%add3A_6, %dma_wait3A_67] : memref<2560x125xi32, #tpu.memory_space<hbm>> -> memref<40x125xi32, #tpu.memory_space<hbm>>
      %dma_wait3A_69 = arith.constant 0 : i32
      %dma_wait3A_70 = tpu.memref_slice %arg4[%add3A_6, %dma_wait3A_69] : memref<2560x125xi32, #tpu.memory_space<hbm>> -> memref<40x125xi32, #tpu.memory_space<hbm>>
      tpu.wait_dma2 semaphore(%run_scoped3A : memref<!tpu.dma_semaphore, #tpu.memory_space<semaphore_mem>>) src(%dma_wait3A_70 : memref<40x125xi32, #tpu.memory_space<hbm>>) dst(%arg9 : memref<40x125xi32, #tpu.memory_space<vmem>>)
      tpu.yield
    }) : () -> ()
    %dma_start3A = arith.constant 0 : i32
    %dma_start3A_7 = arith.constant 0 : i32
    %dma_start3A_8 = tpu.memref_slice %arg8[%dma_start3A, %dma_start3A_7] : memref<40x125xi32, #tpu.memory_space<vmem>> -> memref<1x125xi32, #tpu.memory_space<vmem>>
    %dma_start3A_9 = tpu.memref_squeeze %dma_start3A_8 : memref<1x125xi32, #tpu.memory_space<vmem>> -> memref<125xi32, #tpu.memory_space<vmem>>
    %dma_start3A_10 = arith.constant 0 : i32
    %dma_start3A_11 = arith.constant 0 : i32
    %dma_start3A_12 = tpu.memref_slice %arg2[%dma_start3A_10, %dma_start3A_11] : memref<10000x128xf32, #tpu.memory_space<hbm>> -> memref<10000x128xf32, #tpu.memory_space<hbm>>
    tpu.enqueue_indirect_dma source(%dma_start3A_12 : memref<10000x128xf32, #tpu.memory_space<hbm>>) target(%arg10 : memref<125x128xf32, #tpu.memory_space<vmem>>) offsets(%dma_start3A_9 : memref<125xi32, #tpu.memory_space<vmem>>) semaphore(%arg12 : memref<!tpu.dma_semaphore, #tpu.memory_space<semaphore_mem>>)
    %scan3A = arith.constant 0 : i32
    %scan3A_13 = arith.constant 0 : i32
    %scan3A_14 = arith.constant 40 : i32
    %scan3A_15 = arith.addi %scan3A_13, %scan3A_14 : i32
    %scan3A_16 = arith.constant 1 : i32
    scf.for %scan3A_63 = %scan3A_13 to %scan3A_15 step %scan3A_16  : i32 {
      %add3A_64 = arith.constant 1 : i32
      %add3A_65 = arith.addi %scan3A_63, %add3A_64 : i32
      %jit3A = arith.constant 2 : i32
      %eq3A = arith.constant 0 : i32
      %eq3A_66 = arith.cmpi eq, %jit3A, %eq3A : i32
      %jit3A_67 = arith.constant 1 : i32
      %select_n3A = arith.select %eq3A_66, %jit3A_67, %jit3A : i32
      %rem3A = arith.remsi %scan3A_63, %select_n3A : i32
      %ne3A = arith.constant 0 : i32
      %ne3A_68 = arith.cmpi ne, %rem3A, %ne3A : i32
      %lt3A = arith.constant 0 : i32
      %lt3A_69 = arith.cmpi slt, %rem3A, %lt3A : i32
      %lt3A_70 = arith.constant 0 : i32
      %lt3A_71 = arith.cmpi slt, %select_n3A, %lt3A_70 : i32
      %ne3A_72 = arith.xori %lt3A_69, %lt3A_71 : i1
      %and3A = arith.andi %ne3A_72, %ne3A_68 : i1
      %add3A_73 = arith.addi %rem3A, %select_n3A : i32
      %select_n3A_74 = arith.select %and3A, %add3A_73, %rem3A : i32
      %eq3A_75 = arith.constant 0 : i32
      %eq3A_76 = arith.cmpi eq, %select_n3A_74, %eq3A_75 : i32
      %convert_element_type3A = arith.extui %eq3A_76 : i1 to i32
      %cond3A = arith.constant 0 : i32
      %cond3A_77 = arith.cmpi ne, %convert_element_type3A, %cond3A : i32
      scf.if %cond3A_77 {
        %lt3A_99 = arith.constant 40 : i32
        %lt3A_100 = arith.cmpi slt, %add3A_65, %lt3A_99 : i32
        %convert_element_type3A_101 = arith.extui %lt3A_100 : i1 to i32
        %cond3A_102 = arith.constant 0 : i32
        %cond3A_103 = arith.cmpi ne, %convert_element_type3A_101, %cond3A_102 : i32
        scf.if %cond3A_103 {
          %ge3A = arith.constant 2 : i32
          %ge3A_116 = arith.cmpi sge, %scan3A_63, %ge3A : i32
          %convert_element_type3A_117 = arith.extui %ge3A_116 : i1 to i32
          %cond3A_118 = arith.constant 0 : i32
          %cond3A_119 = arith.cmpi ne, %convert_element_type3A_117, %cond3A_118 : i32
          scf.if %cond3A_119 {
            %dma_wait3A_126 = arith.constant 0 : i32
            %dma_wait3A_127 = tpu.memref_slice %arg9[%scan3A_63, %dma_wait3A_126] : memref<40x125xi32, #tpu.memory_space<vmem>> -> memref<1x125xi32, #tpu.memory_space<vmem>>
            %dma_wait3A_128 = tpu.memref_squeeze %dma_wait3A_127 : memref<1x125xi32, #tpu.memory_space<vmem>> -> memref<125xi32, #tpu.memory_space<vmem>>
            %dma_wait3A_129 = arith.constant 0 : i32
            %dma_wait3A_130 = arith.constant 0 : i32
            %dma_wait3A_131 = tpu.memref_slice %arg7[%dma_wait3A_129, %dma_wait3A_130] : memref<10240x128xf32, #tpu.memory_space<vmem_shared>> -> memref<10240x128xf32, #tpu.memory_space<vmem_shared>>
            tpu.wait_indirect_dma semaphore(%arg15 : memref<!tpu.dma_semaphore, #tpu.memory_space<semaphore_mem>>) src(%arg11 : memref<125x128xf32, #tpu.memory_space<vmem>>) dst(%dma_wait3A_131 : memref<10240x128xf32, #tpu.memory_space<vmem_shared>>)
          } else {
          }
          %dma_start3A_120 = arith.constant 0 : i32
          %dma_start3A_121 = tpu.memref_slice %arg8[%add3A_65, %dma_start3A_120] : memref<40x125xi32, #tpu.memory_space<vmem>> -> memref<1x125xi32, #tpu.memory_space<vmem>>
          %dma_start3A_122 = tpu.memref_squeeze %dma_start3A_121 : memref<1x125xi32, #tpu.memory_space<vmem>> -> memref<125xi32, #tpu.memory_space<vmem>>
          %dma_start3A_123 = arith.constant 0 : i32
          %dma_start3A_124 = arith.constant 0 : i32
          %dma_start3A_125 = tpu.memref_slice %arg2[%dma_start3A_123, %dma_start3A_124] : memref<10000x128xf32, #tpu.memory_space<hbm>> -> memref<10000x128xf32, #tpu.memory_space<hbm>>
          tpu.enqueue_indirect_dma source(%dma_start3A_125 : memref<10000x128xf32, #tpu.memory_space<hbm>>) target(%arg11 : memref<125x128xf32, #tpu.memory_space<vmem>>) offsets(%dma_start3A_122 : memref<125xi32, #tpu.memory_space<vmem>>) semaphore(%arg13 : memref<!tpu.dma_semaphore, #tpu.memory_space<semaphore_mem>>)
        } else {
        }
        %dma_wait3A_104 = arith.constant 0 : i32
        %dma_wait3A_105 = tpu.memref_slice %arg8[%scan3A_63, %dma_wait3A_104] : memref<40x125xi32, #tpu.memory_space<vmem>> -> memref<1x125xi32, #tpu.memory_space<vmem>>
        %dma_wait3A_106 = tpu.memref_squeeze %dma_wait3A_105 : memref<1x125xi32, #tpu.memory_space<vmem>> -> memref<125xi32, #tpu.memory_space<vmem>>
        %dma_wait3A_107 = arith.constant 0 : i32
        %dma_wait3A_108 = arith.constant 0 : i32
        %dma_wait3A_109 = tpu.memref_slice %arg2[%dma_wait3A_107, %dma_wait3A_108] : memref<10000x128xf32, #tpu.memory_space<hbm>> -> memref<10000x128xf32, #tpu.memory_space<hbm>>
        tpu.wait_indirect_dma semaphore(%arg12 : memref<!tpu.dma_semaphore, #tpu.memory_space<semaphore_mem>>) src(%dma_wait3A_109 : memref<10000x128xf32, #tpu.memory_space<hbm>>) dst(%arg10 : memref<125x128xf32, #tpu.memory_space<vmem>>)
        %dma_start3A_110 = arith.constant 0 : i32
        %dma_start3A_111 = tpu.memref_slice %arg9[%scan3A_63, %dma_start3A_110] : memref<40x125xi32, #tpu.memory_space<vmem>> -> memref<1x125xi32, #tpu.memory_space<vmem>>
        %dma_start3A_112 = tpu.memref_squeeze %dma_start3A_111 : memref<1x125xi32, #tpu.memory_space<vmem>> -> memref<125xi32, #tpu.memory_space<vmem>>
        %dma_start3A_113 = arith.constant 0 : i32
        %dma_start3A_114 = arith.constant 0 : i32
        %dma_start3A_115 = tpu.memref_slice %arg7[%dma_start3A_113, %dma_start3A_114] : memref<10240x128xf32, #tpu.memory_space<vmem_shared>> -> memref<10240x128xf32, #tpu.memory_space<vmem_shared>>
        tpu.enqueue_indirect_dma source(%arg10 : memref<125x128xf32, #tpu.memory_space<vmem>>) target(%dma_start3A_115 : memref<10240x128xf32, #tpu.memory_space<vmem_shared>>) offsets(%dma_start3A_112 : memref<125xi32, #tpu.memory_space<vmem>>) semaphore(%arg14 : memref<!tpu.dma_semaphore, #tpu.memory_space<semaphore_mem>>) {add = true}
      } else {
      }
      %jit3A_78 = arith.constant 2 : i32
      %eq3A_79 = arith.constant 0 : i32
      %eq3A_80 = arith.cmpi eq, %jit3A_78, %eq3A_79 : i32
      %jit3A_81 = arith.constant 1 : i32
      %select_n3A_82 = arith.select %eq3A_80, %jit3A_81, %jit3A_78 : i32
      %rem3A_83 = arith.remsi %scan3A_63, %select_n3A_82 : i32
      %ne3A_84 = arith.constant 0 : i32
      %ne3A_85 = arith.cmpi ne, %rem3A_83, %ne3A_84 : i32
      %lt3A_86 = arith.constant 0 : i32
      %lt3A_87 = arith.cmpi slt, %rem3A_83, %lt3A_86 : i32
      %lt3A_88 = arith.constant 0 : i32
      %lt3A_89 = arith.cmpi slt, %select_n3A_82, %lt3A_88 : i32
      %ne3A_90 = arith.xori %lt3A_87, %lt3A_89 : i1
      %and3A_91 = arith.andi %ne3A_90, %ne3A_85 : i1
      %add3A_92 = arith.addi %rem3A_83, %select_n3A_82 : i32
      %select_n3A_93 = arith.select %and3A_91, %add3A_92, %rem3A_83 : i32
      %eq3A_94 = arith.constant 1 : i32
      %eq3A_95 = arith.cmpi eq, %select_n3A_93, %eq3A_94 : i32
      %convert_element_type3A_96 = arith.extui %eq3A_95 : i1 to i32
      %cond3A_97 = arith.constant 0 : i32
      %cond3A_98 = arith.cmpi ne, %convert_element_type3A_96, %cond3A_97 : i32
      scf.if %cond3A_98 {
        %lt3A_99 = arith.constant 40 : i32
        %lt3A_100 = arith.cmpi slt, %add3A_65, %lt3A_99 : i32
        %convert_element_type3A_101 = arith.extui %lt3A_100 : i1 to i32
        %cond3A_102 = arith.constant 0 : i32
        %cond3A_103 = arith.cmpi ne, %convert_element_type3A_101, %cond3A_102 : i32
        scf.if %cond3A_103 {
          %dma_wait3A_116 = arith.constant 0 : i32
          %dma_wait3A_117 = tpu.memref_slice %arg9[%scan3A_63, %dma_wait3A_116] : memref<40x125xi32, #tpu.memory_space<vmem>> -> memref<1x125xi32, #tpu.memory_space<vmem>>
          %dma_wait3A_118 = tpu.memref_squeeze %dma_wait3A_117 : memref<1x125xi32, #tpu.memory_space<vmem>> -> memref<125xi32, #tpu.memory_space<vmem>>
          %dma_wait3A_119 = arith.constant 0 : i32
          %dma_wait3A_120 = arith.constant 0 : i32
          %dma_wait3A_121 = tpu.memref_slice %arg7[%dma_wait3A_119, %dma_wait3A_120] : memref<10240x128xf32, #tpu.memory_space<vmem_shared>> -> memref<10240x128xf32, #tpu.memory_space<vmem_shared>>
          tpu.wait_indirect_dma semaphore(%arg14 : memref<!tpu.dma_semaphore, #tpu.memory_space<semaphore_mem>>) src(%arg10 : memref<125x128xf32, #tpu.memory_space<vmem>>) dst(%dma_wait3A_121 : memref<10240x128xf32, #tpu.memory_space<vmem_shared>>)
          %dma_start3A_122 = arith.constant 0 : i32
          %dma_start3A_123 = tpu.memref_slice %arg8[%add3A_65, %dma_start3A_122] : memref<40x125xi32, #tpu.memory_space<vmem>> -> memref<1x125xi32, #tpu.memory_space<vmem>>
          %dma_start3A_124 = tpu.memref_squeeze %dma_start3A_123 : memref<1x125xi32, #tpu.memory_space<vmem>> -> memref<125xi32, #tpu.memory_space<vmem>>
          %dma_start3A_125 = arith.constant 0 : i32
          %dma_start3A_126 = arith.constant 0 : i32
          %dma_start3A_127 = tpu.memref_slice %arg2[%dma_start3A_125, %dma_start3A_126] : memref<10000x128xf32, #tpu.memory_space<hbm>> -> memref<10000x128xf32, #tpu.memory_space<hbm>>
          tpu.enqueue_indirect_dma source(%dma_start3A_127 : memref<10000x128xf32, #tpu.memory_space<hbm>>) target(%arg10 : memref<125x128xf32, #tpu.memory_space<vmem>>) offsets(%dma_start3A_124 : memref<125xi32, #tpu.memory_space<vmem>>) semaphore(%arg12 : memref<!tpu.dma_semaphore, #tpu.memory_space<semaphore_mem>>)
        } else {
        }
        %dma_wait3A_104 = arith.constant 0 : i32
        %dma_wait3A_105 = tpu.memref_slice %arg8[%scan3A_63, %dma_wait3A_104] : memref<40x125xi32, #tpu.memory_space<vmem>> -> memref<1x125xi32, #tpu.memory_space<vmem>>
        %dma_wait3A_106 = tpu.memref_squeeze %dma_wait3A_105 : memref<1x125xi32, #tpu.memory_space<vmem>> -> memref<125xi32, #tpu.memory_space<vmem>>
        %dma_wait3A_107 = arith.constant 0 : i32
        %dma_wait3A_108 = arith.constant 0 : i32
        %dma_wait3A_109 = tpu.memref_slice %arg2[%dma_wait3A_107, %dma_wait3A_108] : memref<10000x128xf32, #tpu.memory_space<hbm>> -> memref<10000x128xf32, #tpu.memory_space<hbm>>
        tpu.wait_indirect_dma semaphore(%arg13 : memref<!tpu.dma_semaphore, #tpu.memory_space<semaphore_mem>>) src(%dma_wait3A_109 : memref<10000x128xf32, #tpu.memory_space<hbm>>) dst(%arg11 : memref<125x128xf32, #tpu.memory_space<vmem>>)
        %dma_start3A_110 = arith.constant 0 : i32
        %dma_start3A_111 = tpu.memref_slice %arg9[%scan3A_63, %dma_start3A_110] : memref<40x125xi32, #tpu.memory_space<vmem>> -> memref<1x125xi32, #tpu.memory_space<vmem>>
        %dma_start3A_112 = tpu.memref_squeeze %dma_start3A_111 : memref<1x125xi32, #tpu.memory_space<vmem>> -> memref<125xi32, #tpu.memory_space<vmem>>
        %dma_start3A_113 = arith.constant 0 : i32
        %dma_start3A_114 = arith.constant 0 : i32
        %dma_start3A_115 = tpu.memref_slice %arg7[%dma_start3A_113, %dma_start3A_114] : memref<10240x128xf32, #tpu.memory_space<vmem_shared>> -> memref<10240x128xf32, #tpu.memory_space<vmem_shared>>
        tpu.enqueue_indirect_dma source(%arg11 : memref<125x128xf32, #tpu.memory_space<vmem>>) target(%dma_start3A_115 : memref<10240x128xf32, #tpu.memory_space<vmem_shared>>) offsets(%dma_start3A_112 : memref<125xi32, #tpu.memory_space<vmem>>) semaphore(%arg15 : memref<!tpu.dma_semaphore, #tpu.memory_space<semaphore_mem>>) {add = true}
      } else {
      }
    }
    %scan3A_17 = arith.constant 40 : i32
    %dma_wait3A = arith.constant 0 : i32
    %dma_wait3A_18 = arith.constant 0 : i32
    %dma_wait3A_19 = tpu.memref_slice %arg9[%dma_wait3A, %dma_wait3A_18] : memref<40x125xi32, #tpu.memory_space<vmem>> -> memref<1x125xi32, #tpu.memory_space<vmem>>
    %dma_wait3A_20 = tpu.memref_squeeze %dma_wait3A_19 : memref<1x125xi32, #tpu.memory_space<vmem>> -> memref<125xi32, #tpu.memory_space<vmem>>
    %dma_wait3A_21 = arith.constant 0 : i32
    %dma_wait3A_22 = arith.constant 0 : i32
    %dma_wait3A_23 = tpu.memref_slice %arg7[%dma_wait3A_21, %dma_wait3A_22] : memref<10240x128xf32, #tpu.memory_space<vmem_shared>> -> memref<10240x128xf32, #tpu.memory_space<vmem_shared>>
    tpu.wait_indirect_dma semaphore(%arg14 : memref<!tpu.dma_semaphore, #tpu.memory_space<semaphore_mem>>) src(%arg10 : memref<125x128xf32, #tpu.memory_space<vmem>>) dst(%dma_wait3A_23 : memref<10240x128xf32, #tpu.memory_space<vmem_shared>>)
    %dma_wait3A_24 = arith.constant 0 : i32
    %dma_wait3A_25 = arith.constant 0 : i32
    %dma_wait3A_26 = tpu.memref_slice %arg9[%dma_wait3A_24, %dma_wait3A_25] : memref<40x125xi32, #tpu.memory_space<vmem>> -> memref<1x125xi32, #tpu.memory_space<vmem>>
    %dma_wait3A_27 = tpu.memref_squeeze %dma_wait3A_26 : memref<1x125xi32, #tpu.memory_space<vmem>> -> memref<125xi32, #tpu.memory_space<vmem>>
    %dma_wait3A_28 = arith.constant 0 : i32
    %dma_wait3A_29 = arith.constant 0 : i32
    %dma_wait3A_30 = tpu.memref_slice %arg7[%dma_wait3A_28, %dma_wait3A_29] : memref<10240x128xf32, #tpu.memory_space<vmem_shared>> -> memref<10240x128xf32, #tpu.memory_space<vmem_shared>>
    tpu.wait_indirect_dma semaphore(%arg15 : memref<!tpu.dma_semaphore, #tpu.memory_space<semaphore_mem>>) src(%arg11 : memref<125x128xf32, #tpu.memory_space<vmem>>) dst(%dma_wait3A_30 : memref<10240x128xf32, #tpu.memory_space<vmem_shared>>)
    %mul3A_31 = arith.constant 80 : i32
    %mul3A_32 = arith.muli %add3A, %mul3A_31 : i32
    %add3A_33 = arith.constant 40 : i32
    %add3A_34 = arith.addi %mul3A_32, %add3A_33 : i32
    "tpu.region"() ({
      %run_scoped3A = tpu.sem_alloc : memref<!tpu.dma_semaphore, #tpu.memory_space<semaphore_mem>>
      %dma_start3A_63 = arith.constant 0 : i32
      %dma_start3A_64 = tpu.memref_slice %arg3[%add3A_34, %dma_start3A_63] : memref<2560x125xi32, #tpu.memory_space<hbm>> -> memref<40x125xi32, #tpu.memory_space<hbm>>
      %dma_start3A_65 = arith.constant 0 : i32
      %dma_start3A_66 = tpu.memref_slice %arg3[%add3A_34, %dma_start3A_65] : memref<2560x125xi32, #tpu.memory_space<hbm>> -> memref<40x125xi32, #tpu.memory_space<hbm>>
      tpu.enqueue_dma source(%dma_start3A_66 : memref<40x125xi32, #tpu.memory_space<hbm>>) target(%arg8 : memref<40x125xi32, #tpu.memory_space<vmem>>) target_semaphore(%run_scoped3A : memref<!tpu.dma_semaphore, #tpu.memory_space<semaphore_mem>>)
      %dma_wait3A_67 = arith.constant 0 : i32
      %dma_wait3A_68 = tpu.memref_slice %arg3[%add3A_34, %dma_wait3A_67] : memref<2560x125xi32, #tpu.memory_space<hbm>> -> memref<40x125xi32, #tpu.memory_space<hbm>>
      %dma_wait3A_69 = arith.constant 0 : i32
      %dma_wait3A_70 = tpu.memref_slice %arg3[%add3A_34, %dma_wait3A_69] : memref<2560x125xi32, #tpu.memory_space<hbm>> -> memref<40x125xi32, #tpu.memory_space<hbm>>
      tpu.wait_dma2 semaphore(%run_scoped3A : memref<!tpu.dma_semaphore, #tpu.memory_space<semaphore_mem>>) src(%dma_wait3A_70 : memref<40x125xi32, #tpu.memory_space<hbm>>) dst(%arg8 : memref<40x125xi32, #tpu.memory_space<vmem>>)
      tpu.yield
    }) : () -> ()
    "tpu.region"() ({
      %run_scoped3A = tpu.sem_alloc : memref<!tpu.dma_semaphore, #tpu.memory_space<semaphore_mem>>
      %dma_start3A_63 = arith.constant 0 : i32
      %dma_start3A_64 = tpu.memref_slice %arg4[%add3A_34, %dma_start3A_63] : memref<2560x125xi32, #tpu.memory_space<hbm>> -> memref<40x125xi32, #tpu.memory_space<hbm>>
      %dma_start3A_65 = arith.constant 0 : i32
      %dma_start3A_66 = tpu.memref_slice %arg4[%add3A_34, %dma_start3A_65] : memref<2560x125xi32, #tpu.memory_space<hbm>> -> memref<40x125xi32, #tpu.memory_space<hbm>>
      tpu.enqueue_dma source(%dma_start3A_66 : memref<40x125xi32, #tpu.memory_space<hbm>>) target(%arg9 : memref<40x125xi32, #tpu.memory_space<vmem>>) target_semaphore(%run_scoped3A : memref<!tpu.dma_semaphore, #tpu.memory_space<semaphore_mem>>)
      %dma_wait3A_67 = arith.constant 0 : i32
      %dma_wait3A_68 = tpu.memref_slice %arg4[%add3A_34, %dma_wait3A_67] : memref<2560x125xi32, #tpu.memory_space<hbm>> -> memref<40x125xi32, #tpu.memory_space<hbm>>
      %dma_wait3A_69 = arith.constant 0 : i32
      %dma_wait3A_70 = tpu.memref_slice %arg4[%add3A_34, %dma_wait3A_69] : memref<2560x125xi32, #tpu.memory_space<hbm>> -> memref<40x125xi32, #tpu.memory_space<hbm>>
      tpu.wait_dma2 semaphore(%run_scoped3A : memref<!tpu.dma_semaphore, #tpu.memory_space<semaphore_mem>>) src(%dma_wait3A_70 : memref<40x125xi32, #tpu.memory_space<hbm>>) dst(%arg9 : memref<40x125xi32, #tpu.memory_space<vmem>>)
      tpu.yield
    }) : () -> ()
    %dma_start3A_35 = arith.constant 0 : i32
    %dma_start3A_36 = arith.constant 0 : i32
    %dma_start3A_37 = tpu.memref_slice %arg8[%dma_start3A_35, %dma_start3A_36] : memref<40x125xi32, #tpu.memory_space<vmem>> -> memref<1x125xi32, #tpu.memory_space<vmem>>
    %dma_start3A_38 = tpu.memref_squeeze %dma_start3A_37 : memref<1x125xi32, #tpu.memory_space<vmem>> -> memref<125xi32, #tpu.memory_space<vmem>>
    %dma_start3A_39 = arith.constant 0 : i32
    %dma_start3A_40 = arith.constant 0 : i32
    %dma_start3A_41 = tpu.memref_slice %arg2[%dma_start3A_39, %dma_start3A_40] : memref<10000x128xf32, #tpu.memory_space<hbm>> -> memref<10000x128xf32, #tpu.memory_space<hbm>>
    tpu.enqueue_indirect_dma source(%dma_start3A_41 : memref<10000x128xf32, #tpu.memory_space<hbm>>) target(%arg10 : memref<125x128xf32, #tpu.memory_space<vmem>>) offsets(%dma_start3A_38 : memref<125xi32, #tpu.memory_space<vmem>>) semaphore(%arg12 : memref<!tpu.dma_semaphore, #tpu.memory_space<semaphore_mem>>)
    %scan3A_42 = arith.constant 0 : i32
    %scan3A_43 = arith.constant 0 : i32
    %scan3A_44 = arith.constant 40 : i32
    %scan3A_45 = arith.addi %scan3A_43, %scan3A_44 : i32
    %scan3A_46 = arith.constant 1 : i32
    scf.for %scan3A_63 = %scan3A_43 to %scan3A_45 step %scan3A_46  : i32 {
      %add3A_64 = arith.constant 1 : i32
      %add3A_65 = arith.addi %scan3A_63, %add3A_64 : i32
      %jit3A = arith.constant 2 : i32
      %eq3A = arith.constant 0 : i32
      %eq3A_66 = arith.cmpi eq, %jit3A, %eq3A : i32
      %jit3A_67 = arith.constant 1 : i32
      %select_n3A = arith.select %eq3A_66, %jit3A_67, %jit3A : i32
      %rem3A = arith.remsi %scan3A_63, %select_n3A : i32
      %ne3A = arith.constant 0 : i32
      %ne3A_68 = arith.cmpi ne, %rem3A, %ne3A : i32
      %lt3A = arith.constant 0 : i32
      %lt3A_69 = arith.cmpi slt, %rem3A, %lt3A : i32
      %lt3A_70 = arith.constant 0 : i32
      %lt3A_71 = arith.cmpi slt, %select_n3A, %lt3A_70 : i32
      %ne3A_72 = arith.xori %lt3A_69, %lt3A_71 : i1
      %and3A = arith.andi %ne3A_72, %ne3A_68 : i1
      %add3A_73 = arith.addi %rem3A, %select_n3A : i32
      %select_n3A_74 = arith.select %and3A, %add3A_73, %rem3A : i32
      %eq3A_75 = arith.constant 0 : i32
      %eq3A_76 = arith.cmpi eq, %select_n3A_74, %eq3A_75 : i32
      %convert_element_type3A = arith.extui %eq3A_76 : i1 to i32
      %cond3A = arith.constant 0 : i32
      %cond3A_77 = arith.cmpi ne, %convert_element_type3A, %cond3A : i32
      scf.if %cond3A_77 {
        %lt3A_99 = arith.constant 40 : i32
        %lt3A_100 = arith.cmpi slt, %add3A_65, %lt3A_99 : i32
        %convert_element_type3A_101 = arith.extui %lt3A_100 : i1 to i32
        %cond3A_102 = arith.constant 0 : i32
        %cond3A_103 = arith.cmpi ne, %convert_element_type3A_101, %cond3A_102 : i32
        scf.if %cond3A_103 {
          %ge3A = arith.constant 2 : i32
          %ge3A_116 = arith.cmpi sge, %scan3A_63, %ge3A : i32
          %convert_element_type3A_117 = arith.extui %ge3A_116 : i1 to i32
          %cond3A_118 = arith.constant 0 : i32
          %cond3A_119 = arith.cmpi ne, %convert_element_type3A_117, %cond3A_118 : i32
          scf.if %cond3A_119 {
            %dma_wait3A_126 = arith.constant 0 : i32
            %dma_wait3A_127 = tpu.memref_slice %arg9[%scan3A_63, %dma_wait3A_126] : memref<40x125xi32, #tpu.memory_space<vmem>> -> memref<1x125xi32, #tpu.memory_space<vmem>>
            %dma_wait3A_128 = tpu.memref_squeeze %dma_wait3A_127 : memref<1x125xi32, #tpu.memory_space<vmem>> -> memref<125xi32, #tpu.memory_space<vmem>>
            %dma_wait3A_129 = arith.constant 0 : i32
            %dma_wait3A_130 = arith.constant 0 : i32
            %dma_wait3A_131 = tpu.memref_slice %arg7[%dma_wait3A_129, %dma_wait3A_130] : memref<10240x128xf32, #tpu.memory_space<vmem_shared>> -> memref<10240x128xf32, #tpu.memory_space<vmem_shared>>
            tpu.wait_indirect_dma semaphore(%arg15 : memref<!tpu.dma_semaphore, #tpu.memory_space<semaphore_mem>>) src(%arg11 : memref<125x128xf32, #tpu.memory_space<vmem>>) dst(%dma_wait3A_131 : memref<10240x128xf32, #tpu.memory_space<vmem_shared>>)
          } else {
          }
          %dma_start3A_120 = arith.constant 0 : i32
          %dma_start3A_121 = tpu.memref_slice %arg8[%add3A_65, %dma_start3A_120] : memref<40x125xi32, #tpu.memory_space<vmem>> -> memref<1x125xi32, #tpu.memory_space<vmem>>
          %dma_start3A_122 = tpu.memref_squeeze %dma_start3A_121 : memref<1x125xi32, #tpu.memory_space<vmem>> -> memref<125xi32, #tpu.memory_space<vmem>>
          %dma_start3A_123 = arith.constant 0 : i32
          %dma_start3A_124 = arith.constant 0 : i32
          %dma_start3A_125 = tpu.memref_slice %arg2[%dma_start3A_123, %dma_start3A_124] : memref<10000x128xf32, #tpu.memory_space<hbm>> -> memref<10000x128xf32, #tpu.memory_space<hbm>>
          tpu.enqueue_indirect_dma source(%dma_start3A_125 : memref<10000x128xf32, #tpu.memory_space<hbm>>) target(%arg11 : memref<125x128xf32, #tpu.memory_space<vmem>>) offsets(%dma_start3A_122 : memref<125xi32, #tpu.memory_space<vmem>>) semaphore(%arg13 : memref<!tpu.dma_semaphore, #tpu.memory_space<semaphore_mem>>)
        } else {
        }
        %dma_wait3A_104 = arith.constant 0 : i32
        %dma_wait3A_105 = tpu.memref_slice %arg8[%scan3A_63, %dma_wait3A_104] : memref<40x125xi32, #tpu.memory_space<vmem>> -> memref<1x125xi32, #tpu.memory_space<vmem>>
        %dma_wait3A_106 = tpu.memref_squeeze %dma_wait3A_105 : memref<1x125xi32, #tpu.memory_space<vmem>> -> memref<125xi32, #tpu.memory_space<vmem>>
        %dma_wait3A_107 = arith.constant 0 : i32
        %dma_wait3A_108 = arith.constant 0 : i32
        %dma_wait3A_109 = tpu.memref_slice %arg2[%dma_wait3A_107, %dma_wait3A_108] : memref<10000x128xf32, #tpu.memory_space<hbm>> -> memref<10000x128xf32, #tpu.memory_space<hbm>>
        tpu.wait_indirect_dma semaphore(%arg12 : memref<!tpu.dma_semaphore, #tpu.memory_space<semaphore_mem>>) src(%dma_wait3A_109 : memref<10000x128xf32, #tpu.memory_space<hbm>>) dst(%arg10 : memref<125x128xf32, #tpu.memory_space<vmem>>)
        %dma_start3A_110 = arith.constant 0 : i32
        %dma_start3A_111 = tpu.memref_slice %arg9[%scan3A_63, %dma_start3A_110] : memref<40x125xi32, #tpu.memory_space<vmem>> -> memref<1x125xi32, #tpu.memory_space<vmem>>
        %dma_start3A_112 = tpu.memref_squeeze %dma_start3A_111 : memref<1x125xi32, #tpu.memory_space<vmem>> -> memref<125xi32, #tpu.memory_space<vmem>>
        %dma_start3A_113 = arith.constant 0 : i32
        %dma_start3A_114 = arith.constant 0 : i32
        %dma_start3A_115 = tpu.memref_slice %arg7[%dma_start3A_113, %dma_start3A_114] : memref<10240x128xf32, #tpu.memory_space<vmem_shared>> -> memref<10240x128xf32, #tpu.memory_space<vmem_shared>>
        tpu.enqueue_indirect_dma source(%arg10 : memref<125x128xf32, #tpu.memory_space<vmem>>) target(%dma_start3A_115 : memref<10240x128xf32, #tpu.memory_space<vmem_shared>>) offsets(%dma_start3A_112 : memref<125xi32, #tpu.memory_space<vmem>>) semaphore(%arg14 : memref<!tpu.dma_semaphore, #tpu.memory_space<semaphore_mem>>) {add = true}
      } else {
      }
      %jit3A_78 = arith.constant 2 : i32
      %eq3A_79 = arith.constant 0 : i32
      %eq3A_80 = arith.cmpi eq, %jit3A_78, %eq3A_79 : i32
      %jit3A_81 = arith.constant 1 : i32
      %select_n3A_82 = arith.select %eq3A_80, %jit3A_81, %jit3A_78 : i32
      %rem3A_83 = arith.remsi %scan3A_63, %select_n3A_82 : i32
      %ne3A_84 = arith.constant 0 : i32
      %ne3A_85 = arith.cmpi ne, %rem3A_83, %ne3A_84 : i32
      %lt3A_86 = arith.constant 0 : i32
      %lt3A_87 = arith.cmpi slt, %rem3A_83, %lt3A_86 : i32
      %lt3A_88 = arith.constant 0 : i32
      %lt3A_89 = arith.cmpi slt, %select_n3A_82, %lt3A_88 : i32
      %ne3A_90 = arith.xori %lt3A_87, %lt3A_89 : i1
      %and3A_91 = arith.andi %ne3A_90, %ne3A_85 : i1
      %add3A_92 = arith.addi %rem3A_83, %select_n3A_82 : i32
      %select_n3A_93 = arith.select %and3A_91, %add3A_92, %rem3A_83 : i32
      %eq3A_94 = arith.constant 1 : i32
      %eq3A_95 = arith.cmpi eq, %select_n3A_93, %eq3A_94 : i32
      %convert_element_type3A_96 = arith.extui %eq3A_95 : i1 to i32
      %cond3A_97 = arith.constant 0 : i32
      %cond3A_98 = arith.cmpi ne, %convert_element_type3A_96, %cond3A_97 : i32
      scf.if %cond3A_98 {
        %lt3A_99 = arith.constant 40 : i32
        %lt3A_100 = arith.cmpi slt, %add3A_65, %lt3A_99 : i32
        %convert_element_type3A_101 = arith.extui %lt3A_100 : i1 to i32
        %cond3A_102 = arith.constant 0 : i32
        %cond3A_103 = arith.cmpi ne, %convert_element_type3A_101, %cond3A_102 : i32
        scf.if %cond3A_103 {
          %dma_wait3A_116 = arith.constant 0 : i32
          %dma_wait3A_117 = tpu.memref_slice %arg9[%scan3A_63, %dma_wait3A_116] : memref<40x125xi32, #tpu.memory_space<vmem>> -> memref<1x125xi32, #tpu.memory_space<vmem>>
          %dma_wait3A_118 = tpu.memref_squeeze %dma_wait3A_117 : memref<1x125xi32, #tpu.memory_space<vmem>> -> memref<125xi32, #tpu.memory_space<vmem>>
          %dma_wait3A_119 = arith.constant 0 : i32
          %dma_wait3A_120 = arith.constant 0 : i32
          %dma_wait3A_121 = tpu.memref_slice %arg7[%dma_wait3A_119, %dma_wait3A_120] : memref<10240x128xf32, #tpu.memory_space<vmem_shared>> -> memref<10240x128xf32, #tpu.memory_space<vmem_shared>>
          tpu.wait_indirect_dma semaphore(%arg14 : memref<!tpu.dma_semaphore, #tpu.memory_space<semaphore_mem>>) src(%arg10 : memref<125x128xf32, #tpu.memory_space<vmem>>) dst(%dma_wait3A_121 : memref<10240x128xf32, #tpu.memory_space<vmem_shared>>)
          %dma_start3A_122 = arith.constant 0 : i32
          %dma_start3A_123 = tpu.memref_slice %arg8[%add3A_65, %dma_start3A_122] : memref<40x125xi32, #tpu.memory_space<vmem>> -> memref<1x125xi32, #tpu.memory_space<vmem>>
          %dma_start3A_124 = tpu.memref_squeeze %dma_start3A_123 : memref<1x125xi32, #tpu.memory_space<vmem>> -> memref<125xi32, #tpu.memory_space<vmem>>
          %dma_start3A_125 = arith.constant 0 : i32
          %dma_start3A_126 = arith.constant 0 : i32
          %dma_start3A_127 = tpu.memref_slice %arg2[%dma_start3A_125, %dma_start3A_126] : memref<10000x128xf32, #tpu.memory_space<hbm>> -> memref<10000x128xf32, #tpu.memory_space<hbm>>
          tpu.enqueue_indirect_dma source(%dma_start3A_127 : memref<10000x128xf32, #tpu.memory_space<hbm>>) target(%arg10 : memref<125x128xf32, #tpu.memory_space<vmem>>) offsets(%dma_start3A_124 : memref<125xi32, #tpu.memory_space<vmem>>) semaphore(%arg12 : memref<!tpu.dma_semaphore, #tpu.memory_space<semaphore_mem>>)
        } else {
        }
        %dma_wait3A_104 = arith.constant 0 : i32
        %dma_wait3A_105 = tpu.memref_slice %arg8[%scan3A_63, %dma_wait3A_104] : memref<40x125xi32, #tpu.memory_space<vmem>> -> memref<1x125xi32, #tpu.memory_space<vmem>>
        %dma_wait3A_106 = tpu.memref_squeeze %dma_wait3A_105 : memref<1x125xi32, #tpu.memory_space<vmem>> -> memref<125xi32, #tpu.memory_space<vmem>>
        %dma_wait3A_107 = arith.constant 0 : i32
        %dma_wait3A_108 = arith.constant 0 : i32
        %dma_wait3A_109 = tpu.memref_slice %arg2[%dma_wait3A_107, %dma_wait3A_108] : memref<10000x128xf32, #tpu.memory_space<hbm>> -> memref<10000x128xf32, #tpu.memory_space<hbm>>
        tpu.wait_indirect_dma semaphore(%arg13 : memref<!tpu.dma_semaphore, #tpu.memory_space<semaphore_mem>>) src(%dma_wait3A_109 : memref<10000x128xf32, #tpu.memory_space<hbm>>) dst(%arg11 : memref<125x128xf32, #tpu.memory_space<vmem>>)
        %dma_start3A_110 = arith.constant 0 : i32
        %dma_start3A_111 = tpu.memref_slice %arg9[%scan3A_63, %dma_start3A_110] : memref<40x125xi32, #tpu.memory_space<vmem>> -> memref<1x125xi32, #tpu.memory_space<vmem>>
        %dma_start3A_112 = tpu.memref_squeeze %dma_start3A_111 : memref<1x125xi32, #tpu.memory_space<vmem>> -> memref<125xi32, #tpu.memory_space<vmem>>
        %dma_start3A_113 = arith.constant 0 : i32
        %dma_start3A_114 = arith.constant 0 : i32
        %dma_start3A_115 = tpu.memref_slice %arg7[%dma_start3A_113, %dma_start3A_114] : memref<10240x128xf32, #tpu.memory_space<vmem_shared>> -> memref<10240x128xf32, #tpu.memory_space<vmem_shared>>
        tpu.enqueue_indirect_dma source(%arg11 : memref<125x128xf32, #tpu.memory_space<vmem>>) target(%dma_start3A_115 : memref<10240x128xf32, #tpu.memory_space<vmem_shared>>) offsets(%dma_start3A_112 : memref<125xi32, #tpu.memory_space<vmem>>) semaphore(%arg15 : memref<!tpu.dma_semaphore, #tpu.memory_space<semaphore_mem>>) {add = true}
      } else {
      }
    }
    %scan3A_47 = arith.constant 40 : i32
    %dma_wait3A_48 = arith.constant 0 : i32
    %dma_wait3A_49 = arith.constant 0 : i32
    %dma_wait3A_50 = tpu.memref_slice %arg9[%dma_wait3A_48, %dma_wait3A_49] : memref<40x125xi32, #tpu.memory_space<vmem>> -> memref<1x125xi32, #tpu.memory_space<vmem>>
    %dma_wait3A_51 = tpu.memref_squeeze %dma_wait3A_50 : memref<1x125xi32, #tpu.memory_space<vmem>> -> memref<125xi32, #tpu.memory_space<vmem>>
    %dma_wait3A_52 = arith.constant 0 : i32
    %dma_wait3A_53 = arith.constant 0 : i32
    %dma_wait3A_54 = tpu.memref_slice %arg7[%dma_wait3A_52, %dma_wait3A_53] : memref<10240x128xf32, #tpu.memory_space<vmem_shared>> -> memref<10240x128xf32, #tpu.memory_space<vmem_shared>>
    tpu.wait_indirect_dma semaphore(%arg14 : memref<!tpu.dma_semaphore, #tpu.memory_space<semaphore_mem>>) src(%arg10 : memref<125x128xf32, #tpu.memory_space<vmem>>) dst(%dma_wait3A_54 : memref<10240x128xf32, #tpu.memory_space<vmem_shared>>)
    %dma_wait3A_55 = arith.constant 0 : i32
    %dma_wait3A_56 = arith.constant 0 : i32
    %dma_wait3A_57 = tpu.memref_slice %arg9[%dma_wait3A_55, %dma_wait3A_56] : memref<40x125xi32, #tpu.memory_space<vmem>> -> memref<1x125xi32, #tpu.memory_space<vmem>>
    %dma_wait3A_58 = tpu.memref_squeeze %dma_wait3A_57 : memref<1x125xi32, #tpu.memory_space<vmem>> -> memref<125xi32, #tpu.memory_space<vmem>>
    %dma_wait3A_59 = arith.constant 0 : i32
    %dma_wait3A_60 = arith.constant 0 : i32
    %dma_wait3A_61 = tpu.memref_slice %arg7[%dma_wait3A_59, %dma_wait3A_60] : memref<10240x128xf32, #tpu.memory_space<vmem_shared>> -> memref<10240x128xf32, #tpu.memory_space<vmem_shared>>
    tpu.wait_indirect_dma semaphore(%arg15 : memref<!tpu.dma_semaphore, #tpu.memory_space<semaphore_mem>>) src(%arg11 : memref<125x128xf32, #tpu.memory_space<vmem>>) dst(%dma_wait3A_61 : memref<10240x128xf32, #tpu.memory_space<vmem_shared>>)
    %barrier3A_62 = arith.constant 0 : index
    tpu.barrier barrier_id(%barrier3A_62)
    "tpu.region"() ({
      %run_scoped3A = tpu.sem_alloc : memref<!tpu.dma_semaphore, #tpu.memory_space<semaphore_mem>>
      %dma_start3A_63 = arith.constant 0 : i32
      %dma_start3A_64 = tpu.memref_slice %arg6[%arg0, %mul3A_2, %dma_start3A_63] : memref<2x10240x128xf32, #tpu.memory_space<hbm>> -> memref<1x640x128xf32, #tpu.memory_space<hbm>>
      %dma_start3A_65 = tpu.memref_squeeze %dma_start3A_64 : memref<1x640x128xf32, #tpu.memory_space<hbm>> -> memref<640x128xf32, #tpu.memory_space<hbm>>
      %dma_start3A_66 = arith.constant 0 : i32
      %dma_start3A_67 = tpu.memref_slice %arg7[%mul3A_2, %dma_start3A_66] : memref<10240x128xf32, #tpu.memory_space<vmem_shared>> -> memref<640x128xf32, #tpu.memory_space<vmem_shared>>
      tpu.enqueue_dma source(%dma_start3A_67 : memref<640x128xf32, #tpu.memory_space<vmem_shared>>) target(%dma_start3A_65 : memref<640x128xf32, #tpu.memory_space<hbm>>) target_semaphore(%run_scoped3A : memref<!tpu.dma_semaphore, #tpu.memory_space<semaphore_mem>>)
      %dma_wait3A_68 = arith.constant 0 : i32
      %dma_wait3A_69 = tpu.memref_slice %arg6[%arg0, %mul3A_2, %dma_wait3A_68] : memref<2x10240x128xf32, #tpu.memory_space<hbm>> -> memref<1x640x128xf32, #tpu.memory_space<hbm>>
      %dma_wait3A_70 = tpu.memref_squeeze %dma_wait3A_69 : memref<1x640x128xf32, #tpu.memory_space<hbm>> -> memref<640x128xf32, #tpu.memory_space<hbm>>
      %dma_wait3A_71 = arith.constant 0 : i32
      %dma_wait3A_72 = tpu.memref_slice %arg7[%mul3A_2, %dma_wait3A_71] : memref<10240x128xf32, #tpu.memory_space<vmem_shared>> -> memref<640x128xf32, #tpu.memory_space<vmem_shared>>
      tpu.wait_dma2 semaphore(%run_scoped3A : memref<!tpu.dma_semaphore, #tpu.memory_space<semaphore_mem>>) src(%dma_wait3A_72 : memref<640x128xf32, #tpu.memory_space<vmem_shared>>) dst(%dma_wait3A_70 : memref<640x128xf32, #tpu.memory_space<hbm>>)
      tpu.yield
    }) : () -> ()
    return
  }
}

#map = affine_map<(d0, d1) -> (0, 0)>
#map1 = affine_map<(d0, d1) -> (0, 0, 0)>
module attributes {stable_mosaic.version = 14 : i64} {
  func.func @_segdeg_body(%arg0: i32, %arg1: i32, %arg2: memref<10000x128xf32, #tpu.memory_space<hbm>>, %arg3: memref<2560x125xi32, #tpu.memory_space<hbm>>, %arg4: memref<2560x125xi32, #tpu.memory_space<hbm>>, %arg5: memref<640x128xf32, #tpu.memory_space<hbm>>, %arg6: memref<125x128xf32, #tpu.memory_space<hbm>>, %arg7: memref<2x10240x128xf32, #tpu.memory_space<hbm>>, %arg8: memref<2x10240x128xf32, #tpu.memory_space<hbm>>, %arg9: memref<10240x128xf32, #tpu.memory_space<vmem_shared>>, %arg10: memref<40x125xi32, #tpu.memory_space<vmem>>, %arg11: memref<40x125xi32, #tpu.memory_space<vmem>>, %arg12: memref<125x128xf32, #tpu.memory_space<vmem>>, %arg13: memref<125x128xf32, #tpu.memory_space<vmem>>, %arg14: memref<!tpu.dma_semaphore, #tpu.memory_space<semaphore_mem>>, %arg15: memref<!tpu.dma_semaphore, #tpu.memory_space<semaphore_mem>>, %arg16: memref<!tpu.dma_semaphore, #tpu.memory_space<semaphore_mem>>, %arg17: memref<!tpu.dma_semaphore, #tpu.memory_space<semaphore_mem>>) attributes {dimension_semantics = [#tpu.dimension_semantics<core_parallel>, #tpu.dimension_semantics<subcore_parallel>], iteration_bounds = array<i64: 2, 16>, scalar_prefetch = 0 : i64, scratch_operands = 9 : i64, tpu.core_type = #tpu.core_type<sc_vector_subcore>, window_params = [{transform_indices = #map}, {transform_indices = #map}, {transform_indices = #map}, {transform_indices = #map}, {transform_indices = #map}, {transform_indices = #map1}, {transform_indices = #map1}]} {
    %mul3A = arith.constant 16 : i32
    %mul3A_0 = arith.muli %arg0, %mul3A : i32
    %add3A = arith.addi %mul3A_0, %arg1 : i32
    %mul3A_1 = arith.constant 640 : i32
    %mul3A_2 = arith.muli %arg1, %mul3A_1 : i32
    "tpu.region"() ({
      %run_scoped3A = tpu.sem_alloc : memref<!tpu.dma_semaphore, #tpu.memory_space<semaphore_mem>>
      %dma_start3A_86 = arith.constant 0 : i32
      %dma_start3A_87 = tpu.memref_slice %arg9[%mul3A_2, %dma_start3A_86] : memref<10240x128xf32, #tpu.memory_space<vmem_shared>> -> memref<640x128xf32, #tpu.memory_space<vmem_shared>>
      tpu.enqueue_dma source(%arg5 : memref<640x128xf32, #tpu.memory_space<hbm>>) target(%dma_start3A_87 : memref<640x128xf32, #tpu.memory_space<vmem_shared>>) target_semaphore(%run_scoped3A : memref<!tpu.dma_semaphore, #tpu.memory_space<semaphore_mem>>)
      %dma_wait3A_88 = arith.constant 0 : i32
      %dma_wait3A_89 = tpu.memref_slice %arg9[%mul3A_2, %dma_wait3A_88] : memref<10240x128xf32, #tpu.memory_space<vmem_shared>> -> memref<640x128xf32, #tpu.memory_space<vmem_shared>>
      tpu.wait_dma2 semaphore(%run_scoped3A : memref<!tpu.dma_semaphore, #tpu.memory_space<semaphore_mem>>) src(%arg5 : memref<640x128xf32, #tpu.memory_space<hbm>>) dst(%dma_wait3A_89 : memref<640x128xf32, #tpu.memory_space<vmem_shared>>)
      tpu.yield
    }) : () -> ()
    "tpu.region"() ({
      %run_scoped3A = tpu.sem_alloc : memref<!tpu.dma_semaphore, #tpu.memory_space<semaphore_mem>>
      tpu.enqueue_dma source(%arg6 : memref<125x128xf32, #tpu.memory_space<hbm>>) target(%arg12 : memref<125x128xf32, #tpu.memory_space<vmem>>) target_semaphore(%run_scoped3A : memref<!tpu.dma_semaphore, #tpu.memory_space<semaphore_mem>>)
      tpu.wait_dma2 semaphore(%run_scoped3A : memref<!tpu.dma_semaphore, #tpu.memory_space<semaphore_mem>>) src(%arg6 : memref<125x128xf32, #tpu.memory_space<hbm>>) dst(%arg12 : memref<125x128xf32, #tpu.memory_space<vmem>>)
      tpu.yield
    }) : () -> ()
    %barrier3A = arith.constant 0 : index
    tpu.barrier barrier_id(%barrier3A)
    %mul3A_3 = arith.constant 80 : i32
    %mul3A_4 = arith.muli %add3A, %mul3A_3 : i32
    %add3A_5 = arith.constant 0 : i32
    %add3A_6 = arith.addi %mul3A_4, %add3A_5 : i32
    "tpu.region"() ({
      %run_scoped3A = tpu.sem_alloc : memref<!tpu.dma_semaphore, #tpu.memory_space<semaphore_mem>>
      %dma_start3A_86 = arith.constant 0 : i32
      %dma_start3A_87 = tpu.memref_slice %arg4[%add3A_6, %dma_start3A_86] : memref<2560x125xi32, #tpu.memory_space<hbm>> -> memref<40x125xi32, #tpu.memory_space<hbm>>
      %dma_start3A_88 = arith.constant 0 : i32
      %dma_start3A_89 = tpu.memref_slice %arg4[%add3A_6, %dma_start3A_88] : memref<2560x125xi32, #tpu.memory_space<hbm>> -> memref<40x125xi32, #tpu.memory_space<hbm>>
      tpu.enqueue_dma source(%dma_start3A_89 : memref<40x125xi32, #tpu.memory_space<hbm>>) target(%arg11 : memref<40x125xi32, #tpu.memory_space<vmem>>) target_semaphore(%run_scoped3A : memref<!tpu.dma_semaphore, #tpu.memory_space<semaphore_mem>>)
      %dma_wait3A_90 = arith.constant 0 : i32
      %dma_wait3A_91 = tpu.memref_slice %arg4[%add3A_6, %dma_wait3A_90] : memref<2560x125xi32, #tpu.memory_space<hbm>> -> memref<40x125xi32, #tpu.memory_space<hbm>>
      %dma_wait3A_92 = arith.constant 0 : i32
      %dma_wait3A_93 = tpu.memref_slice %arg4[%add3A_6, %dma_wait3A_92] : memref<2560x125xi32, #tpu.memory_space<hbm>> -> memref<40x125xi32, #tpu.memory_space<hbm>>
      tpu.wait_dma2 semaphore(%run_scoped3A : memref<!tpu.dma_semaphore, #tpu.memory_space<semaphore_mem>>) src(%dma_wait3A_93 : memref<40x125xi32, #tpu.memory_space<hbm>>) dst(%arg11 : memref<40x125xi32, #tpu.memory_space<vmem>>)
      tpu.yield
    }) : () -> ()
    %scan3A = arith.constant 0 : i32
    %scan3A_7 = arith.constant 0 : i32
    %scan3A_8 = arith.constant 5 : i32
    %scan3A_9 = arith.addi %scan3A_7, %scan3A_8 : i32
    %scan3A_10 = arith.constant 1 : i32
    scf.for %scan3A_86 = %scan3A_7 to %scan3A_9 step %scan3A_10  : i32 {
      %mul3A_87 = arith.constant 8 : i32
      %mul3A_88 = arith.muli %scan3A_86, %mul3A_87 : i32
      %add3A_89 = arith.constant 0 : i32
      %add3A_90 = arith.addi %mul3A_88, %add3A_89 : i32
      %dma_start3A_91 = arith.constant 0 : i32
      %dma_start3A_92 = tpu.memref_slice %arg11[%add3A_90, %dma_start3A_91] : memref<40x125xi32, #tpu.memory_space<vmem>> -> memref<1x125xi32, #tpu.memory_space<vmem>>
      %dma_start3A_93 = tpu.memref_squeeze %dma_start3A_92 : memref<1x125xi32, #tpu.memory_space<vmem>> -> memref<125xi32, #tpu.memory_space<vmem>>
      %dma_start3A_94 = arith.constant 0 : i32
      %dma_start3A_95 = arith.constant 0 : i32
      %dma_start3A_96 = tpu.memref_slice %arg9[%dma_start3A_94, %dma_start3A_95] : memref<10240x128xf32, #tpu.memory_space<vmem_shared>> -> memref<10240x128xf32, #tpu.memory_space<vmem_shared>>
      tpu.enqueue_indirect_dma source(%arg12 : memref<125x128xf32, #tpu.memory_space<vmem>>) target(%dma_start3A_96 : memref<10240x128xf32, #tpu.memory_space<vmem_shared>>) offsets(%dma_start3A_93 : memref<125xi32, #tpu.memory_space<vmem>>) semaphore(%arg16 : memref<!tpu.dma_semaphore, #tpu.memory_space<semaphore_mem>>) {add = true}
      %mul3A_97 = arith.constant 8 : i32
      %mul3A_98 = arith.muli %scan3A_86, %mul3A_97 : i32
      %add3A_99 = arith.constant 1 : i32
      %add3A_100 = arith.addi %mul3A_98, %add3A_99 : i32
      %dma_start3A_101 = arith.constant 0 : i32
      %dma_start3A_102 = tpu.memref_slice %arg11[%add3A_100, %dma_start3A_101] : memref<40x125xi32, #tpu.memory_space<vmem>> -> memref<1x125xi32, #tpu.memory_space<vmem>>
      %dma_start3A_103 = tpu.memref_squeeze %dma_start3A_102 : memref<1x125xi32, #tpu.memory_space<vmem>> -> memref<125xi32, #tpu.memory_space<vmem>>
      %dma_start3A_104 = arith.constant 0 : i32
      %dma_start3A_105 = arith.constant 0 : i32
      %dma_start3A_106 = tpu.memref_slice %arg9[%dma_start3A_104, %dma_start3A_105] : memref<10240x128xf32, #tpu.memory_space<vmem_shared>> -> memref<10240x128xf32, #tpu.memory_space<vmem_shared>>
      tpu.enqueue_indirect_dma source(%arg12 : memref<125x128xf32, #tpu.memory_space<vmem>>) target(%dma_start3A_106 : memref<10240x128xf32, #tpu.memory_space<vmem_shared>>) offsets(%dma_start3A_103 : memref<125xi32, #tpu.memory_space<vmem>>) semaphore(%arg16 : memref<!tpu.dma_semaphore, #tpu.memory_space<semaphore_mem>>) {add = true}
      %mul3A_107 = arith.constant 8 : i32
      %mul3A_108 = arith.muli %scan3A_86, %mul3A_107 : i32
      %add3A_109 = arith.constant 2 : i32
      %add3A_110 = arith.addi %mul3A_108, %add3A_109 : i32
      %dma_start3A_111 = arith.constant 0 : i32
      %dma_start3A_112 = tpu.memref_slice %arg11[%add3A_110, %dma_start3A_111] : memref<40x125xi32, #tpu.memory_space<vmem>> -> memref<1x125xi32, #tpu.memory_space<vmem>>
      %dma_start3A_113 = tpu.memref_squeeze %dma_start3A_112 : memref<1x125xi32, #tpu.memory_space<vmem>> -> memref<125xi32, #tpu.memory_space<vmem>>
      %dma_start3A_114 = arith.constant 0 : i32
      %dma_start3A_115 = arith.constant 0 : i32
      %dma_start3A_116 = tpu.memref_slice %arg9[%dma_start3A_114, %dma_start3A_115] : memref<10240x128xf32, #tpu.memory_space<vmem_shared>> -> memref<10240x128xf32, #tpu.memory_space<vmem_shared>>
      tpu.enqueue_indirect_dma source(%arg12 : memref<125x128xf32, #tpu.memory_space<vmem>>) target(%dma_start3A_116 : memref<10240x128xf32, #tpu.memory_space<vmem_shared>>) offsets(%dma_start3A_113 : memref<125xi32, #tpu.memory_space<vmem>>) semaphore(%arg16 : memref<!tpu.dma_semaphore, #tpu.memory_space<semaphore_mem>>) {add = true}
      %mul3A_117 = arith.constant 8 : i32
      %mul3A_118 = arith.muli %scan3A_86, %mul3A_117 : i32
      %add3A_119 = arith.constant 3 : i32
      %add3A_120 = arith.addi %mul3A_118, %add3A_119 : i32
      %dma_start3A_121 = arith.constant 0 : i32
      %dma_start3A_122 = tpu.memref_slice %arg11[%add3A_120, %dma_start3A_121] : memref<40x125xi32, #tpu.memory_space<vmem>> -> memref<1x125xi32, #tpu.memory_space<vmem>>
      %dma_start3A_123 = tpu.memref_squeeze %dma_start3A_122 : memref<1x125xi32, #tpu.memory_space<vmem>> -> memref<125xi32, #tpu.memory_space<vmem>>
      %dma_start3A_124 = arith.constant 0 : i32
      %dma_start3A_125 = arith.constant 0 : i32
      %dma_start3A_126 = tpu.memref_slice %arg9[%dma_start3A_124, %dma_start3A_125] : memref<10240x128xf32, #tpu.memory_space<vmem_shared>> -> memref<10240x128xf32, #tpu.memory_space<vmem_shared>>
      tpu.enqueue_indirect_dma source(%arg12 : memref<125x128xf32, #tpu.memory_space<vmem>>) target(%dma_start3A_126 : memref<10240x128xf32, #tpu.memory_space<vmem_shared>>) offsets(%dma_start3A_123 : memref<125xi32, #tpu.memory_space<vmem>>) semaphore(%arg16 : memref<!tpu.dma_semaphore, #tpu.memory_space<semaphore_mem>>) {add = true}
      %mul3A_127 = arith.constant 8 : i32
      %mul3A_128 = arith.muli %scan3A_86, %mul3A_127 : i32
      %add3A_129 = arith.constant 4 : i32
      %add3A_130 = arith.addi %mul3A_128, %add3A_129 : i32
      %dma_start3A_131 = arith.constant 0 : i32
      %dma_start3A_132 = tpu.memref_slice %arg11[%add3A_130, %dma_start3A_131] : memref<40x125xi32, #tpu.memory_space<vmem>> -> memref<1x125xi32, #tpu.memory_space<vmem>>
      %dma_start3A_133 = tpu.memref_squeeze %dma_start3A_132 : memref<1x125xi32, #tpu.memory_space<vmem>> -> memref<125xi32, #tpu.memory_space<vmem>>
      %dma_start3A_134 = arith.constant 0 : i32
      %dma_start3A_135 = arith.constant 0 : i32
      %dma_start3A_136 = tpu.memref_slice %arg9[%dma_start3A_134, %dma_start3A_135] : memref<10240x128xf32, #tpu.memory_space<vmem_shared>> -> memref<10240x128xf32, #tpu.memory_space<vmem_shared>>
      tpu.enqueue_indirect_dma source(%arg12 : memref<125x128xf32, #tpu.memory_space<vmem>>) target(%dma_start3A_136 : memref<10240x128xf32, #tpu.memory_space<vmem_shared>>) offsets(%dma_start3A_133 : memref<125xi32, #tpu.memory_space<vmem>>) semaphore(%arg16 : memref<!tpu.dma_semaphore, #tpu.memory_space<semaphore_mem>>) {add = true}
      %mul3A_137 = arith.constant 8 : i32
      %mul3A_138 = arith.muli %scan3A_86, %mul3A_137 : i32
      %add3A_139 = arith.constant 5 : i32
      %add3A_140 = arith.addi %mul3A_138, %add3A_139 : i32
      %dma_start3A_141 = arith.constant 0 : i32
      %dma_start3A_142 = tpu.memref_slice %arg11[%add3A_140, %dma_start3A_141] : memref<40x125xi32, #tpu.memory_space<vmem>> -> memref<1x125xi32, #tpu.memory_space<vmem>>
      %dma_start3A_143 = tpu.memref_squeeze %dma_start3A_142 : memref<1x125xi32, #tpu.memory_space<vmem>> -> memref<125xi32, #tpu.memory_space<vmem>>
      %dma_start3A_144 = arith.constant 0 : i32
      %dma_start3A_145 = arith.constant 0 : i32
      %dma_start3A_146 = tpu.memref_slice %arg9[%dma_start3A_144, %dma_start3A_145] : memref<10240x128xf32, #tpu.memory_space<vmem_shared>> -> memref<10240x128xf32, #tpu.memory_space<vmem_shared>>
      tpu.enqueue_indirect_dma source(%arg12 : memref<125x128xf32, #tpu.memory_space<vmem>>) target(%dma_start3A_146 : memref<10240x128xf32, #tpu.memory_space<vmem_shared>>) offsets(%dma_start3A_143 : memref<125xi32, #tpu.memory_space<vmem>>) semaphore(%arg16 : memref<!tpu.dma_semaphore, #tpu.memory_space<semaphore_mem>>) {add = true}
      %mul3A_147 = arith.constant 8 : i32
      %mul3A_148 = arith.muli %scan3A_86, %mul3A_147 : i32
      %add3A_149 = arith.constant 6 : i32
      %add3A_150 = arith.addi %mul3A_148, %add3A_149 : i32
      %dma_start3A_151 = arith.constant 0 : i32
      %dma_start3A_152 = tpu.memref_slice %arg11[%add3A_150, %dma_start3A_151] : memref<40x125xi32, #tpu.memory_space<vmem>> -> memref<1x125xi32, #tpu.memory_space<vmem>>
      %dma_start3A_153 = tpu.memref_squeeze %dma_start3A_152 : memref<1x125xi32, #tpu.memory_space<vmem>> -> memref<125xi32, #tpu.memory_space<vmem>>
      %dma_start3A_154 = arith.constant 0 : i32
      %dma_start3A_155 = arith.constant 0 : i32
      %dma_start3A_156 = tpu.memref_slice %arg9[%dma_start3A_154, %dma_start3A_155] : memref<10240x128xf32, #tpu.memory_space<vmem_shared>> -> memref<10240x128xf32, #tpu.memory_space<vmem_shared>>
      tpu.enqueue_indirect_dma source(%arg12 : memref<125x128xf32, #tpu.memory_space<vmem>>) target(%dma_start3A_156 : memref<10240x128xf32, #tpu.memory_space<vmem_shared>>) offsets(%dma_start3A_153 : memref<125xi32, #tpu.memory_space<vmem>>) semaphore(%arg16 : memref<!tpu.dma_semaphore, #tpu.memory_space<semaphore_mem>>) {add = true}
      %mul3A_157 = arith.constant 8 : i32
      %mul3A_158 = arith.muli %scan3A_86, %mul3A_157 : i32
      %add3A_159 = arith.constant 7 : i32
      %add3A_160 = arith.addi %mul3A_158, %add3A_159 : i32
      %dma_start3A_161 = arith.constant 0 : i32
      %dma_start3A_162 = tpu.memref_slice %arg11[%add3A_160, %dma_start3A_161] : memref<40x125xi32, #tpu.memory_space<vmem>> -> memref<1x125xi32, #tpu.memory_space<vmem>>
      %dma_start3A_163 = tpu.memref_squeeze %dma_start3A_162 : memref<1x125xi32, #tpu.memory_space<vmem>> -> memref<125xi32, #tpu.memory_space<vmem>>
      %dma_start3A_164 = arith.constant 0 : i32
      %dma_start3A_165 = arith.constant 0 : i32
      %dma_start3A_166 = tpu.memref_slice %arg9[%dma_start3A_164, %dma_start3A_165] : memref<10240x128xf32, #tpu.memory_space<vmem_shared>> -> memref<10240x128xf32, #tpu.memory_space<vmem_shared>>
      tpu.enqueue_indirect_dma source(%arg12 : memref<125x128xf32, #tpu.memory_space<vmem>>) target(%dma_start3A_166 : memref<10240x128xf32, #tpu.memory_space<vmem_shared>>) offsets(%dma_start3A_163 : memref<125xi32, #tpu.memory_space<vmem>>) semaphore(%arg16 : memref<!tpu.dma_semaphore, #tpu.memory_space<semaphore_mem>>) {add = true}
      %dma_wait3A_167 = arith.constant 0 : i32
      %dma_wait3A_168 = arith.constant 0 : i32
      %dma_wait3A_169 = tpu.memref_slice %arg11[%dma_wait3A_167, %dma_wait3A_168] : memref<40x125xi32, #tpu.memory_space<vmem>> -> memref<1x125xi32, #tpu.memory_space<vmem>>
      %dma_wait3A_170 = tpu.memref_squeeze %dma_wait3A_169 : memref<1x125xi32, #tpu.memory_space<vmem>> -> memref<125xi32, #tpu.memory_space<vmem>>
      %dma_wait3A_171 = arith.constant 0 : i32
      %dma_wait3A_172 = arith.constant 0 : i32
      %dma_wait3A_173 = tpu.memref_slice %arg9[%dma_wait3A_171, %dma_wait3A_172] : memref<10240x128xf32, #tpu.memory_space<vmem_shared>> -> memref<10240x128xf32, #tpu.memory_space<vmem_shared>>
      tpu.wait_indirect_dma semaphore(%arg16 : memref<!tpu.dma_semaphore, #tpu.memory_space<semaphore_mem>>) src(%arg12 : memref<125x128xf32, #tpu.memory_space<vmem>>) dst(%dma_wait3A_173 : memref<10240x128xf32, #tpu.memory_space<vmem_shared>>)
      %dma_wait3A_174 = arith.constant 0 : i32
      %dma_wait3A_175 = arith.constant 0 : i32
      %dma_wait3A_176 = tpu.memref_slice %arg11[%dma_wait3A_174, %dma_wait3A_175] : memref<40x125xi32, #tpu.memory_space<vmem>> -> memref<1x125xi32, #tpu.memory_space<vmem>>
      %dma_wait3A_177 = tpu.memref_squeeze %dma_wait3A_176 : memref<1x125xi32, #tpu.memory_space<vmem>> -> memref<125xi32, #tpu.memory_space<vmem>>
      %dma_wait3A_178 = arith.constant 0 : i32
      %dma_wait3A_179 = arith.constant 0 : i32
      %dma_wait3A_180 = tpu.memref_slice %arg9[%dma_wait3A_178, %dma_wait3A_179] : memref<10240x128xf32, #tpu.memory_space<vmem_shared>> -> memref<10240x128xf32, #tpu.memory_space<vmem_shared>>
      tpu.wait_indirect_dma semaphore(%arg16 : memref<!tpu.dma_semaphore, #tpu.memory_space<semaphore_mem>>) src(%arg12 : memref<125x128xf32, #tpu.memory_space<vmem>>) dst(%dma_wait3A_180 : memref<10240x128xf32, #tpu.memory_space<vmem_shared>>)
      %dma_wait3A_181 = arith.constant 0 : i32
      %dma_wait3A_182 = arith.constant 0 : i32
      %dma_wait3A_183 = tpu.memref_slice %arg11[%dma_wait3A_181, %dma_wait3A_182] : memref<40x125xi32, #tpu.memory_space<vmem>> -> memref<1x125xi32, #tpu.memory_space<vmem>>
      %dma_wait3A_184 = tpu.memref_squeeze %dma_wait3A_183 : memref<1x125xi32, #tpu.memory_space<vmem>> -> memref<125xi32, #tpu.memory_space<vmem>>
      %dma_wait3A_185 = arith.constant 0 : i32
      %dma_wait3A_186 = arith.constant 0 : i32
      %dma_wait3A_187 = tpu.memref_slice %arg9[%dma_wait3A_185, %dma_wait3A_186] : memref<10240x128xf32, #tpu.memory_space<vmem_shared>> -> memref<10240x128xf32, #tpu.memory_space<vmem_shared>>
      tpu.wait_indirect_dma semaphore(%arg16 : memref<!tpu.dma_semaphore, #tpu.memory_space<semaphore_mem>>) src(%arg12 : memref<125x128xf32, #tpu.memory_space<vmem>>) dst(%dma_wait3A_187 : memref<10240x128xf32, #tpu.memory_space<vmem_shared>>)
      %dma_wait3A_188 = arith.constant 0 : i32
      %dma_wait3A_189 = arith.constant 0 : i32
      %dma_wait3A_190 = tpu.memref_slice %arg11[%dma_wait3A_188, %dma_wait3A_189] : memref<40x125xi32, #tpu.memory_space<vmem>> -> memref<1x125xi32, #tpu.memory_space<vmem>>
      %dma_wait3A_191 = tpu.memref_squeeze %dma_wait3A_190 : memref<1x125xi32, #tpu.memory_space<vmem>> -> memref<125xi32, #tpu.memory_space<vmem>>
      %dma_wait3A_192 = arith.constant 0 : i32
      %dma_wait3A_193 = arith.constant 0 : i32
      %dma_wait3A_194 = tpu.memref_slice %arg9[%dma_wait3A_192, %dma_wait3A_193] : memref<10240x128xf32, #tpu.memory_space<vmem_shared>> -> memref<10240x128xf32, #tpu.memory_space<vmem_shared>>
      tpu.wait_indirect_dma semaphore(%arg16 : memref<!tpu.dma_semaphore, #tpu.memory_space<semaphore_mem>>) src(%arg12 : memref<125x128xf32, #tpu.memory_space<vmem>>) dst(%dma_wait3A_194 : memref<10240x128xf32, #tpu.memory_space<vmem_shared>>)
      %dma_wait3A_195 = arith.constant 0 : i32
      %dma_wait3A_196 = arith.constant 0 : i32
      %dma_wait3A_197 = tpu.memref_slice %arg11[%dma_wait3A_195, %dma_wait3A_196] : memref<40x125xi32, #tpu.memory_space<vmem>> -> memref<1x125xi32, #tpu.memory_space<vmem>>
      %dma_wait3A_198 = tpu.memref_squeeze %dma_wait3A_197 : memref<1x125xi32, #tpu.memory_space<vmem>> -> memref<125xi32, #tpu.memory_space<vmem>>
      %dma_wait3A_199 = arith.constant 0 : i32
      %dma_wait3A_200 = arith.constant 0 : i32
      %dma_wait3A_201 = tpu.memref_slice %arg9[%dma_wait3A_199, %dma_wait3A_200] : memref<10240x128xf32, #tpu.memory_space<vmem_shared>> -> memref<10240x128xf32, #tpu.memory_space<vmem_shared>>
      tpu.wait_indirect_dma semaphore(%arg16 : memref<!tpu.dma_semaphore, #tpu.memory_space<semaphore_mem>>) src(%arg12 : memref<125x128xf32, #tpu.memory_space<vmem>>) dst(%dma_wait3A_201 : memref<10240x128xf32, #tpu.memory_space<vmem_shared>>)
      %dma_wait3A_202 = arith.constant 0 : i32
      %dma_wait3A_203 = arith.constant 0 : i32
      %dma_wait3A_204 = tpu.memref_slice %arg11[%dma_wait3A_202, %dma_wait3A_203] : memref<40x125xi32, #tpu.memory_space<vmem>> -> memref<1x125xi32, #tpu.memory_space<vmem>>
      %dma_wait3A_205 = tpu.memref_squeeze %dma_wait3A_204 : memref<1x125xi32, #tpu.memory_space<vmem>> -> memref<125xi32, #tpu.memory_space<vmem>>
      %dma_wait3A_206 = arith.constant 0 : i32
      %dma_wait3A_207 = arith.constant 0 : i32
      %dma_wait3A_208 = tpu.memref_slice %arg9[%dma_wait3A_206, %dma_wait3A_207] : memref<10240x128xf32, #tpu.memory_space<vmem_shared>> -> memref<10240x128xf32, #tpu.memory_space<vmem_shared>>
      tpu.wait_indirect_dma semaphore(%arg16 : memref<!tpu.dma_semaphore, #tpu.memory_space<semaphore_mem>>) src(%arg12 : memref<125x128xf32, #tpu.memory_space<vmem>>) dst(%dma_wait3A_208 : memref<10240x128xf32, #tpu.memory_space<vmem_shared>>)
      %dma_wait3A_209 = arith.constant 0 : i32
      %dma_wait3A_210 = arith.constant 0 : i32
      %dma_wait3A_211 = tpu.memref_slice %arg11[%dma_wait3A_209, %dma_wait3A_210] : memref<40x125xi32, #tpu.memory_space<vmem>> -> memref<1x125xi32, #tpu.memory_space<vmem>>
      %dma_wait3A_212 = tpu.memref_squeeze %dma_wait3A_211 : memref<1x125xi32, #tpu.memory_space<vmem>> -> memref<125xi32, #tpu.memory_space<vmem>>
      %dma_wait3A_213 = arith.constant 0 : i32
      %dma_wait3A_214 = arith.constant 0 : i32
      %dma_wait3A_215 = tpu.memref_slice %arg9[%dma_wait3A_213, %dma_wait3A_214] : memref<10240x128xf32, #tpu.memory_space<vmem_shared>> -> memref<10240x128xf32, #tpu.memory_space<vmem_shared>>
      tpu.wait_indirect_dma semaphore(%arg16 : memref<!tpu.dma_semaphore, #tpu.memory_space<semaphore_mem>>) src(%arg12 : memref<125x128xf32, #tpu.memory_space<vmem>>) dst(%dma_wait3A_215 : memref<10240x128xf32, #tpu.memory_space<vmem_shared>>)
      %dma_wait3A_216 = arith.constant 0 : i32
      %dma_wait3A_217 = arith.constant 0 : i32
      %dma_wait3A_218 = tpu.memref_slice %arg11[%dma_wait3A_216, %dma_wait3A_217] : memref<40x125xi32, #tpu.memory_space<vmem>> -> memref<1x125xi32, #tpu.memory_space<vmem>>
      %dma_wait3A_219 = tpu.memref_squeeze %dma_wait3A_218 : memref<1x125xi32, #tpu.memory_space<vmem>> -> memref<125xi32, #tpu.memory_space<vmem>>
      %dma_wait3A_220 = arith.constant 0 : i32
      %dma_wait3A_221 = arith.constant 0 : i32
      %dma_wait3A_222 = tpu.memref_slice %arg9[%dma_wait3A_220, %dma_wait3A_221] : memref<10240x128xf32, #tpu.memory_space<vmem_shared>> -> memref<10240x128xf32, #tpu.memory_space<vmem_shared>>
      tpu.wait_indirect_dma semaphore(%arg16 : memref<!tpu.dma_semaphore, #tpu.memory_space<semaphore_mem>>) src(%arg12 : memref<125x128xf32, #tpu.memory_space<vmem>>) dst(%dma_wait3A_222 : memref<10240x128xf32, #tpu.memory_space<vmem_shared>>)
    }
    %scan3A_11 = arith.constant 5 : i32
    %mul3A_12 = arith.constant 80 : i32
    %mul3A_13 = arith.muli %add3A, %mul3A_12 : i32
    %add3A_14 = arith.constant 40 : i32
    %add3A_15 = arith.addi %mul3A_13, %add3A_14 : i32
    "tpu.region"() ({
      %run_scoped3A = tpu.sem_alloc : memref<!tpu.dma_semaphore, #tpu.memory_space<semaphore_mem>>
      %dma_start3A_86 = arith.constant 0 : i32
      %dma_start3A_87 = tpu.memref_slice %arg4[%add3A_15, %dma_start3A_86] : memref<2560x125xi32, #tpu.memory_space<hbm>> -> memref<40x125xi32, #tpu.memory_space<hbm>>
      %dma_start3A_88 = arith.constant 0 : i32
      %dma_start3A_89 = tpu.memref_slice %arg4[%add3A_15, %dma_start3A_88] : memref<2560x125xi32, #tpu.memory_space<hbm>> -> memref<40x125xi32, #tpu.memory_space<hbm>>
      tpu.enqueue_dma source(%dma_start3A_89 : memref<40x125xi32, #tpu.memory_space<hbm>>) target(%arg11 : memref<40x125xi32, #tpu.memory_space<vmem>>) target_semaphore(%run_scoped3A : memref<!tpu.dma_semaphore, #tpu.memory_space<semaphore_mem>>)
      %dma_wait3A_90 = arith.constant 0 : i32
      %dma_wait3A_91 = tpu.memref_slice %arg4[%add3A_15, %dma_wait3A_90] : memref<2560x125xi32, #tpu.memory_space<hbm>> -> memref<40x125xi32, #tpu.memory_space<hbm>>
      %dma_wait3A_92 = arith.constant 0 : i32
      %dma_wait3A_93 = tpu.memref_slice %arg4[%add3A_15, %dma_wait3A_92] : memref<2560x125xi32, #tpu.memory_space<hbm>> -> memref<40x125xi32, #tpu.memory_space<hbm>>
      tpu.wait_dma2 semaphore(%run_scoped3A : memref<!tpu.dma_semaphore, #tpu.memory_space<semaphore_mem>>) src(%dma_wait3A_93 : memref<40x125xi32, #tpu.memory_space<hbm>>) dst(%arg11 : memref<40x125xi32, #tpu.memory_space<vmem>>)
      tpu.yield
    }) : () -> ()
    %scan3A_16 = arith.constant 0 : i32
    %scan3A_17 = arith.constant 0 : i32
    %scan3A_18 = arith.constant 5 : i32
    %scan3A_19 = arith.addi %scan3A_17, %scan3A_18 : i32
    %scan3A_20 = arith.constant 1 : i32
    scf.for %scan3A_86 = %scan3A_17 to %scan3A_19 step %scan3A_20  : i32 {
      %mul3A_87 = arith.constant 8 : i32
      %mul3A_88 = arith.muli %scan3A_86, %mul3A_87 : i32
      %add3A_89 = arith.constant 0 : i32
      %add3A_90 = arith.addi %mul3A_88, %add3A_89 : i32
      %dma_start3A_91 = arith.constant 0 : i32
      %dma_start3A_92 = tpu.memref_slice %arg11[%add3A_90, %dma_start3A_91] : memref<40x125xi32, #tpu.memory_space<vmem>> -> memref<1x125xi32, #tpu.memory_space<vmem>>
      %dma_start3A_93 = tpu.memref_squeeze %dma_start3A_92 : memref<1x125xi32, #tpu.memory_space<vmem>> -> memref<125xi32, #tpu.memory_space<vmem>>
      %dma_start3A_94 = arith.constant 0 : i32
      %dma_start3A_95 = arith.constant 0 : i32
      %dma_start3A_96 = tpu.memref_slice %arg9[%dma_start3A_94, %dma_start3A_95] : memref<10240x128xf32, #tpu.memory_space<vmem_shared>> -> memref<10240x128xf32, #tpu.memory_space<vmem_shared>>
      tpu.enqueue_indirect_dma source(%arg12 : memref<125x128xf32, #tpu.memory_space<vmem>>) target(%dma_start3A_96 : memref<10240x128xf32, #tpu.memory_space<vmem_shared>>) offsets(%dma_start3A_93 : memref<125xi32, #tpu.memory_space<vmem>>) semaphore(%arg16 : memref<!tpu.dma_semaphore, #tpu.memory_space<semaphore_mem>>) {add = true}
      %mul3A_97 = arith.constant 8 : i32
      %mul3A_98 = arith.muli %scan3A_86, %mul3A_97 : i32
      %add3A_99 = arith.constant 1 : i32
      %add3A_100 = arith.addi %mul3A_98, %add3A_99 : i32
      %dma_start3A_101 = arith.constant 0 : i32
      %dma_start3A_102 = tpu.memref_slice %arg11[%add3A_100, %dma_start3A_101] : memref<40x125xi32, #tpu.memory_space<vmem>> -> memref<1x125xi32, #tpu.memory_space<vmem>>
      %dma_start3A_103 = tpu.memref_squeeze %dma_start3A_102 : memref<1x125xi32, #tpu.memory_space<vmem>> -> memref<125xi32, #tpu.memory_space<vmem>>
      %dma_start3A_104 = arith.constant 0 : i32
      %dma_start3A_105 = arith.constant 0 : i32
      %dma_start3A_106 = tpu.memref_slice %arg9[%dma_start3A_104, %dma_start3A_105] : memref<10240x128xf32, #tpu.memory_space<vmem_shared>> -> memref<10240x128xf32, #tpu.memory_space<vmem_shared>>
      tpu.enqueue_indirect_dma source(%arg12 : memref<125x128xf32, #tpu.memory_space<vmem>>) target(%dma_start3A_106 : memref<10240x128xf32, #tpu.memory_space<vmem_shared>>) offsets(%dma_start3A_103 : memref<125xi32, #tpu.memory_space<vmem>>) semaphore(%arg16 : memref<!tpu.dma_semaphore, #tpu.memory_space<semaphore_mem>>) {add = true}
      %mul3A_107 = arith.constant 8 : i32
      %mul3A_108 = arith.muli %scan3A_86, %mul3A_107 : i32
      %add3A_109 = arith.constant 2 : i32
      %add3A_110 = arith.addi %mul3A_108, %add3A_109 : i32
      %dma_start3A_111 = arith.constant 0 : i32
      %dma_start3A_112 = tpu.memref_slice %arg11[%add3A_110, %dma_start3A_111] : memref<40x125xi32, #tpu.memory_space<vmem>> -> memref<1x125xi32, #tpu.memory_space<vmem>>
      %dma_start3A_113 = tpu.memref_squeeze %dma_start3A_112 : memref<1x125xi32, #tpu.memory_space<vmem>> -> memref<125xi32, #tpu.memory_space<vmem>>
      %dma_start3A_114 = arith.constant 0 : i32
      %dma_start3A_115 = arith.constant 0 : i32
      %dma_start3A_116 = tpu.memref_slice %arg9[%dma_start3A_114, %dma_start3A_115] : memref<10240x128xf32, #tpu.memory_space<vmem_shared>> -> memref<10240x128xf32, #tpu.memory_space<vmem_shared>>
      tpu.enqueue_indirect_dma source(%arg12 : memref<125x128xf32, #tpu.memory_space<vmem>>) target(%dma_start3A_116 : memref<10240x128xf32, #tpu.memory_space<vmem_shared>>) offsets(%dma_start3A_113 : memref<125xi32, #tpu.memory_space<vmem>>) semaphore(%arg16 : memref<!tpu.dma_semaphore, #tpu.memory_space<semaphore_mem>>) {add = true}
      %mul3A_117 = arith.constant 8 : i32
      %mul3A_118 = arith.muli %scan3A_86, %mul3A_117 : i32
      %add3A_119 = arith.constant 3 : i32
      %add3A_120 = arith.addi %mul3A_118, %add3A_119 : i32
      %dma_start3A_121 = arith.constant 0 : i32
      %dma_start3A_122 = tpu.memref_slice %arg11[%add3A_120, %dma_start3A_121] : memref<40x125xi32, #tpu.memory_space<vmem>> -> memref<1x125xi32, #tpu.memory_space<vmem>>
      %dma_start3A_123 = tpu.memref_squeeze %dma_start3A_122 : memref<1x125xi32, #tpu.memory_space<vmem>> -> memref<125xi32, #tpu.memory_space<vmem>>
      %dma_start3A_124 = arith.constant 0 : i32
      %dma_start3A_125 = arith.constant 0 : i32
      %dma_start3A_126 = tpu.memref_slice %arg9[%dma_start3A_124, %dma_start3A_125] : memref<10240x128xf32, #tpu.memory_space<vmem_shared>> -> memref<10240x128xf32, #tpu.memory_space<vmem_shared>>
      tpu.enqueue_indirect_dma source(%arg12 : memref<125x128xf32, #tpu.memory_space<vmem>>) target(%dma_start3A_126 : memref<10240x128xf32, #tpu.memory_space<vmem_shared>>) offsets(%dma_start3A_123 : memref<125xi32, #tpu.memory_space<vmem>>) semaphore(%arg16 : memref<!tpu.dma_semaphore, #tpu.memory_space<semaphore_mem>>) {add = true}
      %mul3A_127 = arith.constant 8 : i32
      %mul3A_128 = arith.muli %scan3A_86, %mul3A_127 : i32
      %add3A_129 = arith.constant 4 : i32
      %add3A_130 = arith.addi %mul3A_128, %add3A_129 : i32
      %dma_start3A_131 = arith.constant 0 : i32
      %dma_start3A_132 = tpu.memref_slice %arg11[%add3A_130, %dma_start3A_131] : memref<40x125xi32, #tpu.memory_space<vmem>> -> memref<1x125xi32, #tpu.memory_space<vmem>>
      %dma_start3A_133 = tpu.memref_squeeze %dma_start3A_132 : memref<1x125xi32, #tpu.memory_space<vmem>> -> memref<125xi32, #tpu.memory_space<vmem>>
      %dma_start3A_134 = arith.constant 0 : i32
      %dma_start3A_135 = arith.constant 0 : i32
      %dma_start3A_136 = tpu.memref_slice %arg9[%dma_start3A_134, %dma_start3A_135] : memref<10240x128xf32, #tpu.memory_space<vmem_shared>> -> memref<10240x128xf32, #tpu.memory_space<vmem_shared>>
      tpu.enqueue_indirect_dma source(%arg12 : memref<125x128xf32, #tpu.memory_space<vmem>>) target(%dma_start3A_136 : memref<10240x128xf32, #tpu.memory_space<vmem_shared>>) offsets(%dma_start3A_133 : memref<125xi32, #tpu.memory_space<vmem>>) semaphore(%arg16 : memref<!tpu.dma_semaphore, #tpu.memory_space<semaphore_mem>>) {add = true}
      %mul3A_137 = arith.constant 8 : i32
      %mul3A_138 = arith.muli %scan3A_86, %mul3A_137 : i32
      %add3A_139 = arith.constant 5 : i32
      %add3A_140 = arith.addi %mul3A_138, %add3A_139 : i32
      %dma_start3A_141 = arith.constant 0 : i32
      %dma_start3A_142 = tpu.memref_slice %arg11[%add3A_140, %dma_start3A_141] : memref<40x125xi32, #tpu.memory_space<vmem>> -> memref<1x125xi32, #tpu.memory_space<vmem>>
      %dma_start3A_143 = tpu.memref_squeeze %dma_start3A_142 : memref<1x125xi32, #tpu.memory_space<vmem>> -> memref<125xi32, #tpu.memory_space<vmem>>
      %dma_start3A_144 = arith.constant 0 : i32
      %dma_start3A_145 = arith.constant 0 : i32
      %dma_start3A_146 = tpu.memref_slice %arg9[%dma_start3A_144, %dma_start3A_145] : memref<10240x128xf32, #tpu.memory_space<vmem_shared>> -> memref<10240x128xf32, #tpu.memory_space<vmem_shared>>
      tpu.enqueue_indirect_dma source(%arg12 : memref<125x128xf32, #tpu.memory_space<vmem>>) target(%dma_start3A_146 : memref<10240x128xf32, #tpu.memory_space<vmem_shared>>) offsets(%dma_start3A_143 : memref<125xi32, #tpu.memory_space<vmem>>) semaphore(%arg16 : memref<!tpu.dma_semaphore, #tpu.memory_space<semaphore_mem>>) {add = true}
      %mul3A_147 = arith.constant 8 : i32
      %mul3A_148 = arith.muli %scan3A_86, %mul3A_147 : i32
      %add3A_149 = arith.constant 6 : i32
      %add3A_150 = arith.addi %mul3A_148, %add3A_149 : i32
      %dma_start3A_151 = arith.constant 0 : i32
      %dma_start3A_152 = tpu.memref_slice %arg11[%add3A_150, %dma_start3A_151] : memref<40x125xi32, #tpu.memory_space<vmem>> -> memref<1x125xi32, #tpu.memory_space<vmem>>
      %dma_start3A_153 = tpu.memref_squeeze %dma_start3A_152 : memref<1x125xi32, #tpu.memory_space<vmem>> -> memref<125xi32, #tpu.memory_space<vmem>>
      %dma_start3A_154 = arith.constant 0 : i32
      %dma_start3A_155 = arith.constant 0 : i32
      %dma_start3A_156 = tpu.memref_slice %arg9[%dma_start3A_154, %dma_start3A_155] : memref<10240x128xf32, #tpu.memory_space<vmem_shared>> -> memref<10240x128xf32, #tpu.memory_space<vmem_shared>>
      tpu.enqueue_indirect_dma source(%arg12 : memref<125x128xf32, #tpu.memory_space<vmem>>) target(%dma_start3A_156 : memref<10240x128xf32, #tpu.memory_space<vmem_shared>>) offsets(%dma_start3A_153 : memref<125xi32, #tpu.memory_space<vmem>>) semaphore(%arg16 : memref<!tpu.dma_semaphore, #tpu.memory_space<semaphore_mem>>) {add = true}
      %mul3A_157 = arith.constant 8 : i32
      %mul3A_158 = arith.muli %scan3A_86, %mul3A_157 : i32
      %add3A_159 = arith.constant 7 : i32
      %add3A_160 = arith.addi %mul3A_158, %add3A_159 : i32
      %dma_start3A_161 = arith.constant 0 : i32
      %dma_start3A_162 = tpu.memref_slice %arg11[%add3A_160, %dma_start3A_161] : memref<40x125xi32, #tpu.memory_space<vmem>> -> memref<1x125xi32, #tpu.memory_space<vmem>>
      %dma_start3A_163 = tpu.memref_squeeze %dma_start3A_162 : memref<1x125xi32, #tpu.memory_space<vmem>> -> memref<125xi32, #tpu.memory_space<vmem>>
      %dma_start3A_164 = arith.constant 0 : i32
      %dma_start3A_165 = arith.constant 0 : i32
      %dma_start3A_166 = tpu.memref_slice %arg9[%dma_start3A_164, %dma_start3A_165] : memref<10240x128xf32, #tpu.memory_space<vmem_shared>> -> memref<10240x128xf32, #tpu.memory_space<vmem_shared>>
      tpu.enqueue_indirect_dma source(%arg12 : memref<125x128xf32, #tpu.memory_space<vmem>>) target(%dma_start3A_166 : memref<10240x128xf32, #tpu.memory_space<vmem_shared>>) offsets(%dma_start3A_163 : memref<125xi32, #tpu.memory_space<vmem>>) semaphore(%arg16 : memref<!tpu.dma_semaphore, #tpu.memory_space<semaphore_mem>>) {add = true}
      %dma_wait3A_167 = arith.constant 0 : i32
      %dma_wait3A_168 = arith.constant 0 : i32
      %dma_wait3A_169 = tpu.memref_slice %arg11[%dma_wait3A_167, %dma_wait3A_168] : memref<40x125xi32, #tpu.memory_space<vmem>> -> memref<1x125xi32, #tpu.memory_space<vmem>>
      %dma_wait3A_170 = tpu.memref_squeeze %dma_wait3A_169 : memref<1x125xi32, #tpu.memory_space<vmem>> -> memref<125xi32, #tpu.memory_space<vmem>>
      %dma_wait3A_171 = arith.constant 0 : i32
      %dma_wait3A_172 = arith.constant 0 : i32
      %dma_wait3A_173 = tpu.memref_slice %arg9[%dma_wait3A_171, %dma_wait3A_172] : memref<10240x128xf32, #tpu.memory_space<vmem_shared>> -> memref<10240x128xf32, #tpu.memory_space<vmem_shared>>
      tpu.wait_indirect_dma semaphore(%arg16 : memref<!tpu.dma_semaphore, #tpu.memory_space<semaphore_mem>>) src(%arg12 : memref<125x128xf32, #tpu.memory_space<vmem>>) dst(%dma_wait3A_173 : memref<10240x128xf32, #tpu.memory_space<vmem_shared>>)
      %dma_wait3A_174 = arith.constant 0 : i32
      %dma_wait3A_175 = arith.constant 0 : i32
      %dma_wait3A_176 = tpu.memref_slice %arg11[%dma_wait3A_174, %dma_wait3A_175] : memref<40x125xi32, #tpu.memory_space<vmem>> -> memref<1x125xi32, #tpu.memory_space<vmem>>
      %dma_wait3A_177 = tpu.memref_squeeze %dma_wait3A_176 : memref<1x125xi32, #tpu.memory_space<vmem>> -> memref<125xi32, #tpu.memory_space<vmem>>
      %dma_wait3A_178 = arith.constant 0 : i32
      %dma_wait3A_179 = arith.constant 0 : i32
      %dma_wait3A_180 = tpu.memref_slice %arg9[%dma_wait3A_178, %dma_wait3A_179] : memref<10240x128xf32, #tpu.memory_space<vmem_shared>> -> memref<10240x128xf32, #tpu.memory_space<vmem_shared>>
      tpu.wait_indirect_dma semaphore(%arg16 : memref<!tpu.dma_semaphore, #tpu.memory_space<semaphore_mem>>) src(%arg12 : memref<125x128xf32, #tpu.memory_space<vmem>>) dst(%dma_wait3A_180 : memref<10240x128xf32, #tpu.memory_space<vmem_shared>>)
      %dma_wait3A_181 = arith.constant 0 : i32
      %dma_wait3A_182 = arith.constant 0 : i32
      %dma_wait3A_183 = tpu.memref_slice %arg11[%dma_wait3A_181, %dma_wait3A_182] : memref<40x125xi32, #tpu.memory_space<vmem>> -> memref<1x125xi32, #tpu.memory_space<vmem>>
      %dma_wait3A_184 = tpu.memref_squeeze %dma_wait3A_183 : memref<1x125xi32, #tpu.memory_space<vmem>> -> memref<125xi32, #tpu.memory_space<vmem>>
      %dma_wait3A_185 = arith.constant 0 : i32
      %dma_wait3A_186 = arith.constant 0 : i32
      %dma_wait3A_187 = tpu.memref_slice %arg9[%dma_wait3A_185, %dma_wait3A_186] : memref<10240x128xf32, #tpu.memory_space<vmem_shared>> -> memref<10240x128xf32, #tpu.memory_space<vmem_shared>>
      tpu.wait_indirect_dma semaphore(%arg16 : memref<!tpu.dma_semaphore, #tpu.memory_space<semaphore_mem>>) src(%arg12 : memref<125x128xf32, #tpu.memory_space<vmem>>) dst(%dma_wait3A_187 : memref<10240x128xf32, #tpu.memory_space<vmem_shared>>)
      %dma_wait3A_188 = arith.constant 0 : i32
      %dma_wait3A_189 = arith.constant 0 : i32
      %dma_wait3A_190 = tpu.memref_slice %arg11[%dma_wait3A_188, %dma_wait3A_189] : memref<40x125xi32, #tpu.memory_space<vmem>> -> memref<1x125xi32, #tpu.memory_space<vmem>>
      %dma_wait3A_191 = tpu.memref_squeeze %dma_wait3A_190 : memref<1x125xi32, #tpu.memory_space<vmem>> -> memref<125xi32, #tpu.memory_space<vmem>>
      %dma_wait3A_192 = arith.constant 0 : i32
      %dma_wait3A_193 = arith.constant 0 : i32
      %dma_wait3A_194 = tpu.memref_slice %arg9[%dma_wait3A_192, %dma_wait3A_193] : memref<10240x128xf32, #tpu.memory_space<vmem_shared>> -> memref<10240x128xf32, #tpu.memory_space<vmem_shared>>
      tpu.wait_indirect_dma semaphore(%arg16 : memref<!tpu.dma_semaphore, #tpu.memory_space<semaphore_mem>>) src(%arg12 : memref<125x128xf32, #tpu.memory_space<vmem>>) dst(%dma_wait3A_194 : memref<10240x128xf32, #tpu.memory_space<vmem_shared>>)
      %dma_wait3A_195 = arith.constant 0 : i32
      %dma_wait3A_196 = arith.constant 0 : i32
      %dma_wait3A_197 = tpu.memref_slice %arg11[%dma_wait3A_195, %dma_wait3A_196] : memref<40x125xi32, #tpu.memory_space<vmem>> -> memref<1x125xi32, #tpu.memory_space<vmem>>
      %dma_wait3A_198 = tpu.memref_squeeze %dma_wait3A_197 : memref<1x125xi32, #tpu.memory_space<vmem>> -> memref<125xi32, #tpu.memory_space<vmem>>
      %dma_wait3A_199 = arith.constant 0 : i32
      %dma_wait3A_200 = arith.constant 0 : i32
      %dma_wait3A_201 = tpu.memref_slice %arg9[%dma_wait3A_199, %dma_wait3A_200] : memref<10240x128xf32, #tpu.memory_space<vmem_shared>> -> memref<10240x128xf32, #tpu.memory_space<vmem_shared>>
      tpu.wait_indirect_dma semaphore(%arg16 : memref<!tpu.dma_semaphore, #tpu.memory_space<semaphore_mem>>) src(%arg12 : memref<125x128xf32, #tpu.memory_space<vmem>>) dst(%dma_wait3A_201 : memref<10240x128xf32, #tpu.memory_space<vmem_shared>>)
      %dma_wait3A_202 = arith.constant 0 : i32
      %dma_wait3A_203 = arith.constant 0 : i32
      %dma_wait3A_204 = tpu.memref_slice %arg11[%dma_wait3A_202, %dma_wait3A_203] : memref<40x125xi32, #tpu.memory_space<vmem>> -> memref<1x125xi32, #tpu.memory_space<vmem>>
      %dma_wait3A_205 = tpu.memref_squeeze %dma_wait3A_204 : memref<1x125xi32, #tpu.memory_space<vmem>> -> memref<125xi32, #tpu.memory_space<vmem>>
      %dma_wait3A_206 = arith.constant 0 : i32
      %dma_wait3A_207 = arith.constant 0 : i32
      %dma_wait3A_208 = tpu.memref_slice %arg9[%dma_wait3A_206, %dma_wait3A_207] : memref<10240x128xf32, #tpu.memory_space<vmem_shared>> -> memref<10240x128xf32, #tpu.memory_space<vmem_shared>>
      tpu.wait_indirect_dma semaphore(%arg16 : memref<!tpu.dma_semaphore, #tpu.memory_space<semaphore_mem>>) src(%arg12 : memref<125x128xf32, #tpu.memory_space<vmem>>) dst(%dma_wait3A_208 : memref<10240x128xf32, #tpu.memory_space<vmem_shared>>)
      %dma_wait3A_209 = arith.constant 0 : i32
      %dma_wait3A_210 = arith.constant 0 : i32
      %dma_wait3A_211 = tpu.memref_slice %arg11[%dma_wait3A_209, %dma_wait3A_210] : memref<40x125xi32, #tpu.memory_space<vmem>> -> memref<1x125xi32, #tpu.memory_space<vmem>>
      %dma_wait3A_212 = tpu.memref_squeeze %dma_wait3A_211 : memref<1x125xi32, #tpu.memory_space<vmem>> -> memref<125xi32, #tpu.memory_space<vmem>>
      %dma_wait3A_213 = arith.constant 0 : i32
      %dma_wait3A_214 = arith.constant 0 : i32
      %dma_wait3A_215 = tpu.memref_slice %arg9[%dma_wait3A_213, %dma_wait3A_214] : memref<10240x128xf32, #tpu.memory_space<vmem_shared>> -> memref<10240x128xf32, #tpu.memory_space<vmem_shared>>
      tpu.wait_indirect_dma semaphore(%arg16 : memref<!tpu.dma_semaphore, #tpu.memory_space<semaphore_mem>>) src(%arg12 : memref<125x128xf32, #tpu.memory_space<vmem>>) dst(%dma_wait3A_215 : memref<10240x128xf32, #tpu.memory_space<vmem_shared>>)
      %dma_wait3A_216 = arith.constant 0 : i32
      %dma_wait3A_217 = arith.constant 0 : i32
      %dma_wait3A_218 = tpu.memref_slice %arg11[%dma_wait3A_216, %dma_wait3A_217] : memref<40x125xi32, #tpu.memory_space<vmem>> -> memref<1x125xi32, #tpu.memory_space<vmem>>
      %dma_wait3A_219 = tpu.memref_squeeze %dma_wait3A_218 : memref<1x125xi32, #tpu.memory_space<vmem>> -> memref<125xi32, #tpu.memory_space<vmem>>
      %dma_wait3A_220 = arith.constant 0 : i32
      %dma_wait3A_221 = arith.constant 0 : i32
      %dma_wait3A_222 = tpu.memref_slice %arg9[%dma_wait3A_220, %dma_wait3A_221] : memref<10240x128xf32, #tpu.memory_space<vmem_shared>> -> memref<10240x128xf32, #tpu.memory_space<vmem_shared>>
      tpu.wait_indirect_dma semaphore(%arg16 : memref<!tpu.dma_semaphore, #tpu.memory_space<semaphore_mem>>) src(%arg12 : memref<125x128xf32, #tpu.memory_space<vmem>>) dst(%dma_wait3A_222 : memref<10240x128xf32, #tpu.memory_space<vmem_shared>>)
    }
    %scan3A_21 = arith.constant 5 : i32
    %barrier3A_22 = arith.constant 0 : index
    tpu.barrier barrier_id(%barrier3A_22)
    "tpu.region"() ({
      %run_scoped3A = tpu.sem_alloc : memref<!tpu.dma_semaphore, #tpu.memory_space<semaphore_mem>>
      %dma_start3A_86 = arith.constant 0 : i32
      %dma_start3A_87 = tpu.memref_slice %arg7[%arg0, %mul3A_2, %dma_start3A_86] : memref<2x10240x128xf32, #tpu.memory_space<hbm>> -> memref<1x640x128xf32, #tpu.memory_space<hbm>>
      %dma_start3A_88 = tpu.memref_squeeze %dma_start3A_87 : memref<1x640x128xf32, #tpu.memory_space<hbm>> -> memref<640x128xf32, #tpu.memory_space<hbm>>
      %dma_start3A_89 = arith.constant 0 : i32
      %dma_start3A_90 = tpu.memref_slice %arg9[%mul3A_2, %dma_start3A_89] : memref<10240x128xf32, #tpu.memory_space<vmem_shared>> -> memref<640x128xf32, #tpu.memory_space<vmem_shared>>
      tpu.enqueue_dma source(%dma_start3A_90 : memref<640x128xf32, #tpu.memory_space<vmem_shared>>) target(%dma_start3A_88 : memref<640x128xf32, #tpu.memory_space<hbm>>) target_semaphore(%run_scoped3A : memref<!tpu.dma_semaphore, #tpu.memory_space<semaphore_mem>>)
      %dma_wait3A_91 = arith.constant 0 : i32
      %dma_wait3A_92 = tpu.memref_slice %arg7[%arg0, %mul3A_2, %dma_wait3A_91] : memref<2x10240x128xf32, #tpu.memory_space<hbm>> -> memref<1x640x128xf32, #tpu.memory_space<hbm>>
      %dma_wait3A_93 = tpu.memref_squeeze %dma_wait3A_92 : memref<1x640x128xf32, #tpu.memory_space<hbm>> -> memref<640x128xf32, #tpu.memory_space<hbm>>
      %dma_wait3A_94 = arith.constant 0 : i32
      %dma_wait3A_95 = tpu.memref_slice %arg9[%mul3A_2, %dma_wait3A_94] : memref<10240x128xf32, #tpu.memory_space<vmem_shared>> -> memref<640x128xf32, #tpu.memory_space<vmem_shared>>
      tpu.wait_dma2 semaphore(%run_scoped3A : memref<!tpu.dma_semaphore, #tpu.memory_space<semaphore_mem>>) src(%dma_wait3A_95 : memref<640x128xf32, #tpu.memory_space<vmem_shared>>) dst(%dma_wait3A_93 : memref<640x128xf32, #tpu.memory_space<hbm>>)
      tpu.yield
    }) : () -> ()
    %barrier3A_23 = arith.constant 0 : index
    tpu.barrier barrier_id(%barrier3A_23)
    "tpu.region"() ({
      %run_scoped3A = tpu.sem_alloc : memref<!tpu.dma_semaphore, #tpu.memory_space<semaphore_mem>>
      %dma_start3A_86 = arith.constant 0 : i32
      %dma_start3A_87 = tpu.memref_slice %arg9[%mul3A_2, %dma_start3A_86] : memref<10240x128xf32, #tpu.memory_space<vmem_shared>> -> memref<640x128xf32, #tpu.memory_space<vmem_shared>>
      tpu.enqueue_dma source(%arg5 : memref<640x128xf32, #tpu.memory_space<hbm>>) target(%dma_start3A_87 : memref<640x128xf32, #tpu.memory_space<vmem_shared>>) target_semaphore(%run_scoped3A : memref<!tpu.dma_semaphore, #tpu.memory_space<semaphore_mem>>)
      %dma_wait3A_88 = arith.constant 0 : i32
      %dma_wait3A_89 = tpu.memref_slice %arg9[%mul3A_2, %dma_wait3A_88] : memref<10240x128xf32, #tpu.memory_space<vmem_shared>> -> memref<640x128xf32, #tpu.memory_space<vmem_shared>>
      tpu.wait_dma2 semaphore(%run_scoped3A : memref<!tpu.dma_semaphore, #tpu.memory_space<semaphore_mem>>) src(%arg5 : memref<640x128xf32, #tpu.memory_space<hbm>>) dst(%dma_wait3A_89 : memref<640x128xf32, #tpu.memory_space<vmem_shared>>)
      tpu.yield
    }) : () -> ()
    %barrier3A_24 = arith.constant 0 : index
    tpu.barrier barrier_id(%barrier3A_24)
    %mul3A_25 = arith.constant 80 : i32
    %mul3A_26 = arith.muli %add3A, %mul3A_25 : i32
    %add3A_27 = arith.constant 0 : i32
    %add3A_28 = arith.addi %mul3A_26, %add3A_27 : i32
    "tpu.region"() ({
      %run_scoped3A = tpu.sem_alloc : memref<!tpu.dma_semaphore, #tpu.memory_space<semaphore_mem>>
      %dma_start3A_86 = arith.constant 0 : i32
      %dma_start3A_87 = tpu.memref_slice %arg3[%add3A_28, %dma_start3A_86] : memref<2560x125xi32, #tpu.memory_space<hbm>> -> memref<40x125xi32, #tpu.memory_space<hbm>>
      %dma_start3A_88 = arith.constant 0 : i32
      %dma_start3A_89 = tpu.memref_slice %arg3[%add3A_28, %dma_start3A_88] : memref<2560x125xi32, #tpu.memory_space<hbm>> -> memref<40x125xi32, #tpu.memory_space<hbm>>
      tpu.enqueue_dma source(%dma_start3A_89 : memref<40x125xi32, #tpu.memory_space<hbm>>) target(%arg10 : memref<40x125xi32, #tpu.memory_space<vmem>>) target_semaphore(%run_scoped3A : memref<!tpu.dma_semaphore, #tpu.memory_space<semaphore_mem>>)
      %dma_wait3A_90 = arith.constant 0 : i32
      %dma_wait3A_91 = tpu.memref_slice %arg3[%add3A_28, %dma_wait3A_90] : memref<2560x125xi32, #tpu.memory_space<hbm>> -> memref<40x125xi32, #tpu.memory_space<hbm>>
      %dma_wait3A_92 = arith.constant 0 : i32
      %dma_wait3A_93 = tpu.memref_slice %arg3[%add3A_28, %dma_wait3A_92] : memref<2560x125xi32, #tpu.memory_space<hbm>> -> memref<40x125xi32, #tpu.memory_space<hbm>>
      tpu.wait_dma2 semaphore(%run_scoped3A : memref<!tpu.dma_semaphore, #tpu.memory_space<semaphore_mem>>) src(%dma_wait3A_93 : memref<40x125xi32, #tpu.memory_space<hbm>>) dst(%arg10 : memref<40x125xi32, #tpu.memory_space<vmem>>)
      tpu.yield
    }) : () -> ()
    "tpu.region"() ({
      %run_scoped3A = tpu.sem_alloc : memref<!tpu.dma_semaphore, #tpu.memory_space<semaphore_mem>>
      %dma_start3A_86 = arith.constant 0 : i32
      %dma_start3A_87 = tpu.memref_slice %arg4[%add3A_28, %dma_start3A_86] : memref<2560x125xi32, #tpu.memory_space<hbm>> -> memref<40x125xi32, #tpu.memory_space<hbm>>
      %dma_start3A_88 = arith.constant 0 : i32
      %dma_start3A_89 = tpu.memref_slice %arg4[%add3A_28, %dma_start3A_88] : memref<2560x125xi32, #tpu.memory_space<hbm>> -> memref<40x125xi32, #tpu.memory_space<hbm>>
      tpu.enqueue_dma source(%dma_start3A_89 : memref<40x125xi32, #tpu.memory_space<hbm>>) target(%arg11 : memref<40x125xi32, #tpu.memory_space<vmem>>) target_semaphore(%run_scoped3A : memref<!tpu.dma_semaphore, #tpu.memory_space<semaphore_mem>>)
      %dma_wait3A_90 = arith.constant 0 : i32
      %dma_wait3A_91 = tpu.memref_slice %arg4[%add3A_28, %dma_wait3A_90] : memref<2560x125xi32, #tpu.memory_space<hbm>> -> memref<40x125xi32, #tpu.memory_space<hbm>>
      %dma_wait3A_92 = arith.constant 0 : i32
      %dma_wait3A_93 = tpu.memref_slice %arg4[%add3A_28, %dma_wait3A_92] : memref<2560x125xi32, #tpu.memory_space<hbm>> -> memref<40x125xi32, #tpu.memory_space<hbm>>
      tpu.wait_dma2 semaphore(%run_scoped3A : memref<!tpu.dma_semaphore, #tpu.memory_space<semaphore_mem>>) src(%dma_wait3A_93 : memref<40x125xi32, #tpu.memory_space<hbm>>) dst(%arg11 : memref<40x125xi32, #tpu.memory_space<vmem>>)
      tpu.yield
    }) : () -> ()
    %dma_start3A = arith.constant 0 : i32
    %dma_start3A_29 = arith.constant 0 : i32
    %dma_start3A_30 = tpu.memref_slice %arg10[%dma_start3A, %dma_start3A_29] : memref<40x125xi32, #tpu.memory_space<vmem>> -> memref<1x125xi32, #tpu.memory_space<vmem>>
    %dma_start3A_31 = tpu.memref_squeeze %dma_start3A_30 : memref<1x125xi32, #tpu.memory_space<vmem>> -> memref<125xi32, #tpu.memory_space<vmem>>
    %dma_start3A_32 = arith.constant 0 : i32
    %dma_start3A_33 = arith.constant 0 : i32
    %dma_start3A_34 = tpu.memref_slice %arg2[%dma_start3A_32, %dma_start3A_33] : memref<10000x128xf32, #tpu.memory_space<hbm>> -> memref<10000x128xf32, #tpu.memory_space<hbm>>
    tpu.enqueue_indirect_dma source(%dma_start3A_34 : memref<10000x128xf32, #tpu.memory_space<hbm>>) target(%arg12 : memref<125x128xf32, #tpu.memory_space<vmem>>) offsets(%dma_start3A_31 : memref<125xi32, #tpu.memory_space<vmem>>) semaphore(%arg14 : memref<!tpu.dma_semaphore, #tpu.memory_space<semaphore_mem>>)
    %scan3A_35 = arith.constant 0 : i32
    %scan3A_36 = arith.constant 0 : i32
    %scan3A_37 = arith.constant 40 : i32
    %scan3A_38 = arith.addi %scan3A_36, %scan3A_37 : i32
    %scan3A_39 = arith.constant 1 : i32
    scf.for %scan3A_86 = %scan3A_36 to %scan3A_38 step %scan3A_39  : i32 {
      %add3A_87 = arith.constant 1 : i32
      %add3A_88 = arith.addi %scan3A_86, %add3A_87 : i32
      %jit3A = arith.constant 2 : i32
      %eq3A = arith.constant 0 : i32
      %eq3A_89 = arith.cmpi eq, %jit3A, %eq3A : i32
      %jit3A_90 = arith.constant 1 : i32
      %select_n3A = arith.select %eq3A_89, %jit3A_90, %jit3A : i32
      %rem3A = arith.remsi %scan3A_86, %select_n3A : i32
      %ne3A = arith.constant 0 : i32
      %ne3A_91 = arith.cmpi ne, %rem3A, %ne3A : i32
      %lt3A = arith.constant 0 : i32
      %lt3A_92 = arith.cmpi slt, %rem3A, %lt3A : i32
      %lt3A_93 = arith.constant 0 : i32
      %lt3A_94 = arith.cmpi slt, %select_n3A, %lt3A_93 : i32
      %ne3A_95 = arith.xori %lt3A_92, %lt3A_94 : i1
      %and3A = arith.andi %ne3A_95, %ne3A_91 : i1
      %add3A_96 = arith.addi %rem3A, %select_n3A : i32
      %select_n3A_97 = arith.select %and3A, %add3A_96, %rem3A : i32
      %eq3A_98 = arith.constant 0 : i32
      %eq3A_99 = arith.cmpi eq, %select_n3A_97, %eq3A_98 : i32
      %convert_element_type3A = arith.extui %eq3A_99 : i1 to i32
      %cond3A = arith.constant 0 : i32
      %cond3A_100 = arith.cmpi ne, %convert_element_type3A, %cond3A : i32
      scf.if %cond3A_100 {
        %lt3A_122 = arith.constant 40 : i32
        %lt3A_123 = arith.cmpi slt, %add3A_88, %lt3A_122 : i32
        %convert_element_type3A_124 = arith.extui %lt3A_123 : i1 to i32
        %cond3A_125 = arith.constant 0 : i32
        %cond3A_126 = arith.cmpi ne, %convert_element_type3A_124, %cond3A_125 : i32
        scf.if %cond3A_126 {
          %ge3A = arith.constant 2 : i32
          %ge3A_139 = arith.cmpi sge, %scan3A_86, %ge3A : i32
          %convert_element_type3A_140 = arith.extui %ge3A_139 : i1 to i32
          %cond3A_141 = arith.constant 0 : i32
          %cond3A_142 = arith.cmpi ne, %convert_element_type3A_140, %cond3A_141 : i32
          scf.if %cond3A_142 {
            %dma_wait3A_149 = arith.constant 0 : i32
            %dma_wait3A_150 = tpu.memref_slice %arg11[%scan3A_86, %dma_wait3A_149] : memref<40x125xi32, #tpu.memory_space<vmem>> -> memref<1x125xi32, #tpu.memory_space<vmem>>
            %dma_wait3A_151 = tpu.memref_squeeze %dma_wait3A_150 : memref<1x125xi32, #tpu.memory_space<vmem>> -> memref<125xi32, #tpu.memory_space<vmem>>
            %dma_wait3A_152 = arith.constant 0 : i32
            %dma_wait3A_153 = arith.constant 0 : i32
            %dma_wait3A_154 = tpu.memref_slice %arg9[%dma_wait3A_152, %dma_wait3A_153] : memref<10240x128xf32, #tpu.memory_space<vmem_shared>> -> memref<10240x128xf32, #tpu.memory_space<vmem_shared>>
            tpu.wait_indirect_dma semaphore(%arg17 : memref<!tpu.dma_semaphore, #tpu.memory_space<semaphore_mem>>) src(%arg13 : memref<125x128xf32, #tpu.memory_space<vmem>>) dst(%dma_wait3A_154 : memref<10240x128xf32, #tpu.memory_space<vmem_shared>>)
          } else {
          }
          %dma_start3A_143 = arith.constant 0 : i32
          %dma_start3A_144 = tpu.memref_slice %arg10[%add3A_88, %dma_start3A_143] : memref<40x125xi32, #tpu.memory_space<vmem>> -> memref<1x125xi32, #tpu.memory_space<vmem>>
          %dma_start3A_145 = tpu.memref_squeeze %dma_start3A_144 : memref<1x125xi32, #tpu.memory_space<vmem>> -> memref<125xi32, #tpu.memory_space<vmem>>
          %dma_start3A_146 = arith.constant 0 : i32
          %dma_start3A_147 = arith.constant 0 : i32
          %dma_start3A_148 = tpu.memref_slice %arg2[%dma_start3A_146, %dma_start3A_147] : memref<10000x128xf32, #tpu.memory_space<hbm>> -> memref<10000x128xf32, #tpu.memory_space<hbm>>
          tpu.enqueue_indirect_dma source(%dma_start3A_148 : memref<10000x128xf32, #tpu.memory_space<hbm>>) target(%arg13 : memref<125x128xf32, #tpu.memory_space<vmem>>) offsets(%dma_start3A_145 : memref<125xi32, #tpu.memory_space<vmem>>) semaphore(%arg15 : memref<!tpu.dma_semaphore, #tpu.memory_space<semaphore_mem>>)
        } else {
        }
        %dma_wait3A_127 = arith.constant 0 : i32
        %dma_wait3A_128 = tpu.memref_slice %arg10[%scan3A_86, %dma_wait3A_127] : memref<40x125xi32, #tpu.memory_space<vmem>> -> memref<1x125xi32, #tpu.memory_space<vmem>>
        %dma_wait3A_129 = tpu.memref_squeeze %dma_wait3A_128 : memref<1x125xi32, #tpu.memory_space<vmem>> -> memref<125xi32, #tpu.memory_space<vmem>>
        %dma_wait3A_130 = arith.constant 0 : i32
        %dma_wait3A_131 = arith.constant 0 : i32
        %dma_wait3A_132 = tpu.memref_slice %arg2[%dma_wait3A_130, %dma_wait3A_131] : memref<10000x128xf32, #tpu.memory_space<hbm>> -> memref<10000x128xf32, #tpu.memory_space<hbm>>
        tpu.wait_indirect_dma semaphore(%arg14 : memref<!tpu.dma_semaphore, #tpu.memory_space<semaphore_mem>>) src(%dma_wait3A_132 : memref<10000x128xf32, #tpu.memory_space<hbm>>) dst(%arg12 : memref<125x128xf32, #tpu.memory_space<vmem>>)
        %dma_start3A_133 = arith.constant 0 : i32
        %dma_start3A_134 = tpu.memref_slice %arg11[%scan3A_86, %dma_start3A_133] : memref<40x125xi32, #tpu.memory_space<vmem>> -> memref<1x125xi32, #tpu.memory_space<vmem>>
        %dma_start3A_135 = tpu.memref_squeeze %dma_start3A_134 : memref<1x125xi32, #tpu.memory_space<vmem>> -> memref<125xi32, #tpu.memory_space<vmem>>
        %dma_start3A_136 = arith.constant 0 : i32
        %dma_start3A_137 = arith.constant 0 : i32
        %dma_start3A_138 = tpu.memref_slice %arg9[%dma_start3A_136, %dma_start3A_137] : memref<10240x128xf32, #tpu.memory_space<vmem_shared>> -> memref<10240x128xf32, #tpu.memory_space<vmem_shared>>
        tpu.enqueue_indirect_dma source(%arg12 : memref<125x128xf32, #tpu.memory_space<vmem>>) target(%dma_start3A_138 : memref<10240x128xf32, #tpu.memory_space<vmem_shared>>) offsets(%dma_start3A_135 : memref<125xi32, #tpu.memory_space<vmem>>) semaphore(%arg16 : memref<!tpu.dma_semaphore, #tpu.memory_space<semaphore_mem>>) {add = true}
      } else {
      }
      %jit3A_101 = arith.constant 2 : i32
      %eq3A_102 = arith.constant 0 : i32
      %eq3A_103 = arith.cmpi eq, %jit3A_101, %eq3A_102 : i32
      %jit3A_104 = arith.constant 1 : i32
      %select_n3A_105 = arith.select %eq3A_103, %jit3A_104, %jit3A_101 : i32
      %rem3A_106 = arith.remsi %scan3A_86, %select_n3A_105 : i32
      %ne3A_107 = arith.constant 0 : i32
      %ne3A_108 = arith.cmpi ne, %rem3A_106, %ne3A_107 : i32
      %lt3A_109 = arith.constant 0 : i32
      %lt3A_110 = arith.cmpi slt, %rem3A_106, %lt3A_109 : i32
      %lt3A_111 = arith.constant 0 : i32
      %lt3A_112 = arith.cmpi slt, %select_n3A_105, %lt3A_111 : i32
      %ne3A_113 = arith.xori %lt3A_110, %lt3A_112 : i1
      %and3A_114 = arith.andi %ne3A_113, %ne3A_108 : i1
      %add3A_115 = arith.addi %rem3A_106, %select_n3A_105 : i32
      %select_n3A_116 = arith.select %and3A_114, %add3A_115, %rem3A_106 : i32
      %eq3A_117 = arith.constant 1 : i32
      %eq3A_118 = arith.cmpi eq, %select_n3A_116, %eq3A_117 : i32
      %convert_element_type3A_119 = arith.extui %eq3A_118 : i1 to i32
      %cond3A_120 = arith.constant 0 : i32
      %cond3A_121 = arith.cmpi ne, %convert_element_type3A_119, %cond3A_120 : i32
      scf.if %cond3A_121 {
        %lt3A_122 = arith.constant 40 : i32
        %lt3A_123 = arith.cmpi slt, %add3A_88, %lt3A_122 : i32
        %convert_element_type3A_124 = arith.extui %lt3A_123 : i1 to i32
        %cond3A_125 = arith.constant 0 : i32
        %cond3A_126 = arith.cmpi ne, %convert_element_type3A_124, %cond3A_125 : i32
        scf.if %cond3A_126 {
          %dma_wait3A_139 = arith.constant 0 : i32
          %dma_wait3A_140 = tpu.memref_slice %arg11[%scan3A_86, %dma_wait3A_139] : memref<40x125xi32, #tpu.memory_space<vmem>> -> memref<1x125xi32, #tpu.memory_space<vmem>>
          %dma_wait3A_141 = tpu.memref_squeeze %dma_wait3A_140 : memref<1x125xi32, #tpu.memory_space<vmem>> -> memref<125xi32, #tpu.memory_space<vmem>>
          %dma_wait3A_142 = arith.constant 0 : i32
          %dma_wait3A_143 = arith.constant 0 : i32
          %dma_wait3A_144 = tpu.memref_slice %arg9[%dma_wait3A_142, %dma_wait3A_143] : memref<10240x128xf32, #tpu.memory_space<vmem_shared>> -> memref<10240x128xf32, #tpu.memory_space<vmem_shared>>
          tpu.wait_indirect_dma semaphore(%arg16 : memref<!tpu.dma_semaphore, #tpu.memory_space<semaphore_mem>>) src(%arg12 : memref<125x128xf32, #tpu.memory_space<vmem>>) dst(%dma_wait3A_144 : memref<10240x128xf32, #tpu.memory_space<vmem_shared>>)
          %dma_start3A_145 = arith.constant 0 : i32
          %dma_start3A_146 = tpu.memref_slice %arg10[%add3A_88, %dma_start3A_145] : memref<40x125xi32, #tpu.memory_space<vmem>> -> memref<1x125xi32, #tpu.memory_space<vmem>>
          %dma_start3A_147 = tpu.memref_squeeze %dma_start3A_146 : memref<1x125xi32, #tpu.memory_space<vmem>> -> memref<125xi32, #tpu.memory_space<vmem>>
          %dma_start3A_148 = arith.constant 0 : i32
          %dma_start3A_149 = arith.constant 0 : i32
          %dma_start3A_150 = tpu.memref_slice %arg2[%dma_start3A_148, %dma_start3A_149] : memref<10000x128xf32, #tpu.memory_space<hbm>> -> memref<10000x128xf32, #tpu.memory_space<hbm>>
          tpu.enqueue_indirect_dma source(%dma_start3A_150 : memref<10000x128xf32, #tpu.memory_space<hbm>>) target(%arg12 : memref<125x128xf32, #tpu.memory_space<vmem>>) offsets(%dma_start3A_147 : memref<125xi32, #tpu.memory_space<vmem>>) semaphore(%arg14 : memref<!tpu.dma_semaphore, #tpu.memory_space<semaphore_mem>>)
        } else {
        }
        %dma_wait3A_127 = arith.constant 0 : i32
        %dma_wait3A_128 = tpu.memref_slice %arg10[%scan3A_86, %dma_wait3A_127] : memref<40x125xi32, #tpu.memory_space<vmem>> -> memref<1x125xi32, #tpu.memory_space<vmem>>
        %dma_wait3A_129 = tpu.memref_squeeze %dma_wait3A_128 : memref<1x125xi32, #tpu.memory_space<vmem>> -> memref<125xi32, #tpu.memory_space<vmem>>
        %dma_wait3A_130 = arith.constant 0 : i32
        %dma_wait3A_131 = arith.constant 0 : i32
        %dma_wait3A_132 = tpu.memref_slice %arg2[%dma_wait3A_130, %dma_wait3A_131] : memref<10000x128xf32, #tpu.memory_space<hbm>> -> memref<10000x128xf32, #tpu.memory_space<hbm>>
        tpu.wait_indirect_dma semaphore(%arg15 : memref<!tpu.dma_semaphore, #tpu.memory_space<semaphore_mem>>) src(%dma_wait3A_132 : memref<10000x128xf32, #tpu.memory_space<hbm>>) dst(%arg13 : memref<125x128xf32, #tpu.memory_space<vmem>>)
        %dma_start3A_133 = arith.constant 0 : i32
        %dma_start3A_134 = tpu.memref_slice %arg11[%scan3A_86, %dma_start3A_133] : memref<40x125xi32, #tpu.memory_space<vmem>> -> memref<1x125xi32, #tpu.memory_space<vmem>>
        %dma_start3A_135 = tpu.memref_squeeze %dma_start3A_134 : memref<1x125xi32, #tpu.memory_space<vmem>> -> memref<125xi32, #tpu.memory_space<vmem>>
        %dma_start3A_136 = arith.constant 0 : i32
        %dma_start3A_137 = arith.constant 0 : i32
        %dma_start3A_138 = tpu.memref_slice %arg9[%dma_start3A_136, %dma_start3A_137] : memref<10240x128xf32, #tpu.memory_space<vmem_shared>> -> memref<10240x128xf32, #tpu.memory_space<vmem_shared>>
        tpu.enqueue_indirect_dma source(%arg13 : memref<125x128xf32, #tpu.memory_space<vmem>>) target(%dma_start3A_138 : memref<10240x128xf32, #tpu.memory_space<vmem_shared>>) offsets(%dma_start3A_135 : memref<125xi32, #tpu.memory_space<vmem>>) semaphore(%arg17 : memref<!tpu.dma_semaphore, #tpu.memory_space<semaphore_mem>>) {add = true}
      } else {
      }
    }
    %scan3A_40 = arith.constant 40 : i32
    %dma_wait3A = arith.constant 0 : i32
    %dma_wait3A_41 = arith.constant 0 : i32
    %dma_wait3A_42 = tpu.memref_slice %arg11[%dma_wait3A, %dma_wait3A_41] : memref<40x125xi32, #tpu.memory_space<vmem>> -> memref<1x125xi32, #tpu.memory_space<vmem>>
    %dma_wait3A_43 = tpu.memref_squeeze %dma_wait3A_42 : memref<1x125xi32, #tpu.memory_space<vmem>> -> memref<125xi32, #tpu.memory_space<vmem>>
    %dma_wait3A_44 = arith.constant 0 : i32
    %dma_wait3A_45 = arith.constant 0 : i32
    %dma_wait3A_46 = tpu.memref_slice %arg9[%dma_wait3A_44, %dma_wait3A_45] : memref<10240x128xf32, #tpu.memory_space<vmem_shared>> -> memref<10240x128xf32, #tpu.memory_space<vmem_shared>>
    tpu.wait_indirect_dma semaphore(%arg16 : memref<!tpu.dma_semaphore, #tpu.memory_space<semaphore_mem>>) src(%arg12 : memref<125x128xf32, #tpu.memory_space<vmem>>) dst(%dma_wait3A_46 : memref<10240x128xf32, #tpu.memory_space<vmem_shared>>)
    %dma_wait3A_47 = arith.constant 0 : i32
    %dma_wait3A_48 = arith.constant 0 : i32
    %dma_wait3A_49 = tpu.memref_slice %arg11[%dma_wait3A_47, %dma_wait3A_48] : memref<40x125xi32, #tpu.memory_space<vmem>> -> memref<1x125xi32, #tpu.memory_space<vmem>>
    %dma_wait3A_50 = tpu.memref_squeeze %dma_wait3A_49 : memref<1x125xi32, #tpu.memory_space<vmem>> -> memref<125xi32, #tpu.memory_space<vmem>>
    %dma_wait3A_51 = arith.constant 0 : i32
    %dma_wait3A_52 = arith.constant 0 : i32
    %dma_wait3A_53 = tpu.memref_slice %arg9[%dma_wait3A_51, %dma_wait3A_52] : memref<10240x128xf32, #tpu.memory_space<vmem_shared>> -> memref<10240x128xf32, #tpu.memory_space<vmem_shared>>
    tpu.wait_indirect_dma semaphore(%arg17 : memref<!tpu.dma_semaphore, #tpu.memory_space<semaphore_mem>>) src(%arg13 : memref<125x128xf32, #tpu.memory_space<vmem>>) dst(%dma_wait3A_53 : memref<10240x128xf32, #tpu.memory_space<vmem_shared>>)
    %mul3A_54 = arith.constant 80 : i32
    %mul3A_55 = arith.muli %add3A, %mul3A_54 : i32
    %add3A_56 = arith.constant 40 : i32
    %add3A_57 = arith.addi %mul3A_55, %add3A_56 : i32
    "tpu.region"() ({
      %run_scoped3A = tpu.sem_alloc : memref<!tpu.dma_semaphore, #tpu.memory_space<semaphore_mem>>
      %dma_start3A_86 = arith.constant 0 : i32
      %dma_start3A_87 = tpu.memref_slice %arg3[%add3A_57, %dma_start3A_86] : memref<2560x125xi32, #tpu.memory_space<hbm>> -> memref<40x125xi32, #tpu.memory_space<hbm>>
      %dma_start3A_88 = arith.constant 0 : i32
      %dma_start3A_89 = tpu.memref_slice %arg3[%add3A_57, %dma_start3A_88] : memref<2560x125xi32, #tpu.memory_space<hbm>> -> memref<40x125xi32, #tpu.memory_space<hbm>>
      tpu.enqueue_dma source(%dma_start3A_89 : memref<40x125xi32, #tpu.memory_space<hbm>>) target(%arg10 : memref<40x125xi32, #tpu.memory_space<vmem>>) target_semaphore(%run_scoped3A : memref<!tpu.dma_semaphore, #tpu.memory_space<semaphore_mem>>)
      %dma_wait3A_90 = arith.constant 0 : i32
      %dma_wait3A_91 = tpu.memref_slice %arg3[%add3A_57, %dma_wait3A_90] : memref<2560x125xi32, #tpu.memory_space<hbm>> -> memref<40x125xi32, #tpu.memory_space<hbm>>
      %dma_wait3A_92 = arith.constant 0 : i32
      %dma_wait3A_93 = tpu.memref_slice %arg3[%add3A_57, %dma_wait3A_92] : memref<2560x125xi32, #tpu.memory_space<hbm>> -> memref<40x125xi32, #tpu.memory_space<hbm>>
      tpu.wait_dma2 semaphore(%run_scoped3A : memref<!tpu.dma_semaphore, #tpu.memory_space<semaphore_mem>>) src(%dma_wait3A_93 : memref<40x125xi32, #tpu.memory_space<hbm>>) dst(%arg10 : memref<40x125xi32, #tpu.memory_space<vmem>>)
      tpu.yield
    }) : () -> ()
    "tpu.region"() ({
      %run_scoped3A = tpu.sem_alloc : memref<!tpu.dma_semaphore, #tpu.memory_space<semaphore_mem>>
      %dma_start3A_86 = arith.constant 0 : i32
      %dma_start3A_87 = tpu.memref_slice %arg4[%add3A_57, %dma_start3A_86] : memref<2560x125xi32, #tpu.memory_space<hbm>> -> memref<40x125xi32, #tpu.memory_space<hbm>>
      %dma_start3A_88 = arith.constant 0 : i32
      %dma_start3A_89 = tpu.memref_slice %arg4[%add3A_57, %dma_start3A_88] : memref<2560x125xi32, #tpu.memory_space<hbm>> -> memref<40x125xi32, #tpu.memory_space<hbm>>
      tpu.enqueue_dma source(%dma_start3A_89 : memref<40x125xi32, #tpu.memory_space<hbm>>) target(%arg11 : memref<40x125xi32, #tpu.memory_space<vmem>>) target_semaphore(%run_scoped3A : memref<!tpu.dma_semaphore, #tpu.memory_space<semaphore_mem>>)
      %dma_wait3A_90 = arith.constant 0 : i32
      %dma_wait3A_91 = tpu.memref_slice %arg4[%add3A_57, %dma_wait3A_90] : memref<2560x125xi32, #tpu.memory_space<hbm>> -> memref<40x125xi32, #tpu.memory_space<hbm>>
      %dma_wait3A_92 = arith.constant 0 : i32
      %dma_wait3A_93 = tpu.memref_slice %arg4[%add3A_57, %dma_wait3A_92] : memref<2560x125xi32, #tpu.memory_space<hbm>> -> memref<40x125xi32, #tpu.memory_space<hbm>>
      tpu.wait_dma2 semaphore(%run_scoped3A : memref<!tpu.dma_semaphore, #tpu.memory_space<semaphore_mem>>) src(%dma_wait3A_93 : memref<40x125xi32, #tpu.memory_space<hbm>>) dst(%arg11 : memref<40x125xi32, #tpu.memory_space<vmem>>)
      tpu.yield
    }) : () -> ()
    %dma_start3A_58 = arith.constant 0 : i32
    %dma_start3A_59 = arith.constant 0 : i32
    %dma_start3A_60 = tpu.memref_slice %arg10[%dma_start3A_58, %dma_start3A_59] : memref<40x125xi32, #tpu.memory_space<vmem>> -> memref<1x125xi32, #tpu.memory_space<vmem>>
    %dma_start3A_61 = tpu.memref_squeeze %dma_start3A_60 : memref<1x125xi32, #tpu.memory_space<vmem>> -> memref<125xi32, #tpu.memory_space<vmem>>
    %dma_start3A_62 = arith.constant 0 : i32
    %dma_start3A_63 = arith.constant 0 : i32
    %dma_start3A_64 = tpu.memref_slice %arg2[%dma_start3A_62, %dma_start3A_63] : memref<10000x128xf32, #tpu.memory_space<hbm>> -> memref<10000x128xf32, #tpu.memory_space<hbm>>
    tpu.enqueue_indirect_dma source(%dma_start3A_64 : memref<10000x128xf32, #tpu.memory_space<hbm>>) target(%arg12 : memref<125x128xf32, #tpu.memory_space<vmem>>) offsets(%dma_start3A_61 : memref<125xi32, #tpu.memory_space<vmem>>) semaphore(%arg14 : memref<!tpu.dma_semaphore, #tpu.memory_space<semaphore_mem>>)
    %scan3A_65 = arith.constant 0 : i32
    %scan3A_66 = arith.constant 0 : i32
    %scan3A_67 = arith.constant 40 : i32
    %scan3A_68 = arith.addi %scan3A_66, %scan3A_67 : i32
    %scan3A_69 = arith.constant 1 : i32
    scf.for %scan3A_86 = %scan3A_66 to %scan3A_68 step %scan3A_69  : i32 {
      %add3A_87 = arith.constant 1 : i32
      %add3A_88 = arith.addi %scan3A_86, %add3A_87 : i32
      %jit3A = arith.constant 2 : i32
      %eq3A = arith.constant 0 : i32
      %eq3A_89 = arith.cmpi eq, %jit3A, %eq3A : i32
      %jit3A_90 = arith.constant 1 : i32
      %select_n3A = arith.select %eq3A_89, %jit3A_90, %jit3A : i32
      %rem3A = arith.remsi %scan3A_86, %select_n3A : i32
      %ne3A = arith.constant 0 : i32
      %ne3A_91 = arith.cmpi ne, %rem3A, %ne3A : i32
      %lt3A = arith.constant 0 : i32
      %lt3A_92 = arith.cmpi slt, %rem3A, %lt3A : i32
      %lt3A_93 = arith.constant 0 : i32
      %lt3A_94 = arith.cmpi slt, %select_n3A, %lt3A_93 : i32
      %ne3A_95 = arith.xori %lt3A_92, %lt3A_94 : i1
      %and3A = arith.andi %ne3A_95, %ne3A_91 : i1
      %add3A_96 = arith.addi %rem3A, %select_n3A : i32
      %select_n3A_97 = arith.select %and3A, %add3A_96, %rem3A : i32
      %eq3A_98 = arith.constant 0 : i32
      %eq3A_99 = arith.cmpi eq, %select_n3A_97, %eq3A_98 : i32
      %convert_element_type3A = arith.extui %eq3A_99 : i1 to i32
      %cond3A = arith.constant 0 : i32
      %cond3A_100 = arith.cmpi ne, %convert_element_type3A, %cond3A : i32
      scf.if %cond3A_100 {
        %lt3A_122 = arith.constant 40 : i32
        %lt3A_123 = arith.cmpi slt, %add3A_88, %lt3A_122 : i32
        %convert_element_type3A_124 = arith.extui %lt3A_123 : i1 to i32
        %cond3A_125 = arith.constant 0 : i32
        %cond3A_126 = arith.cmpi ne, %convert_element_type3A_124, %cond3A_125 : i32
        scf.if %cond3A_126 {
          %ge3A = arith.constant 2 : i32
          %ge3A_139 = arith.cmpi sge, %scan3A_86, %ge3A : i32
          %convert_element_type3A_140 = arith.extui %ge3A_139 : i1 to i32
          %cond3A_141 = arith.constant 0 : i32
          %cond3A_142 = arith.cmpi ne, %convert_element_type3A_140, %cond3A_141 : i32
          scf.if %cond3A_142 {
            %dma_wait3A_149 = arith.constant 0 : i32
            %dma_wait3A_150 = tpu.memref_slice %arg11[%scan3A_86, %dma_wait3A_149] : memref<40x125xi32, #tpu.memory_space<vmem>> -> memref<1x125xi32, #tpu.memory_space<vmem>>
            %dma_wait3A_151 = tpu.memref_squeeze %dma_wait3A_150 : memref<1x125xi32, #tpu.memory_space<vmem>> -> memref<125xi32, #tpu.memory_space<vmem>>
            %dma_wait3A_152 = arith.constant 0 : i32
            %dma_wait3A_153 = arith.constant 0 : i32
            %dma_wait3A_154 = tpu.memref_slice %arg9[%dma_wait3A_152, %dma_wait3A_153] : memref<10240x128xf32, #tpu.memory_space<vmem_shared>> -> memref<10240x128xf32, #tpu.memory_space<vmem_shared>>
            tpu.wait_indirect_dma semaphore(%arg17 : memref<!tpu.dma_semaphore, #tpu.memory_space<semaphore_mem>>) src(%arg13 : memref<125x128xf32, #tpu.memory_space<vmem>>) dst(%dma_wait3A_154 : memref<10240x128xf32, #tpu.memory_space<vmem_shared>>)
          } else {
          }
          %dma_start3A_143 = arith.constant 0 : i32
          %dma_start3A_144 = tpu.memref_slice %arg10[%add3A_88, %dma_start3A_143] : memref<40x125xi32, #tpu.memory_space<vmem>> -> memref<1x125xi32, #tpu.memory_space<vmem>>
          %dma_start3A_145 = tpu.memref_squeeze %dma_start3A_144 : memref<1x125xi32, #tpu.memory_space<vmem>> -> memref<125xi32, #tpu.memory_space<vmem>>
          %dma_start3A_146 = arith.constant 0 : i32
          %dma_start3A_147 = arith.constant 0 : i32
          %dma_start3A_148 = tpu.memref_slice %arg2[%dma_start3A_146, %dma_start3A_147] : memref<10000x128xf32, #tpu.memory_space<hbm>> -> memref<10000x128xf32, #tpu.memory_space<hbm>>
          tpu.enqueue_indirect_dma source(%dma_start3A_148 : memref<10000x128xf32, #tpu.memory_space<hbm>>) target(%arg13 : memref<125x128xf32, #tpu.memory_space<vmem>>) offsets(%dma_start3A_145 : memref<125xi32, #tpu.memory_space<vmem>>) semaphore(%arg15 : memref<!tpu.dma_semaphore, #tpu.memory_space<semaphore_mem>>)
        } else {
        }
        %dma_wait3A_127 = arith.constant 0 : i32
        %dma_wait3A_128 = tpu.memref_slice %arg10[%scan3A_86, %dma_wait3A_127] : memref<40x125xi32, #tpu.memory_space<vmem>> -> memref<1x125xi32, #tpu.memory_space<vmem>>
        %dma_wait3A_129 = tpu.memref_squeeze %dma_wait3A_128 : memref<1x125xi32, #tpu.memory_space<vmem>> -> memref<125xi32, #tpu.memory_space<vmem>>
        %dma_wait3A_130 = arith.constant 0 : i32
        %dma_wait3A_131 = arith.constant 0 : i32
        %dma_wait3A_132 = tpu.memref_slice %arg2[%dma_wait3A_130, %dma_wait3A_131] : memref<10000x128xf32, #tpu.memory_space<hbm>> -> memref<10000x128xf32, #tpu.memory_space<hbm>>
        tpu.wait_indirect_dma semaphore(%arg14 : memref<!tpu.dma_semaphore, #tpu.memory_space<semaphore_mem>>) src(%dma_wait3A_132 : memref<10000x128xf32, #tpu.memory_space<hbm>>) dst(%arg12 : memref<125x128xf32, #tpu.memory_space<vmem>>)
        %dma_start3A_133 = arith.constant 0 : i32
        %dma_start3A_134 = tpu.memref_slice %arg11[%scan3A_86, %dma_start3A_133] : memref<40x125xi32, #tpu.memory_space<vmem>> -> memref<1x125xi32, #tpu.memory_space<vmem>>
        %dma_start3A_135 = tpu.memref_squeeze %dma_start3A_134 : memref<1x125xi32, #tpu.memory_space<vmem>> -> memref<125xi32, #tpu.memory_space<vmem>>
        %dma_start3A_136 = arith.constant 0 : i32
        %dma_start3A_137 = arith.constant 0 : i32
        %dma_start3A_138 = tpu.memref_slice %arg9[%dma_start3A_136, %dma_start3A_137] : memref<10240x128xf32, #tpu.memory_space<vmem_shared>> -> memref<10240x128xf32, #tpu.memory_space<vmem_shared>>
        tpu.enqueue_indirect_dma source(%arg12 : memref<125x128xf32, #tpu.memory_space<vmem>>) target(%dma_start3A_138 : memref<10240x128xf32, #tpu.memory_space<vmem_shared>>) offsets(%dma_start3A_135 : memref<125xi32, #tpu.memory_space<vmem>>) semaphore(%arg16 : memref<!tpu.dma_semaphore, #tpu.memory_space<semaphore_mem>>) {add = true}
      } else {
      }
      %jit3A_101 = arith.constant 2 : i32
      %eq3A_102 = arith.constant 0 : i32
      %eq3A_103 = arith.cmpi eq, %jit3A_101, %eq3A_102 : i32
      %jit3A_104 = arith.constant 1 : i32
      %select_n3A_105 = arith.select %eq3A_103, %jit3A_104, %jit3A_101 : i32
      %rem3A_106 = arith.remsi %scan3A_86, %select_n3A_105 : i32
      %ne3A_107 = arith.constant 0 : i32
      %ne3A_108 = arith.cmpi ne, %rem3A_106, %ne3A_107 : i32
      %lt3A_109 = arith.constant 0 : i32
      %lt3A_110 = arith.cmpi slt, %rem3A_106, %lt3A_109 : i32
      %lt3A_111 = arith.constant 0 : i32
      %lt3A_112 = arith.cmpi slt, %select_n3A_105, %lt3A_111 : i32
      %ne3A_113 = arith.xori %lt3A_110, %lt3A_112 : i1
      %and3A_114 = arith.andi %ne3A_113, %ne3A_108 : i1
      %add3A_115 = arith.addi %rem3A_106, %select_n3A_105 : i32
      %select_n3A_116 = arith.select %and3A_114, %add3A_115, %rem3A_106 : i32
      %eq3A_117 = arith.constant 1 : i32
      %eq3A_118 = arith.cmpi eq, %select_n3A_116, %eq3A_117 : i32
      %convert_element_type3A_119 = arith.extui %eq3A_118 : i1 to i32
      %cond3A_120 = arith.constant 0 : i32
      %cond3A_121 = arith.cmpi ne, %convert_element_type3A_119, %cond3A_120 : i32
      scf.if %cond3A_121 {
        %lt3A_122 = arith.constant 40 : i32
        %lt3A_123 = arith.cmpi slt, %add3A_88, %lt3A_122 : i32
        %convert_element_type3A_124 = arith.extui %lt3A_123 : i1 to i32
        %cond3A_125 = arith.constant 0 : i32
        %cond3A_126 = arith.cmpi ne, %convert_element_type3A_124, %cond3A_125 : i32
        scf.if %cond3A_126 {
          %dma_wait3A_139 = arith.constant 0 : i32
          %dma_wait3A_140 = tpu.memref_slice %arg11[%scan3A_86, %dma_wait3A_139] : memref<40x125xi32, #tpu.memory_space<vmem>> -> memref<1x125xi32, #tpu.memory_space<vmem>>
          %dma_wait3A_141 = tpu.memref_squeeze %dma_wait3A_140 : memref<1x125xi32, #tpu.memory_space<vmem>> -> memref<125xi32, #tpu.memory_space<vmem>>
          %dma_wait3A_142 = arith.constant 0 : i32
          %dma_wait3A_143 = arith.constant 0 : i32
          %dma_wait3A_144 = tpu.memref_slice %arg9[%dma_wait3A_142, %dma_wait3A_143] : memref<10240x128xf32, #tpu.memory_space<vmem_shared>> -> memref<10240x128xf32, #tpu.memory_space<vmem_shared>>
          tpu.wait_indirect_dma semaphore(%arg16 : memref<!tpu.dma_semaphore, #tpu.memory_space<semaphore_mem>>) src(%arg12 : memref<125x128xf32, #tpu.memory_space<vmem>>) dst(%dma_wait3A_144 : memref<10240x128xf32, #tpu.memory_space<vmem_shared>>)
          %dma_start3A_145 = arith.constant 0 : i32
          %dma_start3A_146 = tpu.memref_slice %arg10[%add3A_88, %dma_start3A_145] : memref<40x125xi32, #tpu.memory_space<vmem>> -> memref<1x125xi32, #tpu.memory_space<vmem>>
          %dma_start3A_147 = tpu.memref_squeeze %dma_start3A_146 : memref<1x125xi32, #tpu.memory_space<vmem>> -> memref<125xi32, #tpu.memory_space<vmem>>
          %dma_start3A_148 = arith.constant 0 : i32
          %dma_start3A_149 = arith.constant 0 : i32
          %dma_start3A_150 = tpu.memref_slice %arg2[%dma_start3A_148, %dma_start3A_149] : memref<10000x128xf32, #tpu.memory_space<hbm>> -> memref<10000x128xf32, #tpu.memory_space<hbm>>
          tpu.enqueue_indirect_dma source(%dma_start3A_150 : memref<10000x128xf32, #tpu.memory_space<hbm>>) target(%arg12 : memref<125x128xf32, #tpu.memory_space<vmem>>) offsets(%dma_start3A_147 : memref<125xi32, #tpu.memory_space<vmem>>) semaphore(%arg14 : memref<!tpu.dma_semaphore, #tpu.memory_space<semaphore_mem>>)
        } else {
        }
        %dma_wait3A_127 = arith.constant 0 : i32
        %dma_wait3A_128 = tpu.memref_slice %arg10[%scan3A_86, %dma_wait3A_127] : memref<40x125xi32, #tpu.memory_space<vmem>> -> memref<1x125xi32, #tpu.memory_space<vmem>>
        %dma_wait3A_129 = tpu.memref_squeeze %dma_wait3A_128 : memref<1x125xi32, #tpu.memory_space<vmem>> -> memref<125xi32, #tpu.memory_space<vmem>>
        %dma_wait3A_130 = arith.constant 0 : i32
        %dma_wait3A_131 = arith.constant 0 : i32
        %dma_wait3A_132 = tpu.memref_slice %arg2[%dma_wait3A_130, %dma_wait3A_131] : memref<10000x128xf32, #tpu.memory_space<hbm>> -> memref<10000x128xf32, #tpu.memory_space<hbm>>
        tpu.wait_indirect_dma semaphore(%arg15 : memref<!tpu.dma_semaphore, #tpu.memory_space<semaphore_mem>>) src(%dma_wait3A_132 : memref<10000x128xf32, #tpu.memory_space<hbm>>) dst(%arg13 : memref<125x128xf32, #tpu.memory_space<vmem>>)
        %dma_start3A_133 = arith.constant 0 : i32
        %dma_start3A_134 = tpu.memref_slice %arg11[%scan3A_86, %dma_start3A_133] : memref<40x125xi32, #tpu.memory_space<vmem>> -> memref<1x125xi32, #tpu.memory_space<vmem>>
        %dma_start3A_135 = tpu.memref_squeeze %dma_start3A_134 : memref<1x125xi32, #tpu.memory_space<vmem>> -> memref<125xi32, #tpu.memory_space<vmem>>
        %dma_start3A_136 = arith.constant 0 : i32
        %dma_start3A_137 = arith.constant 0 : i32
        %dma_start3A_138 = tpu.memref_slice %arg9[%dma_start3A_136, %dma_start3A_137] : memref<10240x128xf32, #tpu.memory_space<vmem_shared>> -> memref<10240x128xf32, #tpu.memory_space<vmem_shared>>
        tpu.enqueue_indirect_dma source(%arg13 : memref<125x128xf32, #tpu.memory_space<vmem>>) target(%dma_start3A_138 : memref<10240x128xf32, #tpu.memory_space<vmem_shared>>) offsets(%dma_start3A_135 : memref<125xi32, #tpu.memory_space<vmem>>) semaphore(%arg17 : memref<!tpu.dma_semaphore, #tpu.memory_space<semaphore_mem>>) {add = true}
      } else {
      }
    }
    %scan3A_70 = arith.constant 40 : i32
    %dma_wait3A_71 = arith.constant 0 : i32
    %dma_wait3A_72 = arith.constant 0 : i32
    %dma_wait3A_73 = tpu.memref_slice %arg11[%dma_wait3A_71, %dma_wait3A_72] : memref<40x125xi32, #tpu.memory_space<vmem>> -> memref<1x125xi32, #tpu.memory_space<vmem>>
    %dma_wait3A_74 = tpu.memref_squeeze %dma_wait3A_73 : memref<1x125xi32, #tpu.memory_space<vmem>> -> memref<125xi32, #tpu.memory_space<vmem>>
    %dma_wait3A_75 = arith.constant 0 : i32
    %dma_wait3A_76 = arith.constant 0 : i32
    %dma_wait3A_77 = tpu.memref_slice %arg9[%dma_wait3A_75, %dma_wait3A_76] : memref<10240x128xf32, #tpu.memory_space<vmem_shared>> -> memref<10240x128xf32, #tpu.memory_space<vmem_shared>>
    tpu.wait_indirect_dma semaphore(%arg16 : memref<!tpu.dma_semaphore, #tpu.memory_space<semaphore_mem>>) src(%arg12 : memref<125x128xf32, #tpu.memory_space<vmem>>) dst(%dma_wait3A_77 : memref<10240x128xf32, #tpu.memory_space<vmem_shared>>)
    %dma_wait3A_78 = arith.constant 0 : i32
    %dma_wait3A_79 = arith.constant 0 : i32
    %dma_wait3A_80 = tpu.memref_slice %arg11[%dma_wait3A_78, %dma_wait3A_79] : memref<40x125xi32, #tpu.memory_space<vmem>> -> memref<1x125xi32, #tpu.memory_space<vmem>>
    %dma_wait3A_81 = tpu.memref_squeeze %dma_wait3A_80 : memref<1x125xi32, #tpu.memory_space<vmem>> -> memref<125xi32, #tpu.memory_space<vmem>>
    %dma_wait3A_82 = arith.constant 0 : i32
    %dma_wait3A_83 = arith.constant 0 : i32
    %dma_wait3A_84 = tpu.memref_slice %arg9[%dma_wait3A_82, %dma_wait3A_83] : memref<10240x128xf32, #tpu.memory_space<vmem_shared>> -> memref<10240x128xf32, #tpu.memory_space<vmem_shared>>
    tpu.wait_indirect_dma semaphore(%arg17 : memref<!tpu.dma_semaphore, #tpu.memory_space<semaphore_mem>>) src(%arg13 : memref<125x128xf32, #tpu.memory_space<vmem>>) dst(%dma_wait3A_84 : memref<10240x128xf32, #tpu.memory_space<vmem_shared>>)
    %barrier3A_85 = arith.constant 0 : index
    tpu.barrier barrier_id(%barrier3A_85)
    "tpu.region"() ({
      %run_scoped3A = tpu.sem_alloc : memref<!tpu.dma_semaphore, #tpu.memory_space<semaphore_mem>>
      %dma_start3A_86 = arith.constant 0 : i32
      %dma_start3A_87 = tpu.memref_slice %arg8[%arg0, %mul3A_2, %dma_start3A_86] : memref<2x10240x128xf32, #tpu.memory_space<hbm>> -> memref<1x640x128xf32, #tpu.memory_space<hbm>>
      %dma_start3A_88 = tpu.memref_squeeze %dma_start3A_87 : memref<1x640x128xf32, #tpu.memory_space<hbm>> -> memref<640x128xf32, #tpu.memory_space<hbm>>
      %dma_start3A_89 = arith.constant 0 : i32
      %dma_start3A_90 = tpu.memref_slice %arg9[%mul3A_2, %dma_start3A_89] : memref<10240x128xf32, #tpu.memory_space<vmem_shared>> -> memref<640x128xf32, #tpu.memory_space<vmem_shared>>
      tpu.enqueue_dma source(%dma_start3A_90 : memref<640x128xf32, #tpu.memory_space<vmem_shared>>) target(%dma_start3A_88 : memref<640x128xf32, #tpu.memory_space<hbm>>) target_semaphore(%run_scoped3A : memref<!tpu.dma_semaphore, #tpu.memory_space<semaphore_mem>>)
      %dma_wait3A_91 = arith.constant 0 : i32
      %dma_wait3A_92 = tpu.memref_slice %arg8[%arg0, %mul3A_2, %dma_wait3A_91] : memref<2x10240x128xf32, #tpu.memory_space<hbm>> -> memref<1x640x128xf32, #tpu.memory_space<hbm>>
      %dma_wait3A_93 = tpu.memref_squeeze %dma_wait3A_92 : memref<1x640x128xf32, #tpu.memory_space<hbm>> -> memref<640x128xf32, #tpu.memory_space<hbm>>
      %dma_wait3A_94 = arith.constant 0 : i32
      %dma_wait3A_95 = tpu.memref_slice %arg9[%mul3A_2, %dma_wait3A_94] : memref<10240x128xf32, #tpu.memory_space<vmem_shared>> -> memref<640x128xf32, #tpu.memory_space<vmem_shared>>
      tpu.wait_dma2 semaphore(%run_scoped3A : memref<!tpu.dma_semaphore, #tpu.memory_space<semaphore_mem>>) src(%dma_wait3A_95 : memref<640x128xf32, #tpu.memory_space<vmem_shared>>) dst(%dma_wait3A_93 : memref<640x128xf32, #tpu.memory_space<hbm>>)
      tpu.yield
    }) : () -> ()
    return
  }
}

#map = affine_map<(d0, d1) -> (0, 0)>
#map1 = affine_map<(d0, d1) -> (0, 0, 0)>
module attributes {stable_mosaic.version = 14 : i64} {
  func.func @_seg_body(%arg0: i32, %arg1: i32, %arg2: memref<10000x128xf32, #tpu.memory_space<hbm>>, %arg3: memref<2560x125xi32, #tpu.memory_space<hbm>>, %arg4: memref<2560x125xi32, #tpu.memory_space<hbm>>, %arg5: memref<640x128xf32, #tpu.memory_space<hbm>>, %arg6: memref<2x10240x128xf32, #tpu.memory_space<hbm>>, %arg7: memref<10240x128xf32, #tpu.memory_space<vmem_shared>>, %arg8: memref<40x125xi32, #tpu.memory_space<vmem>>, %arg9: memref<40x125xi32, #tpu.memory_space<vmem>>, %arg10: memref<125x128xf32, #tpu.memory_space<vmem>>, %arg11: memref<125x128xf32, #tpu.memory_space<vmem>>, %arg12: memref<!tpu.dma_semaphore, #tpu.memory_space<semaphore_mem>>, %arg13: memref<!tpu.dma_semaphore, #tpu.memory_space<semaphore_mem>>, %arg14: memref<!tpu.dma_semaphore, #tpu.memory_space<semaphore_mem>>, %arg15: memref<!tpu.dma_semaphore, #tpu.memory_space<semaphore_mem>>) attributes {dimension_semantics = [#tpu.dimension_semantics<core_parallel>, #tpu.dimension_semantics<subcore_parallel>], iteration_bounds = array<i64: 2, 16>, scalar_prefetch = 0 : i64, scratch_operands = 9 : i64, tpu.core_type = #tpu.core_type<sc_vector_subcore>, window_params = [{transform_indices = #map}, {transform_indices = #map}, {transform_indices = #map}, {transform_indices = #map}, {transform_indices = #map1}]} {
    %mul3A = arith.constant 16 : i32
    %mul3A_0 = arith.muli %arg0, %mul3A : i32
    %add3A = arith.addi %mul3A_0, %arg1 : i32
    %mul3A_1 = arith.constant 640 : i32
    %mul3A_2 = arith.muli %arg1, %mul3A_1 : i32
    "tpu.region"() ({
      %run_scoped3A = tpu.sem_alloc : memref<!tpu.dma_semaphore, #tpu.memory_space<semaphore_mem>>
      %dma_start3A_63 = arith.constant 0 : i32
      %dma_start3A_64 = tpu.memref_slice %arg7[%mul3A_2, %dma_start3A_63] : memref<10240x128xf32, #tpu.memory_space<vmem_shared>> -> memref<640x128xf32, #tpu.memory_space<vmem_shared>>
      tpu.enqueue_dma source(%arg5 : memref<640x128xf32, #tpu.memory_space<hbm>>) target(%dma_start3A_64 : memref<640x128xf32, #tpu.memory_space<vmem_shared>>) target_semaphore(%run_scoped3A : memref<!tpu.dma_semaphore, #tpu.memory_space<semaphore_mem>>)
      %dma_wait3A_65 = arith.constant 0 : i32
      %dma_wait3A_66 = tpu.memref_slice %arg7[%mul3A_2, %dma_wait3A_65] : memref<10240x128xf32, #tpu.memory_space<vmem_shared>> -> memref<640x128xf32, #tpu.memory_space<vmem_shared>>
      tpu.wait_dma2 semaphore(%run_scoped3A : memref<!tpu.dma_semaphore, #tpu.memory_space<semaphore_mem>>) src(%arg5 : memref<640x128xf32, #tpu.memory_space<hbm>>) dst(%dma_wait3A_66 : memref<640x128xf32, #tpu.memory_space<vmem_shared>>)
      tpu.yield
    }) : () -> ()
    %barrier3A = arith.constant 0 : index
    tpu.barrier barrier_id(%barrier3A)
    %mul3A_3 = arith.constant 80 : i32
    %mul3A_4 = arith.muli %add3A, %mul3A_3 : i32
    %add3A_5 = arith.constant 0 : i32
    %add3A_6 = arith.addi %mul3A_4, %add3A_5 : i32
    "tpu.region"() ({
      %run_scoped3A = tpu.sem_alloc : memref<!tpu.dma_semaphore, #tpu.memory_space<semaphore_mem>>
      %dma_start3A_63 = arith.constant 0 : i32
      %dma_start3A_64 = tpu.memref_slice %arg3[%add3A_6, %dma_start3A_63] : memref<2560x125xi32, #tpu.memory_space<hbm>> -> memref<40x125xi32, #tpu.memory_space<hbm>>
      %dma_start3A_65 = arith.constant 0 : i32
      %dma_start3A_66 = tpu.memref_slice %arg3[%add3A_6, %dma_start3A_65] : memref<2560x125xi32, #tpu.memory_space<hbm>> -> memref<40x125xi32, #tpu.memory_space<hbm>>
      tpu.enqueue_dma source(%dma_start3A_66 : memref<40x125xi32, #tpu.memory_space<hbm>>) target(%arg8 : memref<40x125xi32, #tpu.memory_space<vmem>>) target_semaphore(%run_scoped3A : memref<!tpu.dma_semaphore, #tpu.memory_space<semaphore_mem>>)
      %dma_wait3A_67 = arith.constant 0 : i32
      %dma_wait3A_68 = tpu.memref_slice %arg3[%add3A_6, %dma_wait3A_67] : memref<2560x125xi32, #tpu.memory_space<hbm>> -> memref<40x125xi32, #tpu.memory_space<hbm>>
      %dma_wait3A_69 = arith.constant 0 : i32
      %dma_wait3A_70 = tpu.memref_slice %arg3[%add3A_6, %dma_wait3A_69] : memref<2560x125xi32, #tpu.memory_space<hbm>> -> memref<40x125xi32, #tpu.memory_space<hbm>>
      tpu.wait_dma2 semaphore(%run_scoped3A : memref<!tpu.dma_semaphore, #tpu.memory_space<semaphore_mem>>) src(%dma_wait3A_70 : memref<40x125xi32, #tpu.memory_space<hbm>>) dst(%arg8 : memref<40x125xi32, #tpu.memory_space<vmem>>)
      tpu.yield
    }) : () -> ()
    "tpu.region"() ({
      %run_scoped3A = tpu.sem_alloc : memref<!tpu.dma_semaphore, #tpu.memory_space<semaphore_mem>>
      %dma_start3A_63 = arith.constant 0 : i32
      %dma_start3A_64 = tpu.memref_slice %arg4[%add3A_6, %dma_start3A_63] : memref<2560x125xi32, #tpu.memory_space<hbm>> -> memref<40x125xi32, #tpu.memory_space<hbm>>
      %dma_start3A_65 = arith.constant 0 : i32
      %dma_start3A_66 = tpu.memref_slice %arg4[%add3A_6, %dma_start3A_65] : memref<2560x125xi32, #tpu.memory_space<hbm>> -> memref<40x125xi32, #tpu.memory_space<hbm>>
      tpu.enqueue_dma source(%dma_start3A_66 : memref<40x125xi32, #tpu.memory_space<hbm>>) target(%arg9 : memref<40x125xi32, #tpu.memory_space<vmem>>) target_semaphore(%run_scoped3A : memref<!tpu.dma_semaphore, #tpu.memory_space<semaphore_mem>>)
      %dma_wait3A_67 = arith.constant 0 : i32
      %dma_wait3A_68 = tpu.memref_slice %arg4[%add3A_6, %dma_wait3A_67] : memref<2560x125xi32, #tpu.memory_space<hbm>> -> memref<40x125xi32, #tpu.memory_space<hbm>>
      %dma_wait3A_69 = arith.constant 0 : i32
      %dma_wait3A_70 = tpu.memref_slice %arg4[%add3A_6, %dma_wait3A_69] : memref<2560x125xi32, #tpu.memory_space<hbm>> -> memref<40x125xi32, #tpu.memory_space<hbm>>
      tpu.wait_dma2 semaphore(%run_scoped3A : memref<!tpu.dma_semaphore, #tpu.memory_space<semaphore_mem>>) src(%dma_wait3A_70 : memref<40x125xi32, #tpu.memory_space<hbm>>) dst(%arg9 : memref<40x125xi32, #tpu.memory_space<vmem>>)
      tpu.yield
    }) : () -> ()
    %dma_start3A = arith.constant 0 : i32
    %dma_start3A_7 = arith.constant 0 : i32
    %dma_start3A_8 = tpu.memref_slice %arg8[%dma_start3A, %dma_start3A_7] : memref<40x125xi32, #tpu.memory_space<vmem>> -> memref<1x125xi32, #tpu.memory_space<vmem>>
    %dma_start3A_9 = tpu.memref_squeeze %dma_start3A_8 : memref<1x125xi32, #tpu.memory_space<vmem>> -> memref<125xi32, #tpu.memory_space<vmem>>
    %dma_start3A_10 = arith.constant 0 : i32
    %dma_start3A_11 = arith.constant 0 : i32
    %dma_start3A_12 = tpu.memref_slice %arg2[%dma_start3A_10, %dma_start3A_11] : memref<10000x128xf32, #tpu.memory_space<hbm>> -> memref<10000x128xf32, #tpu.memory_space<hbm>>
    tpu.enqueue_indirect_dma source(%dma_start3A_12 : memref<10000x128xf32, #tpu.memory_space<hbm>>) target(%arg10 : memref<125x128xf32, #tpu.memory_space<vmem>>) offsets(%dma_start3A_9 : memref<125xi32, #tpu.memory_space<vmem>>) semaphore(%arg12 : memref<!tpu.dma_semaphore, #tpu.memory_space<semaphore_mem>>)
    %scan3A = arith.constant 0 : i32
    %scan3A_13 = arith.constant 0 : i32
    %scan3A_14 = arith.constant 40 : i32
    %scan3A_15 = arith.addi %scan3A_13, %scan3A_14 : i32
    %scan3A_16 = arith.constant 1 : i32
    scf.for %scan3A_63 = %scan3A_13 to %scan3A_15 step %scan3A_16  : i32 {
      %add3A_64 = arith.constant 1 : i32
      %add3A_65 = arith.addi %scan3A_63, %add3A_64 : i32
      %jit3A = arith.constant 2 : i32
      %eq3A = arith.constant 0 : i32
      %eq3A_66 = arith.cmpi eq, %jit3A, %eq3A : i32
      %jit3A_67 = arith.constant 1 : i32
      %select_n3A = arith.select %eq3A_66, %jit3A_67, %jit3A : i32
      %rem3A = arith.remsi %scan3A_63, %select_n3A : i32
      %ne3A = arith.constant 0 : i32
      %ne3A_68 = arith.cmpi ne, %rem3A, %ne3A : i32
      %lt3A = arith.constant 0 : i32
      %lt3A_69 = arith.cmpi slt, %rem3A, %lt3A : i32
      %lt3A_70 = arith.constant 0 : i32
      %lt3A_71 = arith.cmpi slt, %select_n3A, %lt3A_70 : i32
      %ne3A_72 = arith.xori %lt3A_69, %lt3A_71 : i1
      %and3A = arith.andi %ne3A_72, %ne3A_68 : i1
      %add3A_73 = arith.addi %rem3A, %select_n3A : i32
      %select_n3A_74 = arith.select %and3A, %add3A_73, %rem3A : i32
      %eq3A_75 = arith.constant 0 : i32
      %eq3A_76 = arith.cmpi eq, %select_n3A_74, %eq3A_75 : i32
      %convert_element_type3A = arith.extui %eq3A_76 : i1 to i32
      %cond3A = arith.constant 0 : i32
      %cond3A_77 = arith.cmpi ne, %convert_element_type3A, %cond3A : i32
      scf.if %cond3A_77 {
        %lt3A_99 = arith.constant 40 : i32
        %lt3A_100 = arith.cmpi slt, %add3A_65, %lt3A_99 : i32
        %convert_element_type3A_101 = arith.extui %lt3A_100 : i1 to i32
        %cond3A_102 = arith.constant 0 : i32
        %cond3A_103 = arith.cmpi ne, %convert_element_type3A_101, %cond3A_102 : i32
        scf.if %cond3A_103 {
          %ge3A = arith.constant 2 : i32
          %ge3A_116 = arith.cmpi sge, %scan3A_63, %ge3A : i32
          %convert_element_type3A_117 = arith.extui %ge3A_116 : i1 to i32
          %cond3A_118 = arith.constant 0 : i32
          %cond3A_119 = arith.cmpi ne, %convert_element_type3A_117, %cond3A_118 : i32
          scf.if %cond3A_119 {
            %dma_wait3A_126 = arith.constant 0 : i32
            %dma_wait3A_127 = tpu.memref_slice %arg9[%scan3A_63, %dma_wait3A_126] : memref<40x125xi32, #tpu.memory_space<vmem>> -> memref<1x125xi32, #tpu.memory_space<vmem>>
            %dma_wait3A_128 = tpu.memref_squeeze %dma_wait3A_127 : memref<1x125xi32, #tpu.memory_space<vmem>> -> memref<125xi32, #tpu.memory_space<vmem>>
            %dma_wait3A_129 = arith.constant 0 : i32
            %dma_wait3A_130 = arith.constant 0 : i32
            %dma_wait3A_131 = tpu.memref_slice %arg7[%dma_wait3A_129, %dma_wait3A_130] : memref<10240x128xf32, #tpu.memory_space<vmem_shared>> -> memref<10240x128xf32, #tpu.memory_space<vmem_shared>>
            tpu.wait_indirect_dma semaphore(%arg15 : memref<!tpu.dma_semaphore, #tpu.memory_space<semaphore_mem>>) src(%arg11 : memref<125x128xf32, #tpu.memory_space<vmem>>) dst(%dma_wait3A_131 : memref<10240x128xf32, #tpu.memory_space<vmem_shared>>)
          } else {
          }
          %dma_start3A_120 = arith.constant 0 : i32
          %dma_start3A_121 = tpu.memref_slice %arg8[%add3A_65, %dma_start3A_120] : memref<40x125xi32, #tpu.memory_space<vmem>> -> memref<1x125xi32, #tpu.memory_space<vmem>>
          %dma_start3A_122 = tpu.memref_squeeze %dma_start3A_121 : memref<1x125xi32, #tpu.memory_space<vmem>> -> memref<125xi32, #tpu.memory_space<vmem>>
          %dma_start3A_123 = arith.constant 0 : i32
          %dma_start3A_124 = arith.constant 0 : i32
          %dma_start3A_125 = tpu.memref_slice %arg2[%dma_start3A_123, %dma_start3A_124] : memref<10000x128xf32, #tpu.memory_space<hbm>> -> memref<10000x128xf32, #tpu.memory_space<hbm>>
          tpu.enqueue_indirect_dma source(%dma_start3A_125 : memref<10000x128xf32, #tpu.memory_space<hbm>>) target(%arg11 : memref<125x128xf32, #tpu.memory_space<vmem>>) offsets(%dma_start3A_122 : memref<125xi32, #tpu.memory_space<vmem>>) semaphore(%arg13 : memref<!tpu.dma_semaphore, #tpu.memory_space<semaphore_mem>>)
        } else {
        }
        %dma_wait3A_104 = arith.constant 0 : i32
        %dma_wait3A_105 = tpu.memref_slice %arg8[%scan3A_63, %dma_wait3A_104] : memref<40x125xi32, #tpu.memory_space<vmem>> -> memref<1x125xi32, #tpu.memory_space<vmem>>
        %dma_wait3A_106 = tpu.memref_squeeze %dma_wait3A_105 : memref<1x125xi32, #tpu.memory_space<vmem>> -> memref<125xi32, #tpu.memory_space<vmem>>
        %dma_wait3A_107 = arith.constant 0 : i32
        %dma_wait3A_108 = arith.constant 0 : i32
        %dma_wait3A_109 = tpu.memref_slice %arg2[%dma_wait3A_107, %dma_wait3A_108] : memref<10000x128xf32, #tpu.memory_space<hbm>> -> memref<10000x128xf32, #tpu.memory_space<hbm>>
        tpu.wait_indirect_dma semaphore(%arg12 : memref<!tpu.dma_semaphore, #tpu.memory_space<semaphore_mem>>) src(%dma_wait3A_109 : memref<10000x128xf32, #tpu.memory_space<hbm>>) dst(%arg10 : memref<125x128xf32, #tpu.memory_space<vmem>>)
        %dma_start3A_110 = arith.constant 0 : i32
        %dma_start3A_111 = tpu.memref_slice %arg9[%scan3A_63, %dma_start3A_110] : memref<40x125xi32, #tpu.memory_space<vmem>> -> memref<1x125xi32, #tpu.memory_space<vmem>>
        %dma_start3A_112 = tpu.memref_squeeze %dma_start3A_111 : memref<1x125xi32, #tpu.memory_space<vmem>> -> memref<125xi32, #tpu.memory_space<vmem>>
        %dma_start3A_113 = arith.constant 0 : i32
        %dma_start3A_114 = arith.constant 0 : i32
        %dma_start3A_115 = tpu.memref_slice %arg7[%dma_start3A_113, %dma_start3A_114] : memref<10240x128xf32, #tpu.memory_space<vmem_shared>> -> memref<10240x128xf32, #tpu.memory_space<vmem_shared>>
        tpu.enqueue_indirect_dma source(%arg10 : memref<125x128xf32, #tpu.memory_space<vmem>>) target(%dma_start3A_115 : memref<10240x128xf32, #tpu.memory_space<vmem_shared>>) offsets(%dma_start3A_112 : memref<125xi32, #tpu.memory_space<vmem>>) semaphore(%arg14 : memref<!tpu.dma_semaphore, #tpu.memory_space<semaphore_mem>>) {add = true}
      } else {
      }
      %jit3A_78 = arith.constant 2 : i32
      %eq3A_79 = arith.constant 0 : i32
      %eq3A_80 = arith.cmpi eq, %jit3A_78, %eq3A_79 : i32
      %jit3A_81 = arith.constant 1 : i32
      %select_n3A_82 = arith.select %eq3A_80, %jit3A_81, %jit3A_78 : i32
      %rem3A_83 = arith.remsi %scan3A_63, %select_n3A_82 : i32
      %ne3A_84 = arith.constant 0 : i32
      %ne3A_85 = arith.cmpi ne, %rem3A_83, %ne3A_84 : i32
      %lt3A_86 = arith.constant 0 : i32
      %lt3A_87 = arith.cmpi slt, %rem3A_83, %lt3A_86 : i32
      %lt3A_88 = arith.constant 0 : i32
      %lt3A_89 = arith.cmpi slt, %select_n3A_82, %lt3A_88 : i32
      %ne3A_90 = arith.xori %lt3A_87, %lt3A_89 : i1
      %and3A_91 = arith.andi %ne3A_90, %ne3A_85 : i1
      %add3A_92 = arith.addi %rem3A_83, %select_n3A_82 : i32
      %select_n3A_93 = arith.select %and3A_91, %add3A_92, %rem3A_83 : i32
      %eq3A_94 = arith.constant 1 : i32
      %eq3A_95 = arith.cmpi eq, %select_n3A_93, %eq3A_94 : i32
      %convert_element_type3A_96 = arith.extui %eq3A_95 : i1 to i32
      %cond3A_97 = arith.constant 0 : i32
      %cond3A_98 = arith.cmpi ne, %convert_element_type3A_96, %cond3A_97 : i32
      scf.if %cond3A_98 {
        %lt3A_99 = arith.constant 40 : i32
        %lt3A_100 = arith.cmpi slt, %add3A_65, %lt3A_99 : i32
        %convert_element_type3A_101 = arith.extui %lt3A_100 : i1 to i32
        %cond3A_102 = arith.constant 0 : i32
        %cond3A_103 = arith.cmpi ne, %convert_element_type3A_101, %cond3A_102 : i32
        scf.if %cond3A_103 {
          %dma_wait3A_116 = arith.constant 0 : i32
          %dma_wait3A_117 = tpu.memref_slice %arg9[%scan3A_63, %dma_wait3A_116] : memref<40x125xi32, #tpu.memory_space<vmem>> -> memref<1x125xi32, #tpu.memory_space<vmem>>
          %dma_wait3A_118 = tpu.memref_squeeze %dma_wait3A_117 : memref<1x125xi32, #tpu.memory_space<vmem>> -> memref<125xi32, #tpu.memory_space<vmem>>
          %dma_wait3A_119 = arith.constant 0 : i32
          %dma_wait3A_120 = arith.constant 0 : i32
          %dma_wait3A_121 = tpu.memref_slice %arg7[%dma_wait3A_119, %dma_wait3A_120] : memref<10240x128xf32, #tpu.memory_space<vmem_shared>> -> memref<10240x128xf32, #tpu.memory_space<vmem_shared>>
          tpu.wait_indirect_dma semaphore(%arg14 : memref<!tpu.dma_semaphore, #tpu.memory_space<semaphore_mem>>) src(%arg10 : memref<125x128xf32, #tpu.memory_space<vmem>>) dst(%dma_wait3A_121 : memref<10240x128xf32, #tpu.memory_space<vmem_shared>>)
          %dma_start3A_122 = arith.constant 0 : i32
          %dma_start3A_123 = tpu.memref_slice %arg8[%add3A_65, %dma_start3A_122] : memref<40x125xi32, #tpu.memory_space<vmem>> -> memref<1x125xi32, #tpu.memory_space<vmem>>
          %dma_start3A_124 = tpu.memref_squeeze %dma_start3A_123 : memref<1x125xi32, #tpu.memory_space<vmem>> -> memref<125xi32, #tpu.memory_space<vmem>>
          %dma_start3A_125 = arith.constant 0 : i32
          %dma_start3A_126 = arith.constant 0 : i32
          %dma_start3A_127 = tpu.memref_slice %arg2[%dma_start3A_125, %dma_start3A_126] : memref<10000x128xf32, #tpu.memory_space<hbm>> -> memref<10000x128xf32, #tpu.memory_space<hbm>>
          tpu.enqueue_indirect_dma source(%dma_start3A_127 : memref<10000x128xf32, #tpu.memory_space<hbm>>) target(%arg10 : memref<125x128xf32, #tpu.memory_space<vmem>>) offsets(%dma_start3A_124 : memref<125xi32, #tpu.memory_space<vmem>>) semaphore(%arg12 : memref<!tpu.dma_semaphore, #tpu.memory_space<semaphore_mem>>)
        } else {
        }
        %dma_wait3A_104 = arith.constant 0 : i32
        %dma_wait3A_105 = tpu.memref_slice %arg8[%scan3A_63, %dma_wait3A_104] : memref<40x125xi32, #tpu.memory_space<vmem>> -> memref<1x125xi32, #tpu.memory_space<vmem>>
        %dma_wait3A_106 = tpu.memref_squeeze %dma_wait3A_105 : memref<1x125xi32, #tpu.memory_space<vmem>> -> memref<125xi32, #tpu.memory_space<vmem>>
        %dma_wait3A_107 = arith.constant 0 : i32
        %dma_wait3A_108 = arith.constant 0 : i32
        %dma_wait3A_109 = tpu.memref_slice %arg2[%dma_wait3A_107, %dma_wait3A_108] : memref<10000x128xf32, #tpu.memory_space<hbm>> -> memref<10000x128xf32, #tpu.memory_space<hbm>>
        tpu.wait_indirect_dma semaphore(%arg13 : memref<!tpu.dma_semaphore, #tpu.memory_space<semaphore_mem>>) src(%dma_wait3A_109 : memref<10000x128xf32, #tpu.memory_space<hbm>>) dst(%arg11 : memref<125x128xf32, #tpu.memory_space<vmem>>)
        %dma_start3A_110 = arith.constant 0 : i32
        %dma_start3A_111 = tpu.memref_slice %arg9[%scan3A_63, %dma_start3A_110] : memref<40x125xi32, #tpu.memory_space<vmem>> -> memref<1x125xi32, #tpu.memory_space<vmem>>
        %dma_start3A_112 = tpu.memref_squeeze %dma_start3A_111 : memref<1x125xi32, #tpu.memory_space<vmem>> -> memref<125xi32, #tpu.memory_space<vmem>>
        %dma_start3A_113 = arith.constant 0 : i32
        %dma_start3A_114 = arith.constant 0 : i32
        %dma_start3A_115 = tpu.memref_slice %arg7[%dma_start3A_113, %dma_start3A_114] : memref<10240x128xf32, #tpu.memory_space<vmem_shared>> -> memref<10240x128xf32, #tpu.memory_space<vmem_shared>>
        tpu.enqueue_indirect_dma source(%arg11 : memref<125x128xf32, #tpu.memory_space<vmem>>) target(%dma_start3A_115 : memref<10240x128xf32, #tpu.memory_space<vmem_shared>>) offsets(%dma_start3A_112 : memref<125xi32, #tpu.memory_space<vmem>>) semaphore(%arg15 : memref<!tpu.dma_semaphore, #tpu.memory_space<semaphore_mem>>) {add = true}
      } else {
      }
    }
    %scan3A_17 = arith.constant 40 : i32
    %dma_wait3A = arith.constant 0 : i32
    %dma_wait3A_18 = arith.constant 0 : i32
    %dma_wait3A_19 = tpu.memref_slice %arg9[%dma_wait3A, %dma_wait3A_18] : memref<40x125xi32, #tpu.memory_space<vmem>> -> memref<1x125xi32, #tpu.memory_space<vmem>>
    %dma_wait3A_20 = tpu.memref_squeeze %dma_wait3A_19 : memref<1x125xi32, #tpu.memory_space<vmem>> -> memref<125xi32, #tpu.memory_space<vmem>>
    %dma_wait3A_21 = arith.constant 0 : i32
    %dma_wait3A_22 = arith.constant 0 : i32
    %dma_wait3A_23 = tpu.memref_slice %arg7[%dma_wait3A_21, %dma_wait3A_22] : memref<10240x128xf32, #tpu.memory_space<vmem_shared>> -> memref<10240x128xf32, #tpu.memory_space<vmem_shared>>
    tpu.wait_indirect_dma semaphore(%arg14 : memref<!tpu.dma_semaphore, #tpu.memory_space<semaphore_mem>>) src(%arg10 : memref<125x128xf32, #tpu.memory_space<vmem>>) dst(%dma_wait3A_23 : memref<10240x128xf32, #tpu.memory_space<vmem_shared>>)
    %dma_wait3A_24 = arith.constant 0 : i32
    %dma_wait3A_25 = arith.constant 0 : i32
    %dma_wait3A_26 = tpu.memref_slice %arg9[%dma_wait3A_24, %dma_wait3A_25] : memref<40x125xi32, #tpu.memory_space<vmem>> -> memref<1x125xi32, #tpu.memory_space<vmem>>
    %dma_wait3A_27 = tpu.memref_squeeze %dma_wait3A_26 : memref<1x125xi32, #tpu.memory_space<vmem>> -> memref<125xi32, #tpu.memory_space<vmem>>
    %dma_wait3A_28 = arith.constant 0 : i32
    %dma_wait3A_29 = arith.constant 0 : i32
    %dma_wait3A_30 = tpu.memref_slice %arg7[%dma_wait3A_28, %dma_wait3A_29] : memref<10240x128xf32, #tpu.memory_space<vmem_shared>> -> memref<10240x128xf32, #tpu.memory_space<vmem_shared>>
    tpu.wait_indirect_dma semaphore(%arg15 : memref<!tpu.dma_semaphore, #tpu.memory_space<semaphore_mem>>) src(%arg11 : memref<125x128xf32, #tpu.memory_space<vmem>>) dst(%dma_wait3A_30 : memref<10240x128xf32, #tpu.memory_space<vmem_shared>>)
    %mul3A_31 = arith.constant 80 : i32
    %mul3A_32 = arith.muli %add3A, %mul3A_31 : i32
    %add3A_33 = arith.constant 40 : i32
    %add3A_34 = arith.addi %mul3A_32, %add3A_33 : i32
    "tpu.region"() ({
      %run_scoped3A = tpu.sem_alloc : memref<!tpu.dma_semaphore, #tpu.memory_space<semaphore_mem>>
      %dma_start3A_63 = arith.constant 0 : i32
      %dma_start3A_64 = tpu.memref_slice %arg3[%add3A_34, %dma_start3A_63] : memref<2560x125xi32, #tpu.memory_space<hbm>> -> memref<40x125xi32, #tpu.memory_space<hbm>>
      %dma_start3A_65 = arith.constant 0 : i32
      %dma_start3A_66 = tpu.memref_slice %arg3[%add3A_34, %dma_start3A_65] : memref<2560x125xi32, #tpu.memory_space<hbm>> -> memref<40x125xi32, #tpu.memory_space<hbm>>
      tpu.enqueue_dma source(%dma_start3A_66 : memref<40x125xi32, #tpu.memory_space<hbm>>) target(%arg8 : memref<40x125xi32, #tpu.memory_space<vmem>>) target_semaphore(%run_scoped3A : memref<!tpu.dma_semaphore, #tpu.memory_space<semaphore_mem>>)
      %dma_wait3A_67 = arith.constant 0 : i32
      %dma_wait3A_68 = tpu.memref_slice %arg3[%add3A_34, %dma_wait3A_67] : memref<2560x125xi32, #tpu.memory_space<hbm>> -> memref<40x125xi32, #tpu.memory_space<hbm>>
      %dma_wait3A_69 = arith.constant 0 : i32
      %dma_wait3A_70 = tpu.memref_slice %arg3[%add3A_34, %dma_wait3A_69] : memref<2560x125xi32, #tpu.memory_space<hbm>> -> memref<40x125xi32, #tpu.memory_space<hbm>>
      tpu.wait_dma2 semaphore(%run_scoped3A : memref<!tpu.dma_semaphore, #tpu.memory_space<semaphore_mem>>) src(%dma_wait3A_70 : memref<40x125xi32, #tpu.memory_space<hbm>>) dst(%arg8 : memref<40x125xi32, #tpu.memory_space<vmem>>)
      tpu.yield
    }) : () -> ()
    "tpu.region"() ({
      %run_scoped3A = tpu.sem_alloc : memref<!tpu.dma_semaphore, #tpu.memory_space<semaphore_mem>>
      %dma_start3A_63 = arith.constant 0 : i32
      %dma_start3A_64 = tpu.memref_slice %arg4[%add3A_34, %dma_start3A_63] : memref<2560x125xi32, #tpu.memory_space<hbm>> -> memref<40x125xi32, #tpu.memory_space<hbm>>
      %dma_start3A_65 = arith.constant 0 : i32
      %dma_start3A_66 = tpu.memref_slice %arg4[%add3A_34, %dma_start3A_65] : memref<2560x125xi32, #tpu.memory_space<hbm>> -> memref<40x125xi32, #tpu.memory_space<hbm>>
      tpu.enqueue_dma source(%dma_start3A_66 : memref<40x125xi32, #tpu.memory_space<hbm>>) target(%arg9 : memref<40x125xi32, #tpu.memory_space<vmem>>) target_semaphore(%run_scoped3A : memref<!tpu.dma_semaphore, #tpu.memory_space<semaphore_mem>>)
      %dma_wait3A_67 = arith.constant 0 : i32
      %dma_wait3A_68 = tpu.memref_slice %arg4[%add3A_34, %dma_wait3A_67] : memref<2560x125xi32, #tpu.memory_space<hbm>> -> memref<40x125xi32, #tpu.memory_space<hbm>>
      %dma_wait3A_69 = arith.constant 0 : i32
      %dma_wait3A_70 = tpu.memref_slice %arg4[%add3A_34, %dma_wait3A_69] : memref<2560x125xi32, #tpu.memory_space<hbm>> -> memref<40x125xi32, #tpu.memory_space<hbm>>
      tpu.wait_dma2 semaphore(%run_scoped3A : memref<!tpu.dma_semaphore, #tpu.memory_space<semaphore_mem>>) src(%dma_wait3A_70 : memref<40x125xi32, #tpu.memory_space<hbm>>) dst(%arg9 : memref<40x125xi32, #tpu.memory_space<vmem>>)
      tpu.yield
    }) : () -> ()
    %dma_start3A_35 = arith.constant 0 : i32
    %dma_start3A_36 = arith.constant 0 : i32
    %dma_start3A_37 = tpu.memref_slice %arg8[%dma_start3A_35, %dma_start3A_36] : memref<40x125xi32, #tpu.memory_space<vmem>> -> memref<1x125xi32, #tpu.memory_space<vmem>>
    %dma_start3A_38 = tpu.memref_squeeze %dma_start3A_37 : memref<1x125xi32, #tpu.memory_space<vmem>> -> memref<125xi32, #tpu.memory_space<vmem>>
    %dma_start3A_39 = arith.constant 0 : i32
    %dma_start3A_40 = arith.constant 0 : i32
    %dma_start3A_41 = tpu.memref_slice %arg2[%dma_start3A_39, %dma_start3A_40] : memref<10000x128xf32, #tpu.memory_space<hbm>> -> memref<10000x128xf32, #tpu.memory_space<hbm>>
    tpu.enqueue_indirect_dma source(%dma_start3A_41 : memref<10000x128xf32, #tpu.memory_space<hbm>>) target(%arg10 : memref<125x128xf32, #tpu.memory_space<vmem>>) offsets(%dma_start3A_38 : memref<125xi32, #tpu.memory_space<vmem>>) semaphore(%arg12 : memref<!tpu.dma_semaphore, #tpu.memory_space<semaphore_mem>>)
    %scan3A_42 = arith.constant 0 : i32
    %scan3A_43 = arith.constant 0 : i32
    %scan3A_44 = arith.constant 40 : i32
    %scan3A_45 = arith.addi %scan3A_43, %scan3A_44 : i32
    %scan3A_46 = arith.constant 1 : i32
    scf.for %scan3A_63 = %scan3A_43 to %scan3A_45 step %scan3A_46  : i32 {
      %add3A_64 = arith.constant 1 : i32
      %add3A_65 = arith.addi %scan3A_63, %add3A_64 : i32
      %jit3A = arith.constant 2 : i32
      %eq3A = arith.constant 0 : i32
      %eq3A_66 = arith.cmpi eq, %jit3A, %eq3A : i32
      %jit3A_67 = arith.constant 1 : i32
      %select_n3A = arith.select %eq3A_66, %jit3A_67, %jit3A : i32
      %rem3A = arith.remsi %scan3A_63, %select_n3A : i32
      %ne3A = arith.constant 0 : i32
      %ne3A_68 = arith.cmpi ne, %rem3A, %ne3A : i32
      %lt3A = arith.constant 0 : i32
      %lt3A_69 = arith.cmpi slt, %rem3A, %lt3A : i32
      %lt3A_70 = arith.constant 0 : i32
      %lt3A_71 = arith.cmpi slt, %select_n3A, %lt3A_70 : i32
      %ne3A_72 = arith.xori %lt3A_69, %lt3A_71 : i1
      %and3A = arith.andi %ne3A_72, %ne3A_68 : i1
      %add3A_73 = arith.addi %rem3A, %select_n3A : i32
      %select_n3A_74 = arith.select %and3A, %add3A_73, %rem3A : i32
      %eq3A_75 = arith.constant 0 : i32
      %eq3A_76 = arith.cmpi eq, %select_n3A_74, %eq3A_75 : i32
      %convert_element_type3A = arith.extui %eq3A_76 : i1 to i32
      %cond3A = arith.constant 0 : i32
      %cond3A_77 = arith.cmpi ne, %convert_element_type3A, %cond3A : i32
      scf.if %cond3A_77 {
        %lt3A_99 = arith.constant 40 : i32
        %lt3A_100 = arith.cmpi slt, %add3A_65, %lt3A_99 : i32
        %convert_element_type3A_101 = arith.extui %lt3A_100 : i1 to i32
        %cond3A_102 = arith.constant 0 : i32
        %cond3A_103 = arith.cmpi ne, %convert_element_type3A_101, %cond3A_102 : i32
        scf.if %cond3A_103 {
          %ge3A = arith.constant 2 : i32
          %ge3A_116 = arith.cmpi sge, %scan3A_63, %ge3A : i32
          %convert_element_type3A_117 = arith.extui %ge3A_116 : i1 to i32
          %cond3A_118 = arith.constant 0 : i32
          %cond3A_119 = arith.cmpi ne, %convert_element_type3A_117, %cond3A_118 : i32
          scf.if %cond3A_119 {
            %dma_wait3A_126 = arith.constant 0 : i32
            %dma_wait3A_127 = tpu.memref_slice %arg9[%scan3A_63, %dma_wait3A_126] : memref<40x125xi32, #tpu.memory_space<vmem>> -> memref<1x125xi32, #tpu.memory_space<vmem>>
            %dma_wait3A_128 = tpu.memref_squeeze %dma_wait3A_127 : memref<1x125xi32, #tpu.memory_space<vmem>> -> memref<125xi32, #tpu.memory_space<vmem>>
            %dma_wait3A_129 = arith.constant 0 : i32
            %dma_wait3A_130 = arith.constant 0 : i32
            %dma_wait3A_131 = tpu.memref_slice %arg7[%dma_wait3A_129, %dma_wait3A_130] : memref<10240x128xf32, #tpu.memory_space<vmem_shared>> -> memref<10240x128xf32, #tpu.memory_space<vmem_shared>>
            tpu.wait_indirect_dma semaphore(%arg15 : memref<!tpu.dma_semaphore, #tpu.memory_space<semaphore_mem>>) src(%arg11 : memref<125x128xf32, #tpu.memory_space<vmem>>) dst(%dma_wait3A_131 : memref<10240x128xf32, #tpu.memory_space<vmem_shared>>)
          } else {
          }
          %dma_start3A_120 = arith.constant 0 : i32
          %dma_start3A_121 = tpu.memref_slice %arg8[%add3A_65, %dma_start3A_120] : memref<40x125xi32, #tpu.memory_space<vmem>> -> memref<1x125xi32, #tpu.memory_space<vmem>>
          %dma_start3A_122 = tpu.memref_squeeze %dma_start3A_121 : memref<1x125xi32, #tpu.memory_space<vmem>> -> memref<125xi32, #tpu.memory_space<vmem>>
          %dma_start3A_123 = arith.constant 0 : i32
          %dma_start3A_124 = arith.constant 0 : i32
          %dma_start3A_125 = tpu.memref_slice %arg2[%dma_start3A_123, %dma_start3A_124] : memref<10000x128xf32, #tpu.memory_space<hbm>> -> memref<10000x128xf32, #tpu.memory_space<hbm>>
          tpu.enqueue_indirect_dma source(%dma_start3A_125 : memref<10000x128xf32, #tpu.memory_space<hbm>>) target(%arg11 : memref<125x128xf32, #tpu.memory_space<vmem>>) offsets(%dma_start3A_122 : memref<125xi32, #tpu.memory_space<vmem>>) semaphore(%arg13 : memref<!tpu.dma_semaphore, #tpu.memory_space<semaphore_mem>>)
        } else {
        }
        %dma_wait3A_104 = arith.constant 0 : i32
        %dma_wait3A_105 = tpu.memref_slice %arg8[%scan3A_63, %dma_wait3A_104] : memref<40x125xi32, #tpu.memory_space<vmem>> -> memref<1x125xi32, #tpu.memory_space<vmem>>
        %dma_wait3A_106 = tpu.memref_squeeze %dma_wait3A_105 : memref<1x125xi32, #tpu.memory_space<vmem>> -> memref<125xi32, #tpu.memory_space<vmem>>
        %dma_wait3A_107 = arith.constant 0 : i32
        %dma_wait3A_108 = arith.constant 0 : i32
        %dma_wait3A_109 = tpu.memref_slice %arg2[%dma_wait3A_107, %dma_wait3A_108] : memref<10000x128xf32, #tpu.memory_space<hbm>> -> memref<10000x128xf32, #tpu.memory_space<hbm>>
        tpu.wait_indirect_dma semaphore(%arg12 : memref<!tpu.dma_semaphore, #tpu.memory_space<semaphore_mem>>) src(%dma_wait3A_109 : memref<10000x128xf32, #tpu.memory_space<hbm>>) dst(%arg10 : memref<125x128xf32, #tpu.memory_space<vmem>>)
        %dma_start3A_110 = arith.constant 0 : i32
        %dma_start3A_111 = tpu.memref_slice %arg9[%scan3A_63, %dma_start3A_110] : memref<40x125xi32, #tpu.memory_space<vmem>> -> memref<1x125xi32, #tpu.memory_space<vmem>>
        %dma_start3A_112 = tpu.memref_squeeze %dma_start3A_111 : memref<1x125xi32, #tpu.memory_space<vmem>> -> memref<125xi32, #tpu.memory_space<vmem>>
        %dma_start3A_113 = arith.constant 0 : i32
        %dma_start3A_114 = arith.constant 0 : i32
        %dma_start3A_115 = tpu.memref_slice %arg7[%dma_start3A_113, %dma_start3A_114] : memref<10240x128xf32, #tpu.memory_space<vmem_shared>> -> memref<10240x128xf32, #tpu.memory_space<vmem_shared>>
        tpu.enqueue_indirect_dma source(%arg10 : memref<125x128xf32, #tpu.memory_space<vmem>>) target(%dma_start3A_115 : memref<10240x128xf32, #tpu.memory_space<vmem_shared>>) offsets(%dma_start3A_112 : memref<125xi32, #tpu.memory_space<vmem>>) semaphore(%arg14 : memref<!tpu.dma_semaphore, #tpu.memory_space<semaphore_mem>>) {add = true}
      } else {
      }
      %jit3A_78 = arith.constant 2 : i32
      %eq3A_79 = arith.constant 0 : i32
      %eq3A_80 = arith.cmpi eq, %jit3A_78, %eq3A_79 : i32
      %jit3A_81 = arith.constant 1 : i32
      %select_n3A_82 = arith.select %eq3A_80, %jit3A_81, %jit3A_78 : i32
      %rem3A_83 = arith.remsi %scan3A_63, %select_n3A_82 : i32
      %ne3A_84 = arith.constant 0 : i32
      %ne3A_85 = arith.cmpi ne, %rem3A_83, %ne3A_84 : i32
      %lt3A_86 = arith.constant 0 : i32
      %lt3A_87 = arith.cmpi slt, %rem3A_83, %lt3A_86 : i32
      %lt3A_88 = arith.constant 0 : i32
      %lt3A_89 = arith.cmpi slt, %select_n3A_82, %lt3A_88 : i32
      %ne3A_90 = arith.xori %lt3A_87, %lt3A_89 : i1
      %and3A_91 = arith.andi %ne3A_90, %ne3A_85 : i1
      %add3A_92 = arith.addi %rem3A_83, %select_n3A_82 : i32
      %select_n3A_93 = arith.select %and3A_91, %add3A_92, %rem3A_83 : i32
      %eq3A_94 = arith.constant 1 : i32
      %eq3A_95 = arith.cmpi eq, %select_n3A_93, %eq3A_94 : i32
      %convert_element_type3A_96 = arith.extui %eq3A_95 : i1 to i32
      %cond3A_97 = arith.constant 0 : i32
      %cond3A_98 = arith.cmpi ne, %convert_element_type3A_96, %cond3A_97 : i32
      scf.if %cond3A_98 {
        %lt3A_99 = arith.constant 40 : i32
        %lt3A_100 = arith.cmpi slt, %add3A_65, %lt3A_99 : i32
        %convert_element_type3A_101 = arith.extui %lt3A_100 : i1 to i32
        %cond3A_102 = arith.constant 0 : i32
        %cond3A_103 = arith.cmpi ne, %convert_element_type3A_101, %cond3A_102 : i32
        scf.if %cond3A_103 {
          %dma_wait3A_116 = arith.constant 0 : i32
          %dma_wait3A_117 = tpu.memref_slice %arg9[%scan3A_63, %dma_wait3A_116] : memref<40x125xi32, #tpu.memory_space<vmem>> -> memref<1x125xi32, #tpu.memory_space<vmem>>
          %dma_wait3A_118 = tpu.memref_squeeze %dma_wait3A_117 : memref<1x125xi32, #tpu.memory_space<vmem>> -> memref<125xi32, #tpu.memory_space<vmem>>
          %dma_wait3A_119 = arith.constant 0 : i32
          %dma_wait3A_120 = arith.constant 0 : i32
          %dma_wait3A_121 = tpu.memref_slice %arg7[%dma_wait3A_119, %dma_wait3A_120] : memref<10240x128xf32, #tpu.memory_space<vmem_shared>> -> memref<10240x128xf32, #tpu.memory_space<vmem_shared>>
          tpu.wait_indirect_dma semaphore(%arg14 : memref<!tpu.dma_semaphore, #tpu.memory_space<semaphore_mem>>) src(%arg10 : memref<125x128xf32, #tpu.memory_space<vmem>>) dst(%dma_wait3A_121 : memref<10240x128xf32, #tpu.memory_space<vmem_shared>>)
          %dma_start3A_122 = arith.constant 0 : i32
          %dma_start3A_123 = tpu.memref_slice %arg8[%add3A_65, %dma_start3A_122] : memref<40x125xi32, #tpu.memory_space<vmem>> -> memref<1x125xi32, #tpu.memory_space<vmem>>
          %dma_start3A_124 = tpu.memref_squeeze %dma_start3A_123 : memref<1x125xi32, #tpu.memory_space<vmem>> -> memref<125xi32, #tpu.memory_space<vmem>>
          %dma_start3A_125 = arith.constant 0 : i32
          %dma_start3A_126 = arith.constant 0 : i32
          %dma_start3A_127 = tpu.memref_slice %arg2[%dma_start3A_125, %dma_start3A_126] : memref<10000x128xf32, #tpu.memory_space<hbm>> -> memref<10000x128xf32, #tpu.memory_space<hbm>>
          tpu.enqueue_indirect_dma source(%dma_start3A_127 : memref<10000x128xf32, #tpu.memory_space<hbm>>) target(%arg10 : memref<125x128xf32, #tpu.memory_space<vmem>>) offsets(%dma_start3A_124 : memref<125xi32, #tpu.memory_space<vmem>>) semaphore(%arg12 : memref<!tpu.dma_semaphore, #tpu.memory_space<semaphore_mem>>)
        } else {
        }
        %dma_wait3A_104 = arith.constant 0 : i32
        %dma_wait3A_105 = tpu.memref_slice %arg8[%scan3A_63, %dma_wait3A_104] : memref<40x125xi32, #tpu.memory_space<vmem>> -> memref<1x125xi32, #tpu.memory_space<vmem>>
        %dma_wait3A_106 = tpu.memref_squeeze %dma_wait3A_105 : memref<1x125xi32, #tpu.memory_space<vmem>> -> memref<125xi32, #tpu.memory_space<vmem>>
        %dma_wait3A_107 = arith.constant 0 : i32
        %dma_wait3A_108 = arith.constant 0 : i32
        %dma_wait3A_109 = tpu.memref_slice %arg2[%dma_wait3A_107, %dma_wait3A_108] : memref<10000x128xf32, #tpu.memory_space<hbm>> -> memref<10000x128xf32, #tpu.memory_space<hbm>>
        tpu.wait_indirect_dma semaphore(%arg13 : memref<!tpu.dma_semaphore, #tpu.memory_space<semaphore_mem>>) src(%dma_wait3A_109 : memref<10000x128xf32, #tpu.memory_space<hbm>>) dst(%arg11 : memref<125x128xf32, #tpu.memory_space<vmem>>)
        %dma_start3A_110 = arith.constant 0 : i32
        %dma_start3A_111 = tpu.memref_slice %arg9[%scan3A_63, %dma_start3A_110] : memref<40x125xi32, #tpu.memory_space<vmem>> -> memref<1x125xi32, #tpu.memory_space<vmem>>
        %dma_start3A_112 = tpu.memref_squeeze %dma_start3A_111 : memref<1x125xi32, #tpu.memory_space<vmem>> -> memref<125xi32, #tpu.memory_space<vmem>>
        %dma_start3A_113 = arith.constant 0 : i32
        %dma_start3A_114 = arith.constant 0 : i32
        %dma_start3A_115 = tpu.memref_slice %arg7[%dma_start3A_113, %dma_start3A_114] : memref<10240x128xf32, #tpu.memory_space<vmem_shared>> -> memref<10240x128xf32, #tpu.memory_space<vmem_shared>>
        tpu.enqueue_indirect_dma source(%arg11 : memref<125x128xf32, #tpu.memory_space<vmem>>) target(%dma_start3A_115 : memref<10240x128xf32, #tpu.memory_space<vmem_shared>>) offsets(%dma_start3A_112 : memref<125xi32, #tpu.memory_space<vmem>>) semaphore(%arg15 : memref<!tpu.dma_semaphore, #tpu.memory_space<semaphore_mem>>) {add = true}
      } else {
      }
    }
    %scan3A_47 = arith.constant 40 : i32
    %dma_wait3A_48 = arith.constant 0 : i32
    %dma_wait3A_49 = arith.constant 0 : i32
    %dma_wait3A_50 = tpu.memref_slice %arg9[%dma_wait3A_48, %dma_wait3A_49] : memref<40x125xi32, #tpu.memory_space<vmem>> -> memref<1x125xi32, #tpu.memory_space<vmem>>
    %dma_wait3A_51 = tpu.memref_squeeze %dma_wait3A_50 : memref<1x125xi32, #tpu.memory_space<vmem>> -> memref<125xi32, #tpu.memory_space<vmem>>
    %dma_wait3A_52 = arith.constant 0 : i32
    %dma_wait3A_53 = arith.constant 0 : i32
    %dma_wait3A_54 = tpu.memref_slice %arg7[%dma_wait3A_52, %dma_wait3A_53] : memref<10240x128xf32, #tpu.memory_space<vmem_shared>> -> memref<10240x128xf32, #tpu.memory_space<vmem_shared>>
    tpu.wait_indirect_dma semaphore(%arg14 : memref<!tpu.dma_semaphore, #tpu.memory_space<semaphore_mem>>) src(%arg10 : memref<125x128xf32, #tpu.memory_space<vmem>>) dst(%dma_wait3A_54 : memref<10240x128xf32, #tpu.memory_space<vmem_shared>>)
    %dma_wait3A_55 = arith.constant 0 : i32
    %dma_wait3A_56 = arith.constant 0 : i32
    %dma_wait3A_57 = tpu.memref_slice %arg9[%dma_wait3A_55, %dma_wait3A_56] : memref<40x125xi32, #tpu.memory_space<vmem>> -> memref<1x125xi32, #tpu.memory_space<vmem>>
    %dma_wait3A_58 = tpu.memref_squeeze %dma_wait3A_57 : memref<1x125xi32, #tpu.memory_space<vmem>> -> memref<125xi32, #tpu.memory_space<vmem>>
    %dma_wait3A_59 = arith.constant 0 : i32
    %dma_wait3A_60 = arith.constant 0 : i32
    %dma_wait3A_61 = tpu.memref_slice %arg7[%dma_wait3A_59, %dma_wait3A_60] : memref<10240x128xf32, #tpu.memory_space<vmem_shared>> -> memref<10240x128xf32, #tpu.memory_space<vmem_shared>>
    tpu.wait_indirect_dma semaphore(%arg15 : memref<!tpu.dma_semaphore, #tpu.memory_space<semaphore_mem>>) src(%arg11 : memref<125x128xf32, #tpu.memory_space<vmem>>) dst(%dma_wait3A_61 : memref<10240x128xf32, #tpu.memory_space<vmem_shared>>)
    %barrier3A_62 = arith.constant 0 : index
    tpu.barrier barrier_id(%barrier3A_62)
    "tpu.region"() ({
      %run_scoped3A = tpu.sem_alloc : memref<!tpu.dma_semaphore, #tpu.memory_space<semaphore_mem>>
      %dma_start3A_63 = arith.constant 0 : i32
      %dma_start3A_64 = tpu.memref_slice %arg6[%arg0, %mul3A_2, %dma_start3A_63] : memref<2x10240x128xf32, #tpu.memory_space<hbm>> -> memref<1x640x128xf32, #tpu.memory_space<hbm>>
      %dma_start3A_65 = tpu.memref_squeeze %dma_start3A_64 : memref<1x640x128xf32, #tpu.memory_space<hbm>> -> memref<640x128xf32, #tpu.memory_space<hbm>>
      %dma_start3A_66 = arith.constant 0 : i32
      %dma_start3A_67 = tpu.memref_slice %arg7[%mul3A_2, %dma_start3A_66] : memref<10240x128xf32, #tpu.memory_space<vmem_shared>> -> memref<640x128xf32, #tpu.memory_space<vmem_shared>>
      tpu.enqueue_dma source(%dma_start3A_67 : memref<640x128xf32, #tpu.memory_space<vmem_shared>>) target(%dma_start3A_65 : memref<640x128xf32, #tpu.memory_space<hbm>>) target_semaphore(%run_scoped3A : memref<!tpu.dma_semaphore, #tpu.memory_space<semaphore_mem>>)
      %dma_wait3A_68 = arith.constant 0 : i32
      %dma_wait3A_69 = tpu.memref_slice %arg6[%arg0, %mul3A_2, %dma_wait3A_68] : memref<2x10240x128xf32, #tpu.memory_space<hbm>> -> memref<1x640x128xf32, #tpu.memory_space<hbm>>
      %dma_wait3A_70 = tpu.memref_squeeze %dma_wait3A_69 : memref<1x640x128xf32, #tpu.memory_space<hbm>> -> memref<640x128xf32, #tpu.memory_space<hbm>>
      %dma_wait3A_71 = arith.constant 0 : i32
      %dma_wait3A_72 = tpu.memref_slice %arg7[%mul3A_2, %dma_wait3A_71] : memref<10240x128xf32, #tpu.memory_space<vmem_shared>> -> memref<640x128xf32, #tpu.memory_space<vmem_shared>>
      tpu.wait_dma2 semaphore(%run_scoped3A : memref<!tpu.dma_semaphore, #tpu.memory_space<semaphore_mem>>) src(%dma_wait3A_72 : memref<640x128xf32, #tpu.memory_space<vmem_shared>>) dst(%dma_wait3A_70 : memref<640x128xf32, #tpu.memory_space<hbm>>)
      tpu.yield
    }) : () -> ()
    return
  }
}

module attributes {stable_mosaic.version = 14 : i64} {
  func.func @_tc_body(%arg0: i32, %arg1: memref<2x2000x128xf32, #tpu.memory_space<vmem>>, %arg2: memref<2x2000x128xf32, #tpu.memory_space<vmem>>, %arg3: memref<2000x128xf32, #tpu.memory_space<vmem>>, %arg4: memref<128x128xf32, #tpu.memory_space<vmem>>, %arg5: memref<128x128xf32, #tpu.memory_space<vmem>>, %arg6: memref<1x128xf32, #tpu.memory_space<vmem>>, %arg7: memref<2000x128xf32, #tpu.memory_space<vmem>>) attributes {dimension_semantics = [#tpu.dimension_semantics<arbitrary>], iteration_bounds = array<i64: 5>, scalar_prefetch = 0 : i64, scratch_operands = 0 : i64, tpu.core_type = #tpu.core_type<tc>, window_params = [{transform_indices = @transform_0, window_bounds = array<i64: 2, 2000, 128>}, {transform_indices = @transform_1, window_bounds = array<i64: 2, 2000, 128>}, {transform_indices = @transform_2, window_bounds = array<i64: 2000, 128>}, {pipeline_mode = #tpu.pipeline_mode<synchronous>, transform_indices = @transform_3, window_bounds = array<i64: 128, 128>}, {pipeline_mode = #tpu.pipeline_mode<synchronous>, transform_indices = @transform_4, window_bounds = array<i64: 128, 128>}, {pipeline_mode = #tpu.pipeline_mode<synchronous>, transform_indices = @transform_5, window_bounds = array<i64: 1, 128>}, {transform_indices = @transform_6, window_bounds = array<i64: 2000, 128>}]} {
    %get3A = arith.constant 0 : index
    %get3A_0 = arith.constant 0 : index
    %get3A_1 = arith.constant 0 : index
    %get3A_2 = vector.load %arg1[%get3A, %get3A_0, %get3A_1] : memref<2x2000x128xf32, #tpu.memory_space<vmem>>, vector<1x2000x128xf32>
    %get3A_3 = vector.shape_cast %get3A_2 : vector<1x2000x128xf32> to vector<2000x128xf32>
    %get3A_4 = arith.constant 1 : index
    %get3A_5 = arith.constant 0 : index
    %get3A_6 = arith.constant 0 : index
    %get3A_7 = vector.load %arg1[%get3A_4, %get3A_5, %get3A_6] : memref<2x2000x128xf32, #tpu.memory_space<vmem>>, vector<1x2000x128xf32>
    %get3A_8 = vector.shape_cast %get3A_7 : vector<1x2000x128xf32> to vector<2000x128xf32>
    %add3A = arith.addf %get3A_3, %get3A_8 : vector<2000x128xf32>
    %get3A_9 = arith.constant 0 : index
    %get3A_10 = arith.constant 0 : index
    %get3A_11 = arith.constant 0 : index
    %get3A_12 = vector.load %arg2[%get3A_9, %get3A_10, %get3A_11] : memref<2x2000x128xf32, #tpu.memory_space<vmem>>, vector<1x2000x1xf32>
    %get3A_13 = vector.shape_cast %get3A_12 : vector<1x2000x1xf32> to vector<2000x1xf32>
    %get3A_14 = arith.constant 1 : index
    %get3A_15 = arith.constant 0 : index
    %get3A_16 = arith.constant 0 : index
    %get3A_17 = vector.load %arg2[%get3A_14, %get3A_15, %get3A_16] : memref<2x2000x128xf32, #tpu.memory_space<vmem>>, vector<1x2000x1xf32>
    %get3A_18 = vector.shape_cast %get3A_17 : vector<1x2000x1xf32> to vector<2000x1xf32>
    %add3A_19 = arith.addf %get3A_13, %get3A_18 : vector<2000x1xf32>
    %max3A = arith.constant 1.000000e+00 : f32
    %max3A_20 = vector.broadcast %max3A : f32 to vector<2000x1xf32>
    %max3A_21 = arith.maximumf %add3A_19, %max3A_20 : vector<2000x1xf32>
    %div3A = vector.broadcast %max3A_21 : vector<2000x1xf32> to vector<2000x128xf32>
    %div3A_22 = arith.divf %add3A, %div3A : vector<2000x128xf32>
    %get3A_23 = arith.constant 0 : index
    %get3A_24 = arith.constant 0 : index
    %get3A_25 = vector.load %arg4[%get3A_23, %get3A_24] : memref<128x128xf32, #tpu.memory_space<vmem>>, vector<128x128xf32>
    %dot_general3A = arith.constant dense<0.000000e+00> : vector<2000x128xf32>
    %dot_general3A_26 = tpu.matmul %div3A_22, %get3A_25, %dot_general3A {dimension_numbers = #tpu.dot_dimension_numbers<[1], [0], [0], [1], [0, 0, 1, 1], [], []>, transpose_lhs_hint = false} : vector<2000x128xf32>, vector<128x128xf32>, vector<2000x128xf32> -> vector<2000x128xf32>
    %get3A_27 = arith.constant 0 : index
    %get3A_28 = arith.constant 0 : index
    %get3A_29 = vector.load %arg3[%get3A_27, %get3A_28] : memref<2000x128xf32, #tpu.memory_space<vmem>>, vector<2000x128xf32>
    %get3A_30 = arith.constant 0 : index
    %get3A_31 = arith.constant 0 : index
    %get3A_32 = vector.load %arg5[%get3A_30, %get3A_31] : memref<128x128xf32, #tpu.memory_space<vmem>>, vector<128x128xf32>
    %dot_general3A_33 = arith.constant dense<0.000000e+00> : vector<2000x128xf32>
    %dot_general3A_34 = tpu.matmul %get3A_29, %get3A_32, %dot_general3A_33 {dimension_numbers = #tpu.dot_dimension_numbers<[1], [0], [0], [1], [0, 0, 1, 1], [], []>, transpose_lhs_hint = false} : vector<2000x128xf32>, vector<128x128xf32>, vector<2000x128xf32> -> vector<2000x128xf32>
    %add3A_35 = arith.addf %dot_general3A_26, %dot_general3A_34 : vector<2000x128xf32>
    %get3A_36 = arith.constant 0 : index
    %get3A_37 = arith.constant 0 : index
    %get3A_38 = vector.load %arg6[%get3A_36, %get3A_37] : memref<1x128xf32, #tpu.memory_space<vmem>>, vector<1x128xf32>
    %add3A_39 = vector.broadcast %get3A_38 : vector<1x128xf32> to vector<2000x128xf32>
    %add3A_40 = arith.addf %add3A_35, %add3A_39 : vector<2000x128xf32>
    %max3A_41 = arith.constant 0.000000e+00 : f32
    %max3A_42 = vector.broadcast %max3A_41 : f32 to vector<2000x128xf32>
    %max3A_43 = arith.maximumf %add3A_40, %max3A_42 : vector<2000x128xf32>
    %swap3A = arith.constant 0 : index
    %swap3A_44 = arith.constant 0 : index
    %swap3A_45 = vector.load %arg7[%swap3A, %swap3A_44] : memref<2000x128xf32, #tpu.memory_space<vmem>>, vector<2000x128xf32>
    tpu.vector_store %arg7[%swap3A, %swap3A_44], %max3A_43 {strides = array<i32>} : memref<2000x128xf32, #tpu.memory_space<vmem>>, vector<2000x128xf32>,
    return
  }
  func.func @transform_0(%arg0: i32) -> (i32, i32, i32) {
    %c0_i32 = arith.constant 0 : i32
    %c0_i32_0 = arith.constant 0 : i32
    %c0_i32_1 = arith.constant 0 : i32
    return %c0_i32, %arg0, %c0_i32_0 : i32, i32, i32
  }
  func.func @transform_1(%arg0: i32) -> (i32, i32, i32) {
    %c0_i32 = arith.constant 0 : i32
    %c0_i32_0 = arith.constant 0 : i32
    %c0_i32_1 = arith.constant 0 : i32
    return %c0_i32, %arg0, %c0_i32_0 : i32, i32, i32
  }
  func.func @transform_2(%arg0: i32) -> (i32, i32) {
    %c0_i32 = arith.constant 0 : i32
    %c0_i32_0 = arith.constant 0 : i32
    return %arg0, %c0_i32 : i32, i32
  }
  func.func @transform_3(%arg0: i32) -> (i32, i32) {
    %c0_i32 = arith.constant 0 : i32
    %c0_i32_0 = arith.constant 0 : i32
    %c0_i32_1 = arith.constant 0 : i32
    return %c0_i32, %c0_i32_0 : i32, i32
  }
  func.func @transform_4(%arg0: i32) -> (i32, i32) {
    %c0_i32 = arith.constant 0 : i32
    %c0_i32_0 = arith.constant 0 : i32
    %c0_i32_1 = arith.constant 0 : i32
    return %c0_i32, %c0_i32_0 : i32, i32
  }
  func.func @transform_5(%arg0: i32) -> (i32, i32) {
    %c0_i32 = arith.constant 0 : i32
    %c0_i32_0 = arith.constant 0 : i32
    %c0_i32_1 = arith.constant 0 : i32
    return %c0_i32, %c0_i32_0 : i32, i32
  }
  func.func @transform_6(%arg0: i32) -> (i32, i32) {
    %c0_i32 = arith.constant 0 : i32
    %c0_i32_0 = arith.constant 0 : i32
    return %arg0, %c0_i32 : i32, i32
  }
}

module attributes {stable_mosaic.version = 14 : i64} {
  func.func @_tc_body(%arg0: i32, %arg1: memref<2x2000x128xf32, #tpu.memory_space<vmem>>, %arg2: memref<2x2000x128xf32, #tpu.memory_space<vmem>>, %arg3: memref<2000x128xf32, #tpu.memory_space<vmem>>, %arg4: memref<128x128xf32, #tpu.memory_space<vmem>>, %arg5: memref<128x128xf32, #tpu.memory_space<vmem>>, %arg6: memref<1x128xf32, #tpu.memory_space<vmem>>, %arg7: memref<2000x128xf32, #tpu.memory_space<vmem>>) attributes {dimension_semantics = [#tpu.dimension_semantics<arbitrary>], iteration_bounds = array<i64: 5>, scalar_prefetch = 0 : i64, scratch_operands = 0 : i64, tpu.core_type = #tpu.core_type<tc>, window_params = [{transform_indices = @transform_0, window_bounds = array<i64: 2, 2000, 128>}, {transform_indices = @transform_1, window_bounds = array<i64: 2, 2000, 128>}, {transform_indices = @transform_2, window_bounds = array<i64: 2000, 128>}, {pipeline_mode = #tpu.pipeline_mode<synchronous>, transform_indices = @transform_3, window_bounds = array<i64: 128, 128>}, {pipeline_mode = #tpu.pipeline_mode<synchronous>, transform_indices = @transform_4, window_bounds = array<i64: 128, 128>}, {pipeline_mode = #tpu.pipeline_mode<synchronous>, transform_indices = @transform_5, window_bounds = array<i64: 1, 128>}, {transform_indices = @transform_6, window_bounds = array<i64: 2000, 128>}]} {
    %get3A = arith.constant 0 : index
    %get3A_0 = arith.constant 0 : index
    %get3A_1 = arith.constant 0 : index
    %get3A_2 = vector.load %arg1[%get3A, %get3A_0, %get3A_1] : memref<2x2000x128xf32, #tpu.memory_space<vmem>>, vector<1x2000x128xf32>
    %get3A_3 = vector.shape_cast %get3A_2 : vector<1x2000x128xf32> to vector<2000x128xf32>
    %get3A_4 = arith.constant 1 : index
    %get3A_5 = arith.constant 0 : index
    %get3A_6 = arith.constant 0 : index
    %get3A_7 = vector.load %arg1[%get3A_4, %get3A_5, %get3A_6] : memref<2x2000x128xf32, #tpu.memory_space<vmem>>, vector<1x2000x128xf32>
    %get3A_8 = vector.shape_cast %get3A_7 : vector<1x2000x128xf32> to vector<2000x128xf32>
    %add3A = arith.addf %get3A_3, %get3A_8 : vector<2000x128xf32>
    %get3A_9 = arith.constant 0 : index
    %get3A_10 = arith.constant 0 : index
    %get3A_11 = arith.constant 0 : index
    %get3A_12 = vector.load %arg2[%get3A_9, %get3A_10, %get3A_11] : memref<2x2000x128xf32, #tpu.memory_space<vmem>>, vector<1x2000x1xf32>
    %get3A_13 = vector.shape_cast %get3A_12 : vector<1x2000x1xf32> to vector<2000x1xf32>
    %get3A_14 = arith.constant 1 : index
    %get3A_15 = arith.constant 0 : index
    %get3A_16 = arith.constant 0 : index
    %get3A_17 = vector.load %arg2[%get3A_14, %get3A_15, %get3A_16] : memref<2x2000x128xf32, #tpu.memory_space<vmem>>, vector<1x2000x1xf32>
    %get3A_18 = vector.shape_cast %get3A_17 : vector<1x2000x1xf32> to vector<2000x1xf32>
    %add3A_19 = arith.addf %get3A_13, %get3A_18 : vector<2000x1xf32>
    %max3A = arith.constant 1.000000e+00 : f32
    %max3A_20 = vector.broadcast %max3A : f32 to vector<2000x1xf32>
    %max3A_21 = arith.maximumf %add3A_19, %max3A_20 : vector<2000x1xf32>
    %div3A = vector.broadcast %max3A_21 : vector<2000x1xf32> to vector<2000x128xf32>
    %div3A_22 = arith.divf %add3A, %div3A : vector<2000x128xf32>
    %get3A_23 = arith.constant 0 : index
    %get3A_24 = arith.constant 0 : index
    %get3A_25 = vector.load %arg4[%get3A_23, %get3A_24] : memref<128x128xf32, #tpu.memory_space<vmem>>, vector<128x128xf32>
    %dot_general3A = arith.constant dense<0.000000e+00> : vector<2000x128xf32>
    %dot_general3A_26 = tpu.matmul %div3A_22, %get3A_25, %dot_general3A {dimension_numbers = #tpu.dot_dimension_numbers<[1], [0], [0], [1], [0, 0, 1, 1], [], []>, transpose_lhs_hint = false} : vector<2000x128xf32>, vector<128x128xf32>, vector<2000x128xf32> -> vector<2000x128xf32>
    %get3A_27 = arith.constant 0 : index
    %get3A_28 = arith.constant 0 : index
    %get3A_29 = vector.load %arg3[%get3A_27, %get3A_28] : memref<2000x128xf32, #tpu.memory_space<vmem>>, vector<2000x128xf32>
    %get3A_30 = arith.constant 0 : index
    %get3A_31 = arith.constant 0 : index
    %get3A_32 = vector.load %arg5[%get3A_30, %get3A_31] : memref<128x128xf32, #tpu.memory_space<vmem>>, vector<128x128xf32>
    %dot_general3A_33 = arith.constant dense<0.000000e+00> : vector<2000x128xf32>
    %dot_general3A_34 = tpu.matmul %get3A_29, %get3A_32, %dot_general3A_33 {dimension_numbers = #tpu.dot_dimension_numbers<[1], [0], [0], [1], [0, 0, 1, 1], [], []>, transpose_lhs_hint = false} : vector<2000x128xf32>, vector<128x128xf32>, vector<2000x128xf32> -> vector<2000x128xf32>
    %add3A_35 = arith.addf %dot_general3A_26, %dot_general3A_34 : vector<2000x128xf32>
    %get3A_36 = arith.constant 0 : index
    %get3A_37 = arith.constant 0 : index
    %get3A_38 = vector.load %arg6[%get3A_36, %get3A_37] : memref<1x128xf32, #tpu.memory_space<vmem>>, vector<1x128xf32>
    %add3A_39 = vector.broadcast %get3A_38 : vector<1x128xf32> to vector<2000x128xf32>
    %add3A_40 = arith.addf %add3A_35, %add3A_39 : vector<2000x128xf32>
    %swap3A = arith.constant 0 : index
    %swap3A_41 = arith.constant 0 : index
    %swap3A_42 = vector.load %arg7[%swap3A, %swap3A_41] : memref<2000x128xf32, #tpu.memory_space<vmem>>, vector<2000x128xf32>
    tpu.vector_store %arg7[%swap3A, %swap3A_41], %add3A_40 {strides = array<i32>} : memref<2000x128xf32, #tpu.memory_space<vmem>>, vector<2000x128xf32>,
    return
  }
  func.func @transform_0(%arg0: i32) -> (i32, i32, i32) {
    %c0_i32 = arith.constant 0 : i32
    %c0_i32_0 = arith.constant 0 : i32
    %c0_i32_1 = arith.constant 0 : i32
    return %c0_i32, %arg0, %c0_i32_0 : i32, i32, i32
  }
  func.func @transform_1(%arg0: i32) -> (i32, i32, i32) {
    %c0_i32 = arith.constant 0 : i32
    %c0_i32_0 = arith.constant 0 : i32
    %c0_i32_1 = arith.constant 0 : i32
    return %c0_i32, %arg0, %c0_i32_0 : i32, i32, i32
  }
  func.func @transform_2(%arg0: i32) -> (i32, i32) {
    %c0_i32 = arith.constant 0 : i32
    %c0_i32_0 = arith.constant 0 : i32
    return %arg0, %c0_i32 : i32, i32
  }
  func.func @transform_3(%arg0: i32) -> (i32, i32) {
    %c0_i32 = arith.constant 0 : i32
    %c0_i32_0 = arith.constant 0 : i32
    %c0_i32_1 = arith.constant 0 : i32
    return %c0_i32, %c0_i32_0 : i32, i32
  }
  func.func @transform_4(%arg0: i32) -> (i32, i32) {
    %c0_i32 = arith.constant 0 : i32
    %c0_i32_0 = arith.constant 0 : i32
    %c0_i32_1 = arith.constant 0 : i32
    return %c0_i32, %c0_i32_0 : i32, i32
  }
  func.func @transform_5(%arg0: i32) -> (i32, i32) {
    %c0_i32 = arith.constant 0 : i32
    %c0_i32_0 = arith.constant 0 : i32
    %c0_i32_1 = arith.constant 0 : i32
    return %c0_i32, %c0_i32_0 : i32, i32
  }
  func.func @transform_6(%arg0: i32) -> (i32, i32) {
    %c0_i32 = arith.constant 0 : i32
    %c0_i32_0 = arith.constant 0 : i32
    return %arg0, %c0_i32 : i32, i32
  }
}

</mosaic_0001>

<sc_bundles>
// kernel: kernel.11.cloned.1.call-start
scs
__scs_entry_jumppad:
0x0: {  	(pc) =	sbr.rel $0x88, $3  }
0x1: {  	(tag) =	ssettag $0x0;
	lr =	simm.s32 $0x1  }
0x2: {  	[smem:$0x3F92] =	sst lr;
	_ =	strace $0xD0000000  }
0x3: {  	_ = 	snop  }
0x4: {  	_ = 	snop  }
0x5: {  	_ = 	snop  }
0x6: {  	_ = 	snop  }
0x7: {  	_ = 	snop  }
__scs_overlays_trampoline_lowered:
0x8: {  	[smem:$0x3FA1] =	sst s0  }
0x9: {  	[smem:$0x3FA2] =	sst s1  }
0xa: {  	[smem:$0x3FA3] =	sst s2  }
0xb: {  	[smem:$0x3FA4] =	sst s3  }
0xc: {  	[smem:$0x3FA5] =	sst s4  }
0xd: {  	[smem:$0x3FA6] =	sst s5  }
0xe: {  	[smem:$0x3FA7] =	sst s6  }
0xf: {  	[smem:$0x3FA8] =	sst s7  }
0x10: {  	[smem:$0x3FA9] =	sst s8  }
0x11: {  	[smem:$0x3FAA] =	sst s9;
	s0 =	simm.s32 @!p0 $0x0  }
0x12: {  	s1 =	sld [smem:$0x3F90];
	s0 =	simm.s32 @p0 $0x1  }
0x13: {  	[smem:$0x3FAB] =	sst s0;
	s0 =	simm.s32 @!p1 $0x0  }
0x14: {  	s2 =	sld [smem:$0x3F8F];
	s0 =	simm.s32 @p1 $0x1  }
0x15: {  	[smem:$0x3FAC] =	sst s0;
	s0 =	simm.s32 @!p2 $0x0  }
0x16: {  	s3 =	sld [smem:$0x3FDB];
	s0 =	simm.s32 @p2 $0x1  }
0x17: {  	s4 =	simm.s32 $0x1BF5;
	[smem:$0x3FAE] =	sst s0  }
0x18: {  	s0 =	sld [smem:$0x3F91];
	_ =	swait.ge [sflag:s4], $0x0  }
0x19: {  	s7 =	sld [smem:$0x3F92]  }
0x1a: {  	s8 =	sadd.s32 $0xFFFFE003, lr  }
0x1b: {  	s9 =	sadd.s32 $0xFFFFFEF7, lr;
	s5 =	simm.s32 $0xFFFFFFFF;
	p2 =	slt.u32 s8, $0xFFFFF086  }
0x1c: {  	p1 =	slt.u32 s9, $0xF7A;
	s5 =	simm.s32 @!p2 $0x0  }
0x1d: {  	s5 =	simm.s32 @p1 $0x1;
	p0 =	seq.s32 s7, s2  }
0x1e: {  	s7 =	smul.u32 @!p0 $0xF7A, s2;
	p2 =	seq.s32 @!p0 s5, $0x0  }
0x1f: {  	s9 =	smul.u32 $0xF7A, s1;
	s8 =	simm.s32 @!p0 $0x1BF5;
	p2 =	por !p2, p0  }
0x20: {  	[sflag:s8] =	ssyncset.s32 @!p0 $0xFFFFF086;
	s6 =	sadd.s32 @!p0 s3, s7;
	s7 =	simm.s32 @!p0 $0x108  }
0x21: {  	s3 =	sadd.s32 s3, s9;
	s6 =	sadd.s32 @!p0 $0x88, s6;
	s7 =	simm.s32 @p2 $0x1082  }
0x22: {  	[simem:s7], [sflag:s8] =	dma.local @!p0 [hbm:s6], $0xF7A  }
0x23: {  	s9 =	sor.u32 $0xD0000000, s2;
	s6 =	simm.s32 $0x108;
	_ =	swait.ge @!p0 [sflag:s8], $0x0  }
0x24: {  	s3 =	sadd.s32 $0x88, s3;
	s6 =	simm.s32 @!p1 $0x1082;
	[sflag:s4] =	ssyncset.s32 $0xFFFFF086  }
0x25: {  	[simem:s6], [sflag:s4] =	dma.local [hbm:s3], $0xF7A  }
0x26: {  	[smem:$0x3F92] =	sst s1;
	(tag) =	ssettag s2;
	_ =	strace s9  }
0x27: {  	s1 =	sld [smem:$0x3FA2]  }
0x28: {  	s2 =	sld [smem:$0x3FA3]  }
0x29: {  	s4 =	sld [smem:$0x3FA5]  }
0x2a: {  	p0 =	seq.s32 s5, $0x0;
	s5 =	sld [smem:$0x3FA6]  }
0x2b: {  	s6 =	sld [smem:$0x3FA7]  }
0x2c: {  	s7 =	sld [smem:$0x3FA8]  }
0x2d: {  	s3 =	simm.s32 $0x108;
	s8 =	sld [smem:$0x3FA9]  }
0x2e: {  	s3 =	simm.s32 @!p0 $0x1082;
	s9 =	sld [smem:$0x3FAA]  }
0x2f: {  	lr =	sadd.s32 s0, s3;
	s0 =	sld [smem:$0x3FA1]  }
0x30: {  	s3 =	sld [smem:$0x3FA4]  }
0x31: {  	[smem:$0x3FAD] =	sst s10  }
0x32: {  	s10 =	sld [smem:$0x3FAB];
	_ =	sdelay $0x3  }
0x33: {  	p0 =	seq.s32 s10, $0x1;
	s10 =	sld [smem:$0x3FAD];
	_ =	sdelay $0x3  }
0x34: {  	[smem:$0x3FAD] =	sst s10  }
0x35: {  	s10 =	sld [smem:$0x3FAC];
	_ =	sdelay $0x3  }
0x36: {  	p1 =	seq.s32 s10, $0x1;
	s10 =	sld [smem:$0x3FAD];
	_ =	sdelay $0x3  }
0x37: {  	[smem:$0x3FAD] =	sst s10  }
0x38: {  	s10 =	sld [smem:$0x3FAE]  }
0x39: {  	_ = 	snop;
	(pc) =	sbr.ind lr, $3  }
0x3a: {  	_ = 	snop  }
0x3b: {  	_ = 	snop  }
0x3c: {  	p2 =	seq.s32 s10, $0x1;
	s10 =	sld [smem:$0x3FAD]  }
0x3d: {  	_ =	shalt  }
0x3e: {  	_ =	shalt  }
0x3f: {  	_ =	shalt  }
0x40: {  	_ =	shalt  }
0x41: {  	_ =	shalt  }
0x42: {  	_ =	shalt  }
0x43: {  	_ =	shalt  }
0x44: {  	_ =	shalt  }
0x45: {  	_ =	shalt  }
0x46: {  	_ =	shalt  }
0x47: {  	_ =	shalt  }
0x48: {  	_ =	shalt  }
0x49: {  	_ =	shalt  }
0x4a: {  	_ =	shalt  }
0x4b: {  	_ =	shalt  }
0x4c: {  	_ =	shalt  }
0x4d: {  	_ =	shalt  }
0x4e: {  	_ =	shalt  }
0x4f: {  	_ =	shalt  }
0x50: {  	_ =	shalt  }
0x51: {  	_ =	shalt  }
0x52: {  	_ =	shalt  }
0x53: {  	_ =	shalt  }
0x54: {  	_ =	shalt  }
0x55: {  	_ =	shalt  }
0x56: {  	_ =	shalt  }
0x57: {  	_ =	shalt  }
0x58: {  	_ =	shalt  }
0x59: {  	_ =	shalt  }
0x5a: {  	_ =	shalt  }
0x5b: {  	_ =	shalt  }
0x5c: {  	_ =	shalt  }
0x5d: {  	_ =	shalt  }
0x5e: {  	_ =	shalt  }
0x5f: {  	_ =	shalt  }
0x60: {  	_ =	shalt  }
0x61: {  	_ =	shalt  }
0x62: {  	_ =	shalt  }
0x63: {  	_ =	shalt  }
0x64: {  	_ =	shalt  }
0x65: {  	_ =	shalt  }
0x66: {  	_ =	shalt  }
0x67: {  	_ =	shalt  }
0x68: {  	_ =	shalt  }
0x69: {  	_ =	shalt  }
0x6a: {  	_ =	shalt  }
0x6b: {  	_ =	shalt  }
0x6c: {  	_ =	shalt  }
0x6d: {  	_ =	shalt  }
0x6e: {  	_ =	shalt  }
0x6f: {  	_ =	shalt  }
0x70: {  	_ =	shalt  }
0x71: {  	_ =	shalt  }
0x72: {  	_ =	shalt  }
0x73: {  	_ =	shalt  }
0x74: {  	_ =	shalt  }
0x75: {  	_ =	shalt  }
0x76: {  	_ =	shalt  }
0x77: {  	_ =	shalt  }
0x78: {  	_ =	shalt  }
0x79: {  	_ =	shalt  }
0x7a: {  	_ =	shalt  }
0x7b: {  	_ =	shalt  }
0x7c: {  	_ =	shalt  }
0x7d: {  	_ =	shalt  }
0x7e: {  	_ =	shalt  }
0x7f: {  	_ =	shalt  }
0x80: {  	_ =	shalt  }
0x81: {  	_ =	shalt  }
0x82: {  	_ =	shalt  }
0x83: {  	_ =	shalt  }
0x84: {  	_ =	shalt  }
0x85: {  	_ =	shalt  }
0x86: {  	_ =	shalt  }
0x87: {  	_ =	shalt  }
.Lfunc_end0:
.L_simem_size_0:
called_computation.1_lowered:
.L_overlay_start_0:
0x88: {  	s2 =	sld [smem:$0x3FD9]  }
0x89: {  	s3 =	sld [smem:$0x3FFE];
	_ =	sdelay $0x1  }
0x8a: {  	s1 =	srdreg.scid  }
0x8b: {  	s0 =	sand.u32 $0x1, s1  }
0x8c: {  	s17 =	sshll.u32 s0, $0xA;
	s2 =	sadd.s32 s3, s2  }
0x8d: {  	s2 =	sadd.s32 s2, s17  }
0x8e: {  	[smem:$0x3FB9] =	sst s2  }
0x8f: {  	_ = 	snop  }
0x90: {  	s2 =	sld [smem:$0x3FD0];
	(tm) =	ssettm $0x1  }
0x91: {  	s18 =	sld [smem:$0x3FFB];
	_ =	sdelay $0x3  }
0x92: {  	_ =	strace s18  }
0x93: {  	s3 =	sld [smem:$0x3FFC];
	_ =	sdelay $0x3  }
0x94: {  	_ =	strace s3  }
0x95: {  	s3 =	sld [smem:$0x3FFD];
	_ =	sdelay $0x3  }
0x96: {  	_ =	strace s3  }
0x97: {  	_ =	strace $0x8FFFFFFF  }
0x98: {  	s19 =	sld [smem:$0x3FDB];
	_ =	sdelay $0x1  }
0x99: {  	s4 =	simm.s32 $_scs_section_size  }
0x9a: {  	s5 =	simm.s32 $_size__tile_overlayer_lowered;
	s6 =	simm.s32 $_tile_overlayer_lowered  }
0x9b: {  	s22 =	simm.s32 $0x1BFF;
	s21 =	sshll.u32 s6, $0x1;
	s3 =	sadd.s32 s4, s19  }
0x9c: {  	s7 =	simm.s32 $0x0;
	s20 =	sshll.u32 s5, $0x1;
	s5 =	sadd.s32 s21, s3  }
0x9d: {  	[timem:s7], [sflag:s22] =	dma.local [hbm:s5], s20  }
0x9e: {  	_ =	swait.ge [sflag:s22], s20  }
0x9f: {  	s4 =	ssub.s32 $0x0, s20;
	[sflag:s22] =	ssyncset.done $0x0  }
0xa0: {  	[sflag:s22] =	ssyncadd.s32 s4;
	_ =	sdelay $0x1  }
0xa1: {  	s23 =	simm.s32 $0x1B8B  }
0xa2: {  	_ =	swait.ge [sflag:s23], $0x1  }
0xa3: {  	[sflag:s23] =	ssyncset.done $0x0  }
0xa4: {  	s25 =	simm.s32 $0x1B8E;
	s24 =	sld [smem:$0x3FFE];
	[sflag:s23] =	ssyncadd.s32 $0xFFFFFFFF  }
0xa5: {  	s26 =	simm.s32 $execute0_lowered;
	[smem:$0x3FD2] =	sst s25  }
0xa6: {  	s5 =	sshll.u32 s26, $0x1;
	_ =	strace $0x80000049;
	[dreg:$0x1] =	wrdreg $0xFFFFFFFF  }
0xa7: {  	s28 =	simm.s32 $_size_execute0_lowered;
	s3 =	sadd.s32 s3, s5;
	[dreg:$0x0] =	wrdreg $0x0  }
0xa8: {  	s5 =	sshll.u32 s28, $0x1;
	[dreg:$0x2] =	wrdreg s3  }
0xa9: {  	[dreg:$0x3] =	wrdreg s5  }
0xaa: {  	[dreg:$0x4] =	wrdreg $0xC0  }
0xab: {  	_ =	task [dreg:s7], $0x5FFFF  }
0xac: {  	[dreg:$0x1] =	wrdreg $0xFFFFFFFF  }
0xad: {  	[dreg:$0x0] =	wrdreg $0x60  }
0xae: {  	[dreg:$0x2] =	wrdreg s2  }
0xaf: {  	[dreg:$0x3] =	wrdreg s24  }
0xb0: {  	[dreg:$0x4] =	wrdreg $0x0  }
0xb1: {  	[dreg:$0x5] =	wrdreg $0x9  }
0xb2: {  	_ =	task.clear_ibuf [dreg:s7], $0x6FFFF;
	_ =	strace $0x90000049  }
0xb3: {  	s29 =	simm.s32 $0x9;
	_ =	strace $0x8000004B  }
0xb4: {  	_ =	swait.ge [sflag:s29], $0x1  }
0xb5: {  	[sflag:s29] =	ssyncadd.s32 $0xFFFFFFFF  }
0xb6: {  	_ =	strace $0x9000004B  }
0xb7: {  	_ =	sfence  }
0xb8: {  	s30 =	sld [smem:$0x0];
	_ =	sdelay $0x2  }
0xb9: {  	s31 =	sshll.u32 s1, $0xD;
	s1 =	sshrl.u32 s1, $0x2  }
0xba: {  	s3 =	sand.u32 $0x4000, s31;
	s1 =	sadd.s32 s1, s30  }
0xbb: {  	s0 =	sor.u32 s3, s0;
	s1 =	sshll.u32 s1, $0x11  }
0xbc: {  	s0 =	sor.u32 s1, s0  }
0xbd: {  	s0 =	sadd.s32 $0x8F2B, s0  }
0xbe: {  	[sflag:s0] =	ssyncadd.remote.s32 $0x1  }
0xbf: {  	_ =	sfence.sel $0xFFFF  }
0xc0: {  	[dreg:$0x0] =	wrdreg $0xFFFFFFFF;
	(pc) =	sbr.abs _section_cstart, $3  }
0xc1: {  	[dreg:$0x1] =	wrdreg $0xFFFFFFFF  }
0xc2: {  	_ =	task.clear_ibuf [dreg:s7], $0x2FFFF;
	_ =	strace $0x9FFFFFFF  }
0xc3: {  	(tm) =	ssettm $0x7FFFFFFF  }
tec
execute0_lowered:
.L_overlay_start_1:
0x0: {  	(tag) =	ssettag $0x1  }
0x1: {  	s1 =	rddreg [dreg:$0x0]  }
0x2: {  	s0 =	rddreg [dreg:$0x1]  }
0x3: {  	s2 =	rddreg [dreg:$0x2];
	s3 =	srdreg.scid;
	s4 =	simm.s32 $0x0  }
0x4: {  	s11 =	stileid.u32;
	s14 =	simm.s32 $0x5;
	s15 =	simm.s32 $0x14000  }
0x5: {  	s16 =	simm.s32 $0x15400;
	s17 =	simm.s32 $0x7D;
	s18 =	simm.s32 $0x16800  }
0x6: {  	s19 =	simm.s32 $0x14080;
	s20 =	simm.s32 $0x1A800;
	s28 =	simm.s32 $0x2  }
0x7: {  	s29 =	simm.s32 $0x0;
	s3 =	sand.u32 $0x1, s3;
	[smem:$0x7FF] =	sst s4  }
0x8: {  	s6 =	smul.u32 $0x14000, s11;
	s7 =	sadd.s32 $0x4000, s0;
	s8 =	sadd.s32 $0xE000, s0  }
0x9: {  	s21 =	sadd.s32 $0x18000, s0;
	s9 =	smul.u32 $0x50000, s11;
	s26 =	sshll.u32 s11, $0x6  }
0xa: {  	s5 =	smul.u32 $0x140000, s3;
	_ =	strace $0x8000004A;
	[dreg:$0x4] =	wrdreg s21  }
0xb: {  	s22 =	sshll.u32 s3, $0x4;
	s3 =	ssub.s32 $0x2, s3;
	s21 =	simm.s32 $0x1  }
0xc: {  	s23 =	sshrl.u32 s3, $0x1;
	s24 =	sshrl.u32 s9, $0x2;
	s5 =	sadd.s32 s6, s5  }
0xd: {  	s6 =	sor.u32 s11, s22;
	s3 =	ssub.s32 s3, s23;
	s22 =	simm.s32 $0x3  }
0xe: {  	s23 =	simm.s32 $0x14100;
	s5 =	sshrl.u32 s5, $0x3;
	s25 =	smul.u32 $0x500, s6  }
0xf: {  	s10 =	smul.u32 $0x2800, s6;
	s6 =	sor.u32 $0x1C05, s26;
	s12 =	smax.u32 s3, $0x1  }
0x10: {  	s26 =	simm.s32 $0x4;
	s0 =	sadd.s32 s5, s0;
	s30 =	sadd.s32 s7, s25  }
0x11: {  	s10 =	sshrl.u32 s10, $0x3;
	s9 =	sadd.s32 s8, s25;
	[dreg:$0x5] =	wrdreg s30  }
0x12: {  	s0 =	sadd.s32 $0x1A800, s0;
	s10 =	sadd.s32 $0x280, s10;
	[dreg:$0x6] =	wrdreg s9  }
0x13: {  	s5 =	sadd.s32 s24, s2;
	[dreg:$0x9] =	wrdreg s0;
	s7 =	sadd.s32 s7, s10  }
0x14: {  	s24 =	simm.s32 $0x15480;
	s31 =	sadd.s32 s8, s10;
	[dreg:$0x7] =	wrdreg s7  }
0x15: {  	s13 =	sshrl.u32 s5, $0x3;
	s25 =	simm.s32 $0x16780;
	[dreg:$0x8] =	wrdreg s31  }
.LBB2_1:
0x16: {  	s0 =	rddreg [dreg:$0x4]  }
0x17: {  	[spmem:s13], [sflag:s6] =	dma.local [hbm:s0], $0x2800  }
0x18: {  	_ =	swait.ge [sflag:s14], $0x2800  }
0x19: {  	[sflag:s14] =	ssyncset.done $0x0  }
0x1a: {  	[sflag:s14] =	ssyncadd.s32 $0xFFFFD800  }
0x1b: {  	[bflag:$0x0] =	sbarrier.arrive $0xFFFF  }
0x1c: {  	s8 =	rddreg [dreg:$0x5]  }
0x1d: {  	[tilespmem:s15], [sflag:$0x5] =	stream.linear.gather [hbm4b:s8+s4], $0x1400, $0x38;
	[tilespmem:$0x1E800] =	vst v63  }
0x1e: {  	_ =	swait.ge [sflag:s14], $0x1400  }
0x1f: {  	[sflag:s14] =	ssyncset.done $0x0  }
0x20: {  	s9 =	rddreg [dreg:$0x6];
	[sflag:s14] =	ssyncadd.s32 $0xFFFFEC00  }
0x21: {  	[tilespmem:s16], [sflag:$0x5] =	stream.linear.gather [hbm4b:s9+s4], $0x1400, $0x38;
	[tilespmem:$0x1E800] =	vst v63  }
0x22: {  	_ =	swait.ge [sflag:s14], $0x1400  }
0x23: {  	[sflag:s14] =	ssyncset.done $0x0  }
0x24: {  	[sflag:s14] =	ssyncadd.s32 $0xFFFFEC00  }
0x25: {  	[tilespmem:s18], [sflag:$0x1] =	stream.indirect.gather [hbm4b:s1+s17], $0x80, s15, s17, $0xb8;
	[tilespmem:$0x1E800] =	vst v63  }
0x26: {  	_ = 	snop  }
0x27: {  	[tilespmem:s20], [sflag:$0x2] =	stream.indirect.gather [hbm4b:s1+s17], $0x80, s19, s17, $0xb8;
	[tilespmem:$0x1E800] =	vst v63  }
0x28: {  	_ =	swait.ge [sflag:s21], $0x3E80  }
0x29: {  	[sflag:s21] =	ssyncset.done $0x0  }
0x2a: {  	[sflag:s21] =	ssyncadd.s32 $0xFFFFC180  }
0x2b: {  	[spmem:s2] =	stream.indirect.scatter.add.f32 [tilespmem:s18], [sflag:$0x3], $0x80, s16, s17, $0xb8;
	[tilespmem:$0x1E800] =	vst v63  }
0x2c: {  	_ =	swait.ge [sflag:s22], $0x3E80  }
0x2d: {  	[sflag:s22] =	ssyncset.done $0x0  }
0x2e: {  	[sflag:s22] =	ssyncadd.s32 $0xFFFFC180  }
0x2f: {  	[tilespmem:s18], [sflag:$0x1] =	stream.indirect.gather [hbm4b:s1+s17], $0x80, s23, s17, $0xb8;
	[tilespmem:$0x1E800] =	vst v63  }
0x30: {  	s10 =	sand.u32 $0x1, s28;
	_ =	swait.ge [sflag:s28], $0x3E80  }
0x31: {  	p0 =	seq.s32 s10, $0x1;
	[sflag:s28] =	ssyncset.done $0x0  }
0x32: {  	s0 =	simm.s32 @p0 $0x3;
	[sflag:s28] =	ssyncadd.s32 $0xFFFFC180  }
0x33: {  	[spmem:s2] =	stream.indirect.scatter.add.f32 [tilespmem:s20], [sflag:$0x4], $0x80, s24, s17, $0xb8;
	[tilespmem:$0x1E800] =	vst v63  }
0x34: {  	s3 =	simm.s32 $0x14180;
	_ =	swait.ge @p0 [sflag:s0], $0x3E80  }
0x35: {  	s5 =	simm.s32 @p0 $0x2;
	[sflag:s0] =	ssyncset.done @p0 $0x0;
	p0 =	por p0, p0  }
0x36: {  	[sflag:s0] =	ssyncadd.s32 @p0 $0xFFFFC180;
	s7 =	simm.s32 @p0 $0x7D;
	s0 =	simm.s32 @p0 $0x16800  }
0x37: {  	[tilespmem:s0], [sflag:$0x1] =	stream.indirect.gather @p0 [hbm4b:s1+s7], $0x80, s3, s7, $0xb8;
	[tilespmem:$0x1E800] =	vst v63  }
0x38: {  	_ =	swait.ge @p0 [sflag:s5], $0x3E80  }
0x39: {  	s8 =	simm.s32 @!p0 $0x4;
	[sflag:s5] =	ssyncset.done @p0 $0x0  }
0x3a: {  	s0 =	simm.s32 $0x15500;
	[sflag:s5] =	ssyncadd.s32 @p0 $0xFFFFC180;
	s5 =	simm.s32 @p0 $0x1A800  }
0x3b: {  	[spmem:s2] =	stream.indirect.scatter.add.f32 @p0 [tilespmem:s5], [sflag:$0x4], $0x80, s0, s7, $0xb8;
	[tilespmem:$0x1E800] =	vst v63  }
0x3c: {  	_ =	swait.ge @!p0 [sflag:s8], $0x3E80  }
0x3d: {  	s30 =	simm.s32 $0x3;
	[sflag:s8] =	ssyncset.done @!p0 $0x0  }
0x3e: {  	s5 =	simm.s32 @!p0 $0x7D;
	s7 =	simm.s32 @!p0 $0x1A800;
	[sflag:s8] =	ssyncadd.s32 @!p0 $0xFFFFC180  }
0x3f: {  	[tilespmem:s7], [sflag:$0x2] =	stream.indirect.gather @!p0 [hbm4b:s1+s5], $0x80, s3, s5, $0xb8;
	[tilespmem:$0x1E800] =	vst v63  }
0x40: {  	s31 =	simm.s32 $0x14200;
	s11 =	sand.u32 $0x1, s30;
	s7 =	simm.s32 @!p0 $0x1  }
0x41: {  	s30 =	simm.s32 $0x15580;
	p2 =	seq.s32 s11, $0x1;
	_ =	swait.ge @!p0 [sflag:s7], $0x3E80  }
0x42: {  	s8 =	simm.s32 @!p0 $0x16800;
	s3 =	simm.s32 $0x4;
	[sflag:s7] =	ssyncset.done @!p0 $0x0  }
.LBB2_2:
0x43: {  	s9 =	simm.s32 @p2 $0x3;
	[sflag:s7] =	ssyncadd.s32 @!p0 $0xFFFFC180  }
0x44: {  	s10 =	smov.u32 s3;
	s3 =	sadd.s32 $0x1, s3;
	s11 =	smov.u32 s31  }
0x45: {  	[spmem:s2] =	stream.indirect.scatter.add.f32 @!p0 [tilespmem:s8], [sflag:$0x3], $0x80, s0, s5, $0xb8;
	[tilespmem:$0x1E800] =	vst v63  }
0x46: {  	p1 =	sne.s32 s3, $0x27;
	s0 =	smov.u32 s30;
	_ =	swait.ge @p2 [sflag:s9], $0x3E80  }
0x47: {  	s5 =	simm.s32 @p2 $0x2;
	p0 =	por p2, p2;
	[sflag:s9] =	ssyncset.done @p2 $0x0  }
0x48: {  	s7 =	simm.s32 @p0 $0x7D;
	s8 =	simm.s32 @p0 $0x16800;
	[sflag:s9] =	ssyncadd.s32 @p0 $0xFFFFC180  }
0x49: {  	[tilespmem:s8], [sflag:$0x1] =	stream.indirect.gather @p0 [hbm4b:s1+s7], $0x80, s31, s7, $0xb8;
	[tilespmem:$0x1E800] =	vst v63  }
0x4a: {  	_ =	swait.ge @p0 [sflag:s5], $0x3E80  }
0x4b: {  	[sflag:s5] =	ssyncset.done @p0 $0x0  }
0x4c: {  	s8 =	simm.s32 @!p0 $0x4;
	[sflag:s5] =	ssyncadd.s32 @p0 $0xFFFFC180;
	s5 =	simm.s32 @p0 $0x1A800  }
0x4d: {  	[spmem:s2] =	stream.indirect.scatter.add.f32 @p0 [tilespmem:s5], [sflag:$0x4], $0x80, s30, s7, $0xb8;
	[tilespmem:$0x1E800] =	vst v63  }
0x4e: {  	s31 =	sadd.s32 $0x80, s31;
	_ =	swait.ge @!p0 [sflag:s8], $0x3E80  }
.Ltmp0:
0x4f: {  	s7 =	simm.s32 @!p0 $0x1;
	[sflag:s8] =	ssyncset.done @!p0 $0x0;
	(pc) =	sbr.rel @p1 .LBB2_2-.Ltmp0, $4  }
0x50: {  	s5 =	simm.s32 @!p0 $0x7D;
	[sflag:s8] =	ssyncadd.s32 @!p0 $0xFFFFC180;
	s8 =	simm.s32 @!p0 $0x1A800  }
0x51: {  	[tilespmem:s8], [sflag:$0x2] =	stream.indirect.gather @!p0 [hbm4b:s1+s5], $0x80, s11, s5, $0xb8;
	[tilespmem:$0x1E800] =	vst v63  }
0x52: {  	s30 =	sadd.s32 $0x80, s30;
	s8 =	sand.u32 $0x1, s10;
	_ =	swait.ge @!p0 [sflag:s7], $0x3E80  }
0x53: {  	p2 =	seq.s32 s8, $0x1;
	s8 =	simm.s32 @!p0 $0x16800;
	[sflag:s7] =	ssyncset.done @!p0 $0x0  }
0x54: {  	s3 =	simm.s32 @p2 $0x3;
	[sflag:s7] =	ssyncadd.s32 @!p0 $0xFFFFC180  }
0x55: {  	[spmem:s2] =	stream.indirect.scatter.add.f32 @!p0 [tilespmem:s8], [sflag:$0x3], $0x80, s0, s5, $0xb8;
	[tilespmem:$0x1E800] =	vst v63  }
0x56: {  	_ =	swait.ge @p2 [sflag:s3], $0x3E80  }
0x57: {  	s0 =	simm.s32 @p2 $0x2;
	p0 =	por p2, p2;
	[sflag:s3] =	ssyncset.done @p2 $0x0  }
0x58: {  	s5 =	simm.s32 @p0 $0x16800;
	[sflag:s3] =	ssyncadd.s32 @p0 $0xFFFFC180;
	s3 =	simm.s32 @p0 $0x7D  }
0x59: {  	[tilespmem:s5], [sflag:$0x1] =	stream.indirect.gather @p0 [hbm4b:s1+s3], $0x80, s31, s3, $0xb8;
	[tilespmem:$0x1E800] =	vst v63  }
0x5a: {  	_ =	swait.ge @p0 [sflag:s0], $0x3E80  }
0x5b: {  	[sflag:s0] =	ssyncset.done @p0 $0x0  }
0x5c: {  	s5 =	simm.s32 @!p0 $0x4;
	[sflag:s0] =	ssyncadd.s32 @p0 $0xFFFFC180;
	s0 =	simm.s32 @p0 $0x1A800  }
0x5d: {  	[spmem:s2] =	stream.indirect.scatter.add.f32 @p0 [tilespmem:s0], [sflag:$0x4], $0x80, s30, s3, $0xb8;
	[tilespmem:$0x1E800] =	vst v63  }
0x5e: {  	_ =	swait.ge @!p0 [sflag:s5], $0x3E80  }
0x5f: {  	s0 =	simm.s32 @!p0 $0x1;
	[sflag:s5] =	ssyncset.done @!p0 $0x0  }
0x60: {  	s3 =	simm.s32 @!p0 $0x7D;
	[sflag:s5] =	ssyncadd.s32 @!p0 $0xFFFFC180;
	s5 =	simm.s32 @!p0 $0x1A800  }
0x61: {  	[tilespmem:s5], [sflag:$0x2] =	stream.indirect.gather @!p0 [hbm4b:s1+s3], $0x80, s31, s3, $0xb8;
	[tilespmem:$0x1E800] =	vst v63  }
0x62: {  	_ =	swait.ge @!p0 [sflag:s0], $0x3E80  }
0x63: {  	[sflag:s0] =	ssyncset.done @!p0 $0x0  }
0x64: {  	s8 =	simm.s32 $0x2;
	s5 =	simm.s32 @!p0 $0x16800;
	[sflag:s0] =	ssyncadd.s32 @!p0 $0xFFFFC180  }
0x65: {  	[spmem:s2] =	stream.indirect.scatter.add.f32 @!p0 [tilespmem:s5], [sflag:$0x3], $0x80, s30, s3, $0xb8;
	[tilespmem:$0x1E800] =	vst v63  }
0x66: {  	_ =	swait.ge [sflag:s8], $0x3E80  }
0x67: {  	[sflag:s8] =	ssyncset.done $0x0  }
0x68: {  	[sflag:s8] =	ssyncadd.s32 $0xFFFFC180  }
0x69: {  	[spmem:s2] =	stream.indirect.scatter.add.f32 [tilespmem:s20], [sflag:$0x4], $0x80, s25, s17, $0xb8;
	[tilespmem:$0x1E800] =	vst v63  }
0x6a: {  	_ =	swait.ge [sflag:s22], $0x3E80  }
0x6b: {  	[sflag:s22] =	ssyncset.done $0x0  }
0x6c: {  	[sflag:s22] =	ssyncadd.s32 $0xFFFFC180  }
0x6d: {  	_ =	swait.ge [sflag:s26], $0x3E80  }
0x6e: {  	[sflag:s26] =	ssyncset.done $0x0  }
0x6f: {  	s9 =	rddreg [dreg:$0x7];
	[sflag:s26] =	ssyncadd.s32 $0xFFFFC180  }
0x70: {  	[tilespmem:s15], [sflag:$0x5] =	stream.linear.gather [hbm4b:s9+s4], $0x1400, $0x38;
	[tilespmem:$0x1E800] =	vst v63  }
0x71: {  	_ =	swait.ge [sflag:s14], $0x1400  }
0x72: {  	[sflag:s14] =	ssyncset.done $0x0  }
0x73: {  	s10 =	rddreg [dreg:$0x8];
	[sflag:s14] =	ssyncadd.s32 $0xFFFFEC00  }
0x74: {  	[tilespmem:s16], [sflag:$0x5] =	stream.linear.gather [hbm4b:s10+s4], $0x1400, $0x38;
	[tilespmem:$0x1E800] =	vst v63  }
0x75: {  	_ =	swait.ge [sflag:s14], $0x1400  }
0x76: {  	[sflag:s14] =	ssyncset.done $0x0  }
0x77: {  	[sflag:s14] =	ssyncadd.s32 $0xFFFFEC00  }
0x78: {  	[tilespmem:s18], [sflag:$0x1] =	stream.indirect.gather [hbm4b:s1+s17], $0x80, s15, s17, $0xb8;
	[tilespmem:$0x1E800] =	vst v63  }
0x79: {  	_ = 	snop  }
0x7a: {  	[tilespmem:s20], [sflag:$0x2] =	stream.indirect.gather [hbm4b:s1+s17], $0x80, s19, s17, $0xb8;
	[tilespmem:$0x1E800] =	vst v63  }
0x7b: {  	_ =	swait.ge [sflag:s21], $0x3E80  }
0x7c: {  	[sflag:s21] =	ssyncset.done $0x0  }
0x7d: {  	[sflag:s21] =	ssyncadd.s32 $0xFFFFC180  }
0x7e: {  	[spmem:s2] =	stream.indirect.scatter.add.f32 [tilespmem:s18], [sflag:$0x3], $0x80, s16, s17, $0xb8;
	[tilespmem:$0x1E800] =	vst v63  }
0x7f: {  	_ =	swait.ge [sflag:s22], $0x3E80  }
0x80: {  	[sflag:s22] =	ssyncset.done $0x0  }
0x81: {  	[sflag:s22] =	ssyncadd.s32 $0xFFFFC180  }
0x82: {  	[tilespmem:s18], [sflag:$0x1] =	stream.indirect.gather [hbm4b:s1+s17], $0x80, s23, s17, $0xb8;
	[tilespmem:$0x1E800] =	vst v63  }
0x83: {  	s0 =	sand.u32 $0x1, s8;
	_ =	swait.ge [sflag:s8], $0x3E80  }
0x84: {  	p0 =	seq.s32 s0, $0x1;
	[sflag:s8] =	ssyncset.done $0x0  }
0x85: {  	s0 =	simm.s32 @p0 $0x3;
	[sflag:s8] =	ssyncadd.s32 $0xFFFFC180  }
0x86: {  	[spmem:s2] =	stream.indirect.scatter.add.f32 [tilespmem:s20], [sflag:$0x4], $0x80, s24, s17, $0xb8;
	[tilespmem:$0x1E800] =	vst v63  }
0x87: {  	s3 =	simm.s32 @p0 $0x2;
	_ =	swait.ge @p0 [sflag:s0], $0x3E80  }
0x88: {  	s8 =	simm.s32 $0x14180;
	[sflag:s0] =	ssyncset.done @p0 $0x0;
	p0 =	por p0, p0  }
0x89: {  	[sflag:s0] =	ssyncadd.s32 @p0 $0xFFFFC180;
	s5 =	simm.s32 @p0 $0x7D;
	s0 =	simm.s32 @p0 $0x16800  }
0x8a: {  	[tilespmem:s0], [sflag:$0x1] =	stream.indirect.gather @p0 [hbm4b:s1+s5], $0x80, s8, s5, $0xb8;
	[tilespmem:$0x1E800] =	vst v63  }
0x8b: {  	_ =	swait.ge @p0 [sflag:s3], $0x3E80  }
0x8c: {  	s9 =	simm.s32 @!p0 $0x4;
	[sflag:s3] =	ssyncset.done @p0 $0x0  }
0x8d: {  	s0 =	simm.s32 $0x15500;
	[sflag:s3] =	ssyncadd.s32 @p0 $0xFFFFC180;
	s3 =	simm.s32 @p0 $0x1A800  }
0x8e: {  	[spmem:s2] =	stream.indirect.scatter.add.f32 @p0 [tilespmem:s3], [sflag:$0x4], $0x80, s0, s5, $0xb8;
	[tilespmem:$0x1E800] =	vst v63  }
0x8f: {  	s31 =	simm.s32 $0x15580;
	s10 =	simm.s32 $0x3;
	_ =	swait.ge @!p0 [sflag:s9], $0x3E80  }
0x90: {  	s11 =	sand.u32 $0x1, s10;
	s7 =	simm.s32 @!p0 $0x1;
	[sflag:s9] =	ssyncset.done @!p0 $0x0  }
0x91: {  	s5 =	simm.s32 @!p0 $0x7D;
	[sflag:s9] =	ssyncadd.s32 @!p0 $0xFFFFC180;
	s9 =	simm.s32 @!p0 $0x1A800  }
0x92: {  	[tilespmem:s9], [sflag:$0x2] =	stream.indirect.gather @!p0 [hbm4b:s1+s5], $0x80, s8, s5, $0xb8;
	[tilespmem:$0x1E800] =	vst v63  }
0x93: {  	s30 =	simm.s32 $0x14200;
	p2 =	seq.s32 s11, $0x1;
	_ =	swait.ge @!p0 [sflag:s7], $0x3E80  }
0x94: {  	s3 =	simm.s32 $0x4;
	s8 =	simm.s32 @!p0 $0x16800;
	[sflag:s7] =	ssyncset.done @!p0 $0x0  }
.LBB2_4:
0x95: {  	s9 =	simm.s32 @p2 $0x3;
	[sflag:s7] =	ssyncadd.s32 @!p0 $0xFFFFC180  }
0x96: {  	s10 =	smov.u32 s3;
	s3 =	sadd.s32 $0x1, s3;
	s11 =	smov.u32 s30  }
0x97: {  	[spmem:s2] =	stream.indirect.scatter.add.f32 @!p0 [tilespmem:s8], [sflag:$0x3], $0x80, s0, s5, $0xb8;
	[tilespmem:$0x1E800] =	vst v63  }
0x98: {  	p1 =	sne.s32 s3, $0x27;
	s0 =	smov.u32 s31;
	_ =	swait.ge @p2 [sflag:s9], $0x3E80  }
0x99: {  	s5 =	simm.s32 @p2 $0x2;
	p0 =	por p2, p2;
	[sflag:s9] =	ssyncset.done @p2 $0x0  }
0x9a: {  	s7 =	simm.s32 @p0 $0x7D;
	s8 =	simm.s32 @p0 $0x16800;
	[sflag:s9] =	ssyncadd.s32 @p0 $0xFFFFC180  }
0x9b: {  	[tilespmem:s8], [sflag:$0x1] =	stream.indirect.gather @p0 [hbm4b:s1+s7], $0x80, s30, s7, $0xb8;
	[tilespmem:$0x1E800] =	vst v63  }
0x9c: {  	_ =	swait.ge @p0 [sflag:s5], $0x3E80  }
0x9d: {  	[sflag:s5] =	ssyncset.done @p0 $0x0  }
0x9e: {  	s8 =	simm.s32 @!p0 $0x4;
	[sflag:s5] =	ssyncadd.s32 @p0 $0xFFFFC180;
	s5 =	simm.s32 @p0 $0x1A800  }
0x9f: {  	[spmem:s2] =	stream.indirect.scatter.add.f32 @p0 [tilespmem:s5], [sflag:$0x4], $0x80, s31, s7, $0xb8;
	[tilespmem:$0x1E800] =	vst v63  }
0xa0: {  	s30 =	sadd.s32 $0x80, s30;
	_ =	swait.ge @!p0 [sflag:s8], $0x3E80  }
.Ltmp1:
0xa1: {  	s7 =	simm.s32 @!p0 $0x1;
	[sflag:s8] =	ssyncset.done @!p0 $0x0;
	(pc) =	sbr.rel @p1 .LBB2_4-.Ltmp1, $4  }
0xa2: {  	s5 =	simm.s32 @!p0 $0x7D;
	[sflag:s8] =	ssyncadd.s32 @!p0 $0xFFFFC180;
	s8 =	simm.s32 @!p0 $0x1A800  }
0xa3: {  	[tilespmem:s8], [sflag:$0x2] =	stream.indirect.gather @!p0 [hbm4b:s1+s5], $0x80, s11, s5, $0xb8;
	[tilespmem:$0x1E800] =	vst v63  }
0xa4: {  	s31 =	sadd.s32 $0x80, s31;
	s8 =	sand.u32 $0x1, s10;
	_ =	swait.ge @!p0 [sflag:s7], $0x3E80  }
0xa5: {  	p2 =	seq.s32 s8, $0x1;
	s8 =	simm.s32 @!p0 $0x16800;
	[sflag:s7] =	ssyncset.done @!p0 $0x0  }
0xa6: {  	s3 =	simm.s32 @p2 $0x3;
	[sflag:s7] =	ssyncadd.s32 @!p0 $0xFFFFC180  }
0xa7: {  	[spmem:s2] =	stream.indirect.scatter.add.f32 @!p0 [tilespmem:s8], [sflag:$0x3], $0x80, s0, s5, $0xb8;
	[tilespmem:$0x1E800] =	vst v63  }
0xa8: {  	_ =	swait.ge @p2 [sflag:s3], $0x3E80  }
0xa9: {  	s0 =	simm.s32 @p2 $0x2;
	p0 =	por p2, p2;
	[sflag:s3] =	ssyncset.done @p2 $0x0  }
0xaa: {  	s5 =	simm.s32 @p0 $0x16800;
	[sflag:s3] =	ssyncadd.s32 @p0 $0xFFFFC180;
	s3 =	simm.s32 @p0 $0x7D  }
0xab: {  	[tilespmem:s5], [sflag:$0x1] =	stream.indirect.gather @p0 [hbm4b:s1+s3], $0x80, s30, s3, $0xb8;
	[tilespmem:$0x1E800] =	vst v63  }
0xac: {  	_ =	swait.ge @p0 [sflag:s0], $0x3E80  }
0xad: {  	[sflag:s0] =	ssyncset.done @p0 $0x0  }
0xae: {  	s5 =	simm.s32 @!p0 $0x4;
	[sflag:s0] =	ssyncadd.s32 @p0 $0xFFFFC180;
	s0 =	simm.s32 @p0 $0x1A800  }
0xaf: {  	[spmem:s2] =	stream.indirect.scatter.add.f32 @p0 [tilespmem:s0], [sflag:$0x4], $0x80, s31, s3, $0xb8;
	[tilespmem:$0x1E800] =	vst v63  }
0xb0: {  	_ =	swait.ge @!p0 [sflag:s5], $0x3E80  }
0xb1: {  	s0 =	simm.s32 @!p0 $0x1;
	[sflag:s5] =	ssyncset.done @!p0 $0x0  }
0xb2: {  	s3 =	simm.s32 @!p0 $0x7D;
	[sflag:s5] =	ssyncadd.s32 @!p0 $0xFFFFC180;
	s5 =	simm.s32 @!p0 $0x1A800  }
0xb3: {  	[tilespmem:s5], [sflag:$0x2] =	stream.indirect.gather @!p0 [hbm4b:s1+s3], $0x80, s30, s3, $0xb8;
	[tilespmem:$0x1E800] =	vst v63  }
0xb4: {  	_ =	swait.ge @!p0 [sflag:s0], $0x3E80  }
0xb5: {  	[sflag:s0] =	ssyncset.done @!p0 $0x0  }
0xb6: {  	s5 =	simm.s32 @!p0 $0x16800;
	[sflag:s0] =	ssyncadd.s32 @!p0 $0xFFFFC180  }
0xb7: {  	[spmem:s2] =	stream.indirect.scatter.add.f32 @!p0 [tilespmem:s5], [sflag:$0x3], $0x80, s31, s3, $0xb8;
	[tilespmem:$0x1E800] =	vst v63  }
0xb8: {  	_ =	swait.ge [sflag:s28], $0x3E80  }
0xb9: {  	[sflag:s28] =	ssyncset.done $0x0  }
0xba: {  	[sflag:s28] =	ssyncadd.s32 $0xFFFFC180  }
0xbb: {  	[spmem:s2] =	stream.indirect.scatter.add.f32 [tilespmem:s20], [sflag:$0x4], $0x80, s25, s17, $0xb8;
	[tilespmem:$0x1E800] =	vst v63  }
0xbc: {  	_ =	swait.ge [sflag:s22], $0x3E80  }
0xbd: {  	[sflag:s22] =	ssyncset.done $0x0  }
0xbe: {  	[sflag:s22] =	ssyncadd.s32 $0xFFFFC180  }
0xbf: {  	_ =	swait.ge [sflag:s26], $0x3E80  }
0xc0: {  	[sflag:s26] =	ssyncset.done $0x0  }
0xc1: {  	s29 =	sadd.s32 $0x1, s29;
	[sflag:s26] =	ssyncadd.s32 $0xFFFFC180  }
0xc2: {  	p0 =	sne.s32 s29, s12;
	[bflag:$0x0] =	sbarrier.arrive $0xFFFF  }
.Ltmp2:
0xc3: {  	s31 =	rddreg [dreg:$0x9];
	(pc) =	sbr.rel @p0 .LBB2_1-.Ltmp2, $4  }
0xc4: {  	[hbm:s31], [sflag:s6] =	dma.local [spmem:s13], $0x2800  }
0xc5: {  	_ =	swait.ge [sflag:s14], $0x2800  }
0xc6: {  	[sflag:s14] =	ssyncset.done $0x0  }
0xc7: {  	[sflag:s14] =	ssyncadd.s32 $0xFFFFD800  }
0xc8: {  	_ =	sfence.sel $0x180000  }
0xc9: {  	[bflag:$0x0] =	sbarrier.arrive $0xFFFF  }
0xca: {  	_ =	strace $0x9000004A  }
0xcb: {  	s0 =	stileid.u32;
	[bflag:$0x2] =	sbarrier.arrive $0xFFFF  }
0xcc: {  	p0 =	sne.s32 s0, $0x0;
	s0 =	rddreg [dreg:$0x3]  }
0xcd: {  	s0 =	sadd.s32 @!p0 $0x100000, s0  }
0xce: {  	[sflag:s0] =	ssyncadd.tile.s32 @!p0 $0x1;
	_ =	shalt  }
.Lfunc_end2:
_tile_overlayer_lowered:
.L_overlay_start_2:
0xcf: {  	(tag) =	ssettag $0x2  }
0xd0: {  	s0 =	rddreg [dreg:$0x0];
	s2 =	stileid.u32  }
0xd1: {  	s1 =	rddreg [dreg:$0x1];
	p0 =	sne.s32 s2, $0x0  }
0xd2: {  	s3 =	rddreg [dreg:$0x2];
	[bflag:$0x3] =	sbarrier.arrive $0xFFFF;
	s2 =	simm.s32 @!p0 $0x1C05  }
0xd3: {  	[timem:s3], [sflag:s2] =	dma.local @!p0 [hbm:s0], s1  }
0xd4: {  	s0 =	simm.s32 @!p0 $0x5  }
0xd5: {  	_ =	swait.ge @!p0 [sflag:s0], s1  }
0xd6: {  	s1 =	ssub.s32 @!p0 $0x0, s1;
	[sflag:s0] =	ssyncset.done @!p0 $0x0  }
0xd7: {  	[sflag:s0] =	ssyncadd.s32 @!p0 s1  }
0xd8: {  	[bflag:$0x3] =	sbarrier.arrive $0xFFFF  }
0xd9: {  	_ =	shalt  }

// kernel: kernel.14.cloned.1.call-start
scs
__scs_entry_jumppad:
0x0: {  	(pc) =	sbr.rel $0x88, $3  }
0x1: {  	(tag) =	ssettag $0x0;
	lr =	simm.s32 $0x1  }
0x2: {  	[smem:$0x3F92] =	sst lr;
	_ =	strace $0xD0000000  }
0x3: {  	_ = 	snop  }
0x4: {  	_ = 	snop  }
0x5: {  	_ = 	snop  }
0x6: {  	_ = 	snop  }
0x7: {  	_ = 	snop  }
__scs_overlays_trampoline_lowered:
0x8: {  	[smem:$0x3FA1] =	sst s0  }
0x9: {  	[smem:$0x3FA2] =	sst s1  }
0xa: {  	[smem:$0x3FA3] =	sst s2  }
0xb: {  	[smem:$0x3FA4] =	sst s3  }
0xc: {  	[smem:$0x3FA5] =	sst s4  }
0xd: {  	[smem:$0x3FA6] =	sst s5  }
0xe: {  	[smem:$0x3FA7] =	sst s6  }
0xf: {  	[smem:$0x3FA8] =	sst s7  }
0x10: {  	[smem:$0x3FA9] =	sst s8  }
0x11: {  	[smem:$0x3FAA] =	sst s9;
	s0 =	simm.s32 @!p0 $0x0  }
0x12: {  	s1 =	sld [smem:$0x3F90];
	s0 =	simm.s32 @p0 $0x1  }
0x13: {  	[smem:$0x3FAB] =	sst s0;
	s0 =	simm.s32 @!p1 $0x0  }
0x14: {  	s2 =	sld [smem:$0x3F8F];
	s0 =	simm.s32 @p1 $0x1  }
0x15: {  	[smem:$0x3FAC] =	sst s0;
	s0 =	simm.s32 @!p2 $0x0  }
0x16: {  	s3 =	sld [smem:$0x3FDB];
	s0 =	simm.s32 @p2 $0x1  }
0x17: {  	s4 =	simm.s32 $0x1BF5;
	[smem:$0x3FAE] =	sst s0  }
0x18: {  	s0 =	sld [smem:$0x3F91];
	_ =	swait.ge [sflag:s4], $0x0  }
0x19: {  	s7 =	sld [smem:$0x3F92]  }
0x1a: {  	s8 =	sadd.s32 $0xFFFFE003, lr  }
0x1b: {  	s9 =	sadd.s32 $0xFFFFFEF7, lr;
	s5 =	simm.s32 $0xFFFFFFFF;
	p2 =	slt.u32 s8, $0xFFFFF086  }
0x1c: {  	p1 =	slt.u32 s9, $0xF7A;
	s5 =	simm.s32 @!p2 $0x0  }
0x1d: {  	s5 =	simm.s32 @p1 $0x1;
	p0 =	seq.s32 s7, s2  }
0x1e: {  	s7 =	smul.u32 @!p0 $0xF7A, s2;
	p2 =	seq.s32 @!p0 s5, $0x0  }
0x1f: {  	s9 =	smul.u32 $0xF7A, s1;
	s8 =	simm.s32 @!p0 $0x1BF5;
	p2 =	por !p2, p0  }
0x20: {  	[sflag:s8] =	ssyncset.s32 @!p0 $0xFFFFF086;
	s6 =	sadd.s32 @!p0 s3, s7;
	s7 =	simm.s32 @!p0 $0x108  }
0x21: {  	s3 =	sadd.s32 s3, s9;
	s6 =	sadd.s32 @!p0 $0x88, s6;
	s7 =	simm.s32 @p2 $0x1082  }
0x22: {  	[simem:s7], [sflag:s8] =	dma.local @!p0 [hbm:s6], $0xF7A  }
0x23: {  	s9 =	sor.u32 $0xD0000000, s2;
	s6 =	simm.s32 $0x108;
	_ =	swait.ge @!p0 [sflag:s8], $0x0  }
0x24: {  	s3 =	sadd.s32 $0x88, s3;
	s6 =	simm.s32 @!p1 $0x1082;
	[sflag:s4] =	ssyncset.s32 $0xFFFFF086  }
0x25: {  	[simem:s6], [sflag:s4] =	dma.local [hbm:s3], $0xF7A  }
0x26: {  	[smem:$0x3F92] =	sst s1;
	(tag) =	ssettag s2;
	_ =	strace s9  }
0x27: {  	s1 =	sld [smem:$0x3FA2]  }
0x28: {  	s2 =	sld [smem:$0x3FA3]  }
0x29: {  	s4 =	sld [smem:$0x3FA5]  }
0x2a: {  	p0 =	seq.s32 s5, $0x0;
	s5 =	sld [smem:$0x3FA6]  }
0x2b: {  	s6 =	sld [smem:$0x3FA7]  }
0x2c: {  	s7 =	sld [smem:$0x3FA8]  }
0x2d: {  	s3 =	simm.s32 $0x108;
	s8 =	sld [smem:$0x3FA9]  }
0x2e: {  	s3 =	simm.s32 @!p0 $0x1082;
	s9 =	sld [smem:$0x3FAA]  }
0x2f: {  	lr =	sadd.s32 s0, s3;
	s0 =	sld [smem:$0x3FA1]  }
0x30: {  	s3 =	sld [smem:$0x3FA4]  }
0x31: {  	[smem:$0x3FAD] =	sst s10  }
0x32: {  	s10 =	sld [smem:$0x3FAB];
	_ =	sdelay $0x3  }
0x33: {  	p0 =	seq.s32 s10, $0x1;
	s10 =	sld [smem:$0x3FAD];
	_ =	sdelay $0x3  }
0x34: {  	[smem:$0x3FAD] =	sst s10  }
0x35: {  	s10 =	sld [smem:$0x3FAC];
	_ =	sdelay $0x3  }
0x36: {  	p1 =	seq.s32 s10, $0x1;
	s10 =	sld [smem:$0x3FAD];
	_ =	sdelay $0x3  }
0x37: {  	[smem:$0x3FAD] =	sst s10  }
0x38: {  	s10 =	sld [smem:$0x3FAE]  }
0x39: {  	_ = 	snop;
	(pc) =	sbr.ind lr, $3  }
0x3a: {  	_ = 	snop  }
0x3b: {  	_ = 	snop  }
0x3c: {  	p2 =	seq.s32 s10, $0x1;
	s10 =	sld [smem:$0x3FAD]  }
0x3d: {  	_ =	shalt  }
0x3e: {  	_ =	shalt  }
0x3f: {  	_ =	shalt  }
0x40: {  	_ =	shalt  }
0x41: {  	_ =	shalt  }
0x42: {  	_ =	shalt  }
0x43: {  	_ =	shalt  }
0x44: {  	_ =	shalt  }
0x45: {  	_ =	shalt  }
0x46: {  	_ =	shalt  }
0x47: {  	_ =	shalt  }
0x48: {  	_ =	shalt  }
0x49: {  	_ =	shalt  }
0x4a: {  	_ =	shalt  }
0x4b: {  	_ =	shalt  }
0x4c: {  	_ =	shalt  }
0x4d: {  	_ =	shalt  }
0x4e: {  	_ =	shalt  }
0x4f: {  	_ =	shalt  }
0x50: {  	_ =	shalt  }
0x51: {  	_ =	shalt  }
0x52: {  	_ =	shalt  }
0x53: {  	_ =	shalt  }
0x54: {  	_ =	shalt  }
0x55: {  	_ =	shalt  }
0x56: {  	_ =	shalt  }
0x57: {  	_ =	shalt  }
0x58: {  	_ =	shalt  }
0x59: {  	_ =	shalt  }
0x5a: {  	_ =	shalt  }
0x5b: {  	_ =	shalt  }
0x5c: {  	_ =	shalt  }
0x5d: {  	_ =	shalt  }
0x5e: {  	_ =	shalt  }
0x5f: {  	_ =	shalt  }
0x60: {  	_ =	shalt  }
0x61: {  	_ =	shalt  }
0x62: {  	_ =	shalt  }
0x63: {  	_ =	shalt  }
0x64: {  	_ =	shalt  }
0x65: {  	_ =	shalt  }
0x66: {  	_ =	shalt  }
0x67: {  	_ =	shalt  }
0x68: {  	_ =	shalt  }
0x69: {  	_ =	shalt  }
0x6a: {  	_ =	shalt  }
0x6b: {  	_ =	shalt  }
0x6c: {  	_ =	shalt  }
0x6d: {  	_ =	shalt  }
0x6e: {  	_ =	shalt  }
0x6f: {  	_ =	shalt  }
0x70: {  	_ =	shalt  }
0x71: {  	_ =	shalt  }
0x72: {  	_ =	shalt  }
0x73: {  	_ =	shalt  }
0x74: {  	_ =	shalt  }
0x75: {  	_ =	shalt  }
0x76: {  	_ =	shalt  }
0x77: {  	_ =	shalt  }
0x78: {  	_ =	shalt  }
0x79: {  	_ =	shalt  }
0x7a: {  	_ =	shalt  }
0x7b: {  	_ =	shalt  }
0x7c: {  	_ =	shalt  }
0x7d: {  	_ =	shalt  }
0x7e: {  	_ =	shalt  }
0x7f: {  	_ =	shalt  }
0x80: {  	_ =	shalt  }
0x81: {  	_ =	shalt  }
0x82: {  	_ =	shalt  }
0x83: {  	_ =	shalt  }
0x84: {  	_ =	shalt  }
0x85: {  	_ =	shalt  }
0x86: {  	_ =	shalt  }
0x87: {  	_ =	shalt  }
.Lfunc_end0:
.L_simem_size_0:
called_computation.2_lowered:
.L_overlay_start_0:
0x88: {  	s2 =	sld [smem:$0x3FD9]  }
0x89: {  	s3 =	sld [smem:$0x3FFE];
	_ =	sdelay $0x1  }
0x8a: {  	s1 =	srdreg.scid  }
0x8b: {  	s0 =	sand.u32 $0x1, s1  }
0x8c: {  	s17 =	sshll.u32 s0, $0xA;
	s2 =	sadd.s32 s3, s2  }
0x8d: {  	s2 =	sadd.s32 s2, s17  }
0x8e: {  	[smem:$0x3FB9] =	sst s2  }
0x8f: {  	_ = 	snop  }
0x90: {  	s2 =	sld [smem:$0x3FD0];
	(tm) =	ssettm $0x1  }
0x91: {  	s18 =	sld [smem:$0x3FFB];
	_ =	sdelay $0x3  }
0x92: {  	_ =	strace s18  }
0x93: {  	s3 =	sld [smem:$0x3FFC];
	_ =	sdelay $0x3  }
0x94: {  	_ =	strace s3  }
0x95: {  	s3 =	sld [smem:$0x3FFD];
	_ =	sdelay $0x3  }
0x96: {  	_ =	strace s3  }
0x97: {  	_ =	strace $0x8FFFFFFF  }
0x98: {  	s19 =	sld [smem:$0x3FDB];
	_ =	sdelay $0x1  }
0x99: {  	s4 =	simm.s32 $_scs_section_size  }
0x9a: {  	s5 =	simm.s32 $_size__tile_overlayer_lowered;
	s6 =	simm.s32 $_tile_overlayer_lowered  }
0x9b: {  	s22 =	simm.s32 $0x1BFF;
	s21 =	sshll.u32 s6, $0x1;
	s3 =	sadd.s32 s4, s19  }
0x9c: {  	s7 =	simm.s32 $0x0;
	s20 =	sshll.u32 s5, $0x1;
	s5 =	sadd.s32 s21, s3  }
0x9d: {  	[timem:s7], [sflag:s22] =	dma.local [hbm:s5], s20  }
0x9e: {  	_ =	swait.ge [sflag:s22], s20  }
0x9f: {  	s4 =	ssub.s32 $0x0, s20;
	[sflag:s22] =	ssyncset.done $0x0  }
0xa0: {  	[sflag:s22] =	ssyncadd.s32 s4;
	_ =	sdelay $0x1  }
0xa1: {  	s23 =	simm.s32 $0x1B8B  }
0xa2: {  	_ =	swait.ge [sflag:s23], $0x1  }
0xa3: {  	[sflag:s23] =	ssyncset.done $0x0  }
0xa4: {  	s25 =	simm.s32 $0x1B8E;
	s24 =	sld [smem:$0x3FFE];
	[sflag:s23] =	ssyncadd.s32 $0xFFFFFFFF  }
0xa5: {  	s26 =	simm.s32 $execute0_lowered;
	[smem:$0x3FD2] =	sst s25  }
0xa6: {  	s5 =	sshll.u32 s26, $0x1;
	_ =	strace $0x8000004C;
	[dreg:$0x1] =	wrdreg $0xFFFFFFFF  }
0xa7: {  	s28 =	simm.s32 $_size_execute0_lowered;
	s3 =	sadd.s32 s3, s5;
	[dreg:$0x0] =	wrdreg $0x0  }
0xa8: {  	s5 =	sshll.u32 s28, $0x1;
	[dreg:$0x2] =	wrdreg s3  }
0xa9: {  	[dreg:$0x3] =	wrdreg s5  }
0xaa: {  	[dreg:$0x4] =	wrdreg $0xC0  }
0xab: {  	_ =	task [dreg:s7], $0x5FFFF  }
0xac: {  	[dreg:$0x1] =	wrdreg $0xFFFFFFFF  }
0xad: {  	[dreg:$0x0] =	wrdreg $0x60  }
0xae: {  	[dreg:$0x2] =	wrdreg s2  }
0xaf: {  	[dreg:$0x3] =	wrdreg s24  }
0xb0: {  	[dreg:$0x4] =	wrdreg $0x0  }
0xb1: {  	[dreg:$0x5] =	wrdreg $0x9  }
0xb2: {  	_ =	task.clear_ibuf [dreg:s7], $0x6FFFF;
	_ =	strace $0x9000004C  }
0xb3: {  	s29 =	simm.s32 $0x9;
	_ =	strace $0x8000004E  }
0xb4: {  	_ =	swait.ge [sflag:s29], $0x1  }
0xb5: {  	[sflag:s29] =	ssyncadd.s32 $0xFFFFFFFF  }
0xb6: {  	_ =	strace $0x9000004E  }
0xb7: {  	_ =	sfence  }
0xb8: {  	s30 =	sld [smem:$0x0];
	_ =	sdelay $0x2  }
0xb9: {  	s31 =	sshll.u32 s1, $0xD;
	s1 =	sshrl.u32 s1, $0x2  }
0xba: {  	s3 =	sand.u32 $0x4000, s31;
	s1 =	sadd.s32 s1, s30  }
0xbb: {  	s0 =	sor.u32 s3, s0;
	s1 =	sshll.u32 s1, $0x11  }
0xbc: {  	s0 =	sor.u32 s1, s0  }
0xbd: {  	s0 =	sadd.s32 $0x8F2B, s0  }
0xbe: {  	[sflag:s0] =	ssyncadd.remote.s32 $0x1  }
0xbf: {  	_ =	sfence.sel $0xFFFF  }
0xc0: {  	[dreg:$0x0] =	wrdreg $0xFFFFFFFF;
	(pc) =	sbr.abs _section_cstart, $3  }
0xc1: {  	[dreg:$0x1] =	wrdreg $0xFFFFFFFF  }
0xc2: {  	_ =	task.clear_ibuf [dreg:s7], $0x2FFFF;
	_ =	strace $0x9FFFFFFF  }
0xc3: {  	(tm) =	ssettm $0x7FFFFFFF  }
tec
execute0_lowered:
.L_overlay_start_1:
0x0: {  	(tag) =	ssettag $0x1  }
0x1: {  	s1 =	rddreg [dreg:$0x0]  }
0x2: {  	s0 =	rddreg [dreg:$0x1]  }
0x3: {  	s2 =	rddreg [dreg:$0x2];
	s3 =	srdreg.scid;
	s4 =	simm.s32 $0x0  }
0x4: {  	s11 =	stileid.u32;
	s14 =	simm.s32 $0x5;
	s15 =	simm.s32 $0x14000  }
0x5: {  	s16 =	simm.s32 $0x15400;
	s17 =	simm.s32 $0x7D;
	s18 =	simm.s32 $0x16800  }
0x6: {  	s19 =	simm.s32 $0x14080;
	s20 =	simm.s32 $0x1A800;
	s28 =	simm.s32 $0x2  }
0x7: {  	s29 =	simm.s32 $0x0;
	s3 =	sand.u32 $0x1, s3;
	[smem:$0x7FF] =	sst s4  }
0x8: {  	s6 =	smul.u32 $0x14000, s11;
	s7 =	sadd.s32 $0x4000, s0;
	s8 =	sadd.s32 $0xE000, s0  }
0x9: {  	s21 =	sadd.s32 $0x18000, s0;
	s9 =	smul.u32 $0x50000, s11;
	s26 =	sshll.u32 s11, $0x6  }
0xa: {  	s5 =	smul.u32 $0x140000, s3;
	_ =	strace $0x8000004D;
	[dreg:$0x4] =	wrdreg s21  }
0xb: {  	s22 =	sshll.u32 s3, $0x4;
	s3 =	ssub.s32 $0x2, s3;
	s21 =	simm.s32 $0x1  }
0xc: {  	s23 =	sshrl.u32 s3, $0x1;
	s24 =	sshrl.u32 s9, $0x2;
	s5 =	sadd.s32 s6, s5  }
0xd: {  	s6 =	sor.u32 s11, s22;
	s3 =	ssub.s32 s3, s23;
	s22 =	simm.s32 $0x3  }
0xe: {  	s23 =	simm.s32 $0x14100;
	s5 =	sshrl.u32 s5, $0x3;
	s25 =	smul.u32 $0x500, s6  }
0xf: {  	s10 =	smul.u32 $0x2800, s6;
	s6 =	sor.u32 $0x1C05, s26;
	s12 =	smax.u32 s3, $0x1  }
0x10: {  	s26 =	simm.s32 $0x4;
	s0 =	sadd.s32 s5, s0;
	s30 =	sadd.s32 s7, s25  }
0x11: {  	s10 =	sshrl.u32 s10, $0x3;
	s9 =	sadd.s32 s8, s25;
	[dreg:$0x5] =	wrdreg s30  }
0x12: {  	s0 =	sadd.s32 $0x1A800, s0;
	s10 =	sadd.s32 $0x280, s10;
	[dreg:$0x6] =	wrdreg s9  }
0x13: {  	s5 =	sadd.s32 s24, s2;
	[dreg:$0x9] =	wrdreg s0;
	s7 =	sadd.s32 s7, s10  }
0x14: {  	s24 =	simm.s32 $0x15480;
	s31 =	sadd.s32 s8, s10;
	[dreg:$0x7] =	wrdreg s7  }
0x15: {  	s13 =	sshrl.u32 s5, $0x3;
	s25 =	simm.s32 $0x16780;
	[dreg:$0x8] =	wrdreg s31  }
.LBB2_1:
0x16: {  	s0 =	rddreg [dreg:$0x4]  }
0x17: {  	[spmem:s13], [sflag:s6] =	dma.local [hbm:s0], $0x2800  }
0x18: {  	_ =	swait.ge [sflag:s14], $0x2800  }
0x19: {  	[sflag:s14] =	ssyncset.done $0x0  }
0x1a: {  	[sflag:s14] =	ssyncadd.s32 $0xFFFFD800  }
0x1b: {  	[bflag:$0x0] =	sbarrier.arrive $0xFFFF  }
0x1c: {  	s8 =	rddreg [dreg:$0x5]  }
0x1d: {  	[tilespmem:s15], [sflag:$0x5] =	stream.linear.gather [hbm4b:s8+s4], $0x1400, $0x38;
	[tilespmem:$0x1E800] =	vst v63  }
0x1e: {  	_ =	swait.ge [sflag:s14], $0x1400  }
0x1f: {  	[sflag:s14] =	ssyncset.done $0x0  }
0x20: {  	s9 =	rddreg [dreg:$0x6];
	[sflag:s14] =	ssyncadd.s32 $0xFFFFEC00  }
0x21: {  	[tilespmem:s16], [sflag:$0x5] =	stream.linear.gather [hbm4b:s9+s4], $0x1400, $0x38;
	[tilespmem:$0x1E800] =	vst v63  }
0x22: {  	_ =	swait.ge [sflag:s14], $0x1400  }
0x23: {  	[sflag:s14] =	ssyncset.done $0x0  }
0x24: {  	[sflag:s14] =	ssyncadd.s32 $0xFFFFEC00  }
0x25: {  	[tilespmem:s18], [sflag:$0x1] =	stream.indirect.gather [hbm4b:s1+s17], $0x80, s15, s17, $0xb8;
	[tilespmem:$0x1E800] =	vst v63  }
0x26: {  	_ = 	snop  }
0x27: {  	[tilespmem:s20], [sflag:$0x2] =	stream.indirect.gather [hbm4b:s1+s17], $0x80, s19, s17, $0xb8;
	[tilespmem:$0x1E800] =	vst v63  }
0x28: {  	_ =	swait.ge [sflag:s21], $0x3E80  }
0x29: {  	[sflag:s21] =	ssyncset.done $0x0  }
0x2a: {  	[sflag:s21] =	ssyncadd.s32 $0xFFFFC180  }
0x2b: {  	[spmem:s2] =	stream.indirect.scatter.add.f32 [tilespmem:s18], [sflag:$0x3], $0x80, s16, s17, $0xb8;
	[tilespmem:$0x1E800] =	vst v63  }
0x2c: {  	_ =	swait.ge [sflag:s22], $0x3E80  }
0x2d: {  	[sflag:s22] =	ssyncset.done $0x0  }
0x2e: {  	[sflag:s22] =	ssyncadd.s32 $0xFFFFC180  }
0x2f: {  	[tilespmem:s18], [sflag:$0x1] =	stream.indirect.gather [hbm4b:s1+s17], $0x80, s23, s17, $0xb8;
	[tilespmem:$0x1E800] =	vst v63  }
0x30: {  	s10 =	sand.u32 $0x1, s28;
	_ =	swait.ge [sflag:s28], $0x3E80  }
0x31: {  	p0 =	seq.s32 s10, $0x1;
	[sflag:s28] =	ssyncset.done $0x0  }
0x32: {  	s0 =	simm.s32 @p0 $0x3;
	[sflag:s28] =	ssyncadd.s32 $0xFFFFC180  }
0x33: {  	[spmem:s2] =	stream.indirect.scatter.add.f32 [tilespmem:s20], [sflag:$0x4], $0x80, s24, s17, $0xb8;
	[tilespmem:$0x1E800] =	vst v63  }
0x34: {  	s3 =	simm.s32 $0x14180;
	_ =	swait.ge @p0 [sflag:s0], $0x3E80  }
0x35: {  	s5 =	simm.s32 @p0 $0x2;
	[sflag:s0] =	ssyncset.done @p0 $0x0;
	p0 =	por p0, p0  }
0x36: {  	[sflag:s0] =	ssyncadd.s32 @p0 $0xFFFFC180;
	s7 =	simm.s32 @p0 $0x7D;
	s0 =	simm.s32 @p0 $0x16800  }
0x37: {  	[tilespmem:s0], [sflag:$0x1] =	stream.indirect.gather @p0 [hbm4b:s1+s7], $0x80, s3, s7, $0xb8;
	[tilespmem:$0x1E800] =	vst v63  }
0x38: {  	_ =	swait.ge @p0 [sflag:s5], $0x3E80  }
0x39: {  	s8 =	simm.s32 @!p0 $0x4;
	[sflag:s5] =	ssyncset.done @p0 $0x0  }
0x3a: {  	s0 =	simm.s32 $0x15500;
	[sflag:s5] =	ssyncadd.s32 @p0 $0xFFFFC180;
	s5 =	simm.s32 @p0 $0x1A800  }
0x3b: {  	[spmem:s2] =	stream.indirect.scatter.add.f32 @p0 [tilespmem:s5], [sflag:$0x4], $0x80, s0, s7, $0xb8;
	[tilespmem:$0x1E800] =	vst v63  }
0x3c: {  	_ =	swait.ge @!p0 [sflag:s8], $0x3E80  }
0x3d: {  	s30 =	simm.s32 $0x3;
	[sflag:s8] =	ssyncset.done @!p0 $0x0  }
0x3e: {  	s5 =	simm.s32 @!p0 $0x7D;
	s7 =	simm.s32 @!p0 $0x1A800;
	[sflag:s8] =	ssyncadd.s32 @!p0 $0xFFFFC180  }
0x3f: {  	[tilespmem:s7], [sflag:$0x2] =	stream.indirect.gather @!p0 [hbm4b:s1+s5], $0x80, s3, s5, $0xb8;
	[tilespmem:$0x1E800] =	vst v63  }
0x40: {  	s31 =	simm.s32 $0x14200;
	s11 =	sand.u32 $0x1, s30;
	s7 =	simm.s32 @!p0 $0x1  }
0x41: {  	s30 =	simm.s32 $0x15580;
	p2 =	seq.s32 s11, $0x1;
	_ =	swait.ge @!p0 [sflag:s7], $0x3E80  }
0x42: {  	s8 =	simm.s32 @!p0 $0x16800;
	s3 =	simm.s32 $0x4;
	[sflag:s7] =	ssyncset.done @!p0 $0x0  }
.LBB2_2:
0x43: {  	s9 =	simm.s32 @p2 $0x3;
	[sflag:s7] =	ssyncadd.s32 @!p0 $0xFFFFC180  }
0x44: {  	s10 =	smov.u32 s3;
	s3 =	sadd.s32 $0x1, s3;
	s11 =	smov.u32 s31  }
0x45: {  	[spmem:s2] =	stream.indirect.scatter.add.f32 @!p0 [tilespmem:s8], [sflag:$0x3], $0x80, s0, s5, $0xb8;
	[tilespmem:$0x1E800] =	vst v63  }
0x46: {  	p1 =	sne.s32 s3, $0x27;
	s0 =	smov.u32 s30;
	_ =	swait.ge @p2 [sflag:s9], $0x3E80  }
0x47: {  	s5 =	simm.s32 @p2 $0x2;
	p0 =	por p2, p2;
	[sflag:s9] =	ssyncset.done @p2 $0x0  }
0x48: {  	s7 =	simm.s32 @p0 $0x7D;
	s8 =	simm.s32 @p0 $0x16800;
	[sflag:s9] =	ssyncadd.s32 @p0 $0xFFFFC180  }
0x49: {  	[tilespmem:s8], [sflag:$0x1] =	stream.indirect.gather @p0 [hbm4b:s1+s7], $0x80, s31, s7, $0xb8;
	[tilespmem:$0x1E800] =	vst v63  }
0x4a: {  	_ =	swait.ge @p0 [sflag:s5], $0x3E80  }
0x4b: {  	[sflag:s5] =	ssyncset.done @p0 $0x0  }
0x4c: {  	s8 =	simm.s32 @!p0 $0x4;
	[sflag:s5] =	ssyncadd.s32 @p0 $0xFFFFC180;
	s5 =	simm.s32 @p0 $0x1A800  }
0x4d: {  	[spmem:s2] =	stream.indirect.scatter.add.f32 @p0 [tilespmem:s5], [sflag:$0x4], $0x80, s30, s7, $0xb8;
	[tilespmem:$0x1E800] =	vst v63  }
0x4e: {  	s31 =	sadd.s32 $0x80, s31;
	_ =	swait.ge @!p0 [sflag:s8], $0x3E80  }
.Ltmp0:
0x4f: {  	s7 =	simm.s32 @!p0 $0x1;
	[sflag:s8] =	ssyncset.done @!p0 $0x0;
	(pc) =	sbr.rel @p1 .LBB2_2-.Ltmp0, $4  }
0x50: {  	s5 =	simm.s32 @!p0 $0x7D;
	[sflag:s8] =	ssyncadd.s32 @!p0 $0xFFFFC180;
	s8 =	simm.s32 @!p0 $0x1A800  }
0x51: {  	[tilespmem:s8], [sflag:$0x2] =	stream.indirect.gather @!p0 [hbm4b:s1+s5], $0x80, s11, s5, $0xb8;
	[tilespmem:$0x1E800] =	vst v63  }
0x52: {  	s30 =	sadd.s32 $0x80, s30;
	s8 =	sand.u32 $0x1, s10;
	_ =	swait.ge @!p0 [sflag:s7], $0x3E80  }
0x53: {  	p2 =	seq.s32 s8, $0x1;
	s8 =	simm.s32 @!p0 $0x16800;
	[sflag:s7] =	ssyncset.done @!p0 $0x0  }
0x54: {  	s3 =	simm.s32 @p2 $0x3;
	[sflag:s7] =	ssyncadd.s32 @!p0 $0xFFFFC180  }
0x55: {  	[spmem:s2] =	stream.indirect.scatter.add.f32 @!p0 [tilespmem:s8], [sflag:$0x3], $0x80, s0, s5, $0xb8;
	[tilespmem:$0x1E800] =	vst v63  }
0x56: {  	_ =	swait.ge @p2 [sflag:s3], $0x3E80  }
0x57: {  	s0 =	simm.s32 @p2 $0x2;
	p0 =	por p2, p2;
	[sflag:s3] =	ssyncset.done @p2 $0x0  }
0x58: {  	s5 =	simm.s32 @p0 $0x16800;
	[sflag:s3] =	ssyncadd.s32 @p0 $0xFFFFC180;
	s3 =	simm.s32 @p0 $0x7D  }
0x59: {  	[tilespmem:s5], [sflag:$0x1] =	stream.indirect.gather @p0 [hbm4b:s1+s3], $0x80, s31, s3, $0xb8;
	[tilespmem:$0x1E800] =	vst v63  }
0x5a: {  	_ =	swait.ge @p0 [sflag:s0], $0x3E80  }
0x5b: {  	[sflag:s0] =	ssyncset.done @p0 $0x0  }
0x5c: {  	s5 =	simm.s32 @!p0 $0x4;
	[sflag:s0] =	ssyncadd.s32 @p0 $0xFFFFC180;
	s0 =	simm.s32 @p0 $0x1A800  }
0x5d: {  	[spmem:s2] =	stream.indirect.scatter.add.f32 @p0 [tilespmem:s0], [sflag:$0x4], $0x80, s30, s3, $0xb8;
	[tilespmem:$0x1E800] =	vst v63  }
0x5e: {  	_ =	swait.ge @!p0 [sflag:s5], $0x3E80  }
0x5f: {  	s0 =	simm.s32 @!p0 $0x1;
	[sflag:s5] =	ssyncset.done @!p0 $0x0  }
0x60: {  	s3 =	simm.s32 @!p0 $0x7D;
	[sflag:s5] =	ssyncadd.s32 @!p0 $0xFFFFC180;
	s5 =	simm.s32 @!p0 $0x1A800  }
0x61: {  	[tilespmem:s5], [sflag:$0x2] =	stream.indirect.gather @!p0 [hbm4b:s1+s3], $0x80, s31, s3, $0xb8;
	[tilespmem:$0x1E800] =	vst v63  }
0x62: {  	_ =	swait.ge @!p0 [sflag:s0], $0x3E80  }
0x63: {  	[sflag:s0] =	ssyncset.done @!p0 $0x0  }
0x64: {  	s8 =	simm.s32 $0x2;
	s5 =	simm.s32 @!p0 $0x16800;
	[sflag:s0] =	ssyncadd.s32 @!p0 $0xFFFFC180  }
0x65: {  	[spmem:s2] =	stream.indirect.scatter.add.f32 @!p0 [tilespmem:s5], [sflag:$0x3], $0x80, s30, s3, $0xb8;
	[tilespmem:$0x1E800] =	vst v63  }
0x66: {  	_ =	swait.ge [sflag:s8], $0x3E80  }
0x67: {  	[sflag:s8] =	ssyncset.done $0x0  }
0x68: {  	[sflag:s8] =	ssyncadd.s32 $0xFFFFC180  }
0x69: {  	[spmem:s2] =	stream.indirect.scatter.add.f32 [tilespmem:s20], [sflag:$0x4], $0x80, s25, s17, $0xb8;
	[tilespmem:$0x1E800] =	vst v63  }
0x6a: {  	_ =	swait.ge [sflag:s22], $0x3E80  }
0x6b: {  	[sflag:s22] =	ssyncset.done $0x0  }
0x6c: {  	[sflag:s22] =	ssyncadd.s32 $0xFFFFC180  }
0x6d: {  	_ =	swait.ge [sflag:s26], $0x3E80  }
0x6e: {  	[sflag:s26] =	ssyncset.done $0x0  }
0x6f: {  	s9 =	rddreg [dreg:$0x7];
	[sflag:s26] =	ssyncadd.s32 $0xFFFFC180  }
0x70: {  	[tilespmem:s15], [sflag:$0x5] =	stream.linear.gather [hbm4b:s9+s4], $0x1400, $0x38;
	[tilespmem:$0x1E800] =	vst v63  }
0x71: {  	_ =	swait.ge [sflag:s14], $0x1400  }
0x72: {  	[sflag:s14] =	ssyncset.done $0x0  }
0x73: {  	s10 =	rddreg [dreg:$0x8];
	[sflag:s14] =	ssyncadd.s32 $0xFFFFEC00  }
0x74: {  	[tilespmem:s16], [sflag:$0x5] =	stream.linear.gather [hbm4b:s10+s4], $0x1400, $0x38;
	[tilespmem:$0x1E800] =	vst v63  }
0x75: {  	_ =	swait.ge [sflag:s14], $0x1400  }
0x76: {  	[sflag:s14] =	ssyncset.done $0x0  }
0x77: {  	[sflag:s14] =	ssyncadd.s32 $0xFFFFEC00  }
0x78: {  	[tilespmem:s18], [sflag:$0x1] =	stream.indirect.gather [hbm4b:s1+s17], $0x80, s15, s17, $0xb8;
	[tilespmem:$0x1E800] =	vst v63  }
0x79: {  	_ = 	snop  }
0x7a: {  	[tilespmem:s20], [sflag:$0x2] =	stream.indirect.gather [hbm4b:s1+s17], $0x80, s19, s17, $0xb8;
	[tilespmem:$0x1E800] =	vst v63  }
0x7b: {  	_ =	swait.ge [sflag:s21], $0x3E80  }
0x7c: {  	[sflag:s21] =	ssyncset.done $0x0  }
0x7d: {  	[sflag:s21] =	ssyncadd.s32 $0xFFFFC180  }
0x7e: {  	[spmem:s2] =	stream.indirect.scatter.add.f32 [tilespmem:s18], [sflag:$0x3], $0x80, s16, s17, $0xb8;
	[tilespmem:$0x1E800] =	vst v63  }
0x7f: {  	_ =	swait.ge [sflag:s22], $0x3E80  }
0x80: {  	[sflag:s22] =	ssyncset.done $0x0  }
0x81: {  	[sflag:s22] =	ssyncadd.s32 $0xFFFFC180  }
0x82: {  	[tilespmem:s18], [sflag:$0x1] =	stream.indirect.gather [hbm4b:s1+s17], $0x80, s23, s17, $0xb8;
	[tilespmem:$0x1E800] =	vst v63  }
0x83: {  	s0 =	sand.u32 $0x1, s8;
	_ =	swait.ge [sflag:s8], $0x3E80  }
0x84: {  	p0 =	seq.s32 s0, $0x1;
	[sflag:s8] =	ssyncset.done $0x0  }
0x85: {  	s0 =	simm.s32 @p0 $0x3;
	[sflag:s8] =	ssyncadd.s32 $0xFFFFC180  }
0x86: {  	[spmem:s2] =	stream.indirect.scatter.add.f32 [tilespmem:s20], [sflag:$0x4], $0x80, s24, s17, $0xb8;
	[tilespmem:$0x1E800] =	vst v63  }
0x87: {  	s3 =	simm.s32 @p0 $0x2;
	_ =	swait.ge @p0 [sflag:s0], $0x3E80  }
0x88: {  	s8 =	simm.s32 $0x14180;
	[sflag:s0] =	ssyncset.done @p0 $0x0;
	p0 =	por p0, p0  }
0x89: {  	[sflag:s0] =	ssyncadd.s32 @p0 $0xFFFFC180;
	s5 =	simm.s32 @p0 $0x7D;
	s0 =	simm.s32 @p0 $0x16800  }
0x8a: {  	[tilespmem:s0], [sflag:$0x1] =	stream.indirect.gather @p0 [hbm4b:s1+s5], $0x80, s8, s5, $0xb8;
	[tilespmem:$0x1E800] =	vst v63  }
0x8b: {  	_ =	swait.ge @p0 [sflag:s3], $0x3E80  }
0x8c: {  	s9 =	simm.s32 @!p0 $0x4;
	[sflag:s3] =	ssyncset.done @p0 $0x0  }
0x8d: {  	s0 =	simm.s32 $0x15500;
	[sflag:s3] =	ssyncadd.s32 @p0 $0xFFFFC180;
	s3 =	simm.s32 @p0 $0x1A800  }
0x8e: {  	[spmem:s2] =	stream.indirect.scatter.add.f32 @p0 [tilespmem:s3], [sflag:$0x4], $0x80, s0, s5, $0xb8;
	[tilespmem:$0x1E800] =	vst v63  }
0x8f: {  	s31 =	simm.s32 $0x15580;
	s10 =	simm.s32 $0x3;
	_ =	swait.ge @!p0 [sflag:s9], $0x3E80  }
0x90: {  	s11 =	sand.u32 $0x1, s10;
	s7 =	simm.s32 @!p0 $0x1;
	[sflag:s9] =	ssyncset.done @!p0 $0x0  }
0x91: {  	s5 =	simm.s32 @!p0 $0x7D;
	[sflag:s9] =	ssyncadd.s32 @!p0 $0xFFFFC180;
	s9 =	simm.s32 @!p0 $0x1A800  }
0x92: {  	[tilespmem:s9], [sflag:$0x2] =	stream.indirect.gather @!p0 [hbm4b:s1+s5], $0x80, s8, s5, $0xb8;
	[tilespmem:$0x1E800] =	vst v63  }
0x93: {  	s30 =	simm.s32 $0x14200;
	p2 =	seq.s32 s11, $0x1;
	_ =	swait.ge @!p0 [sflag:s7], $0x3E80  }
0x94: {  	s3 =	simm.s32 $0x4;
	s8 =	simm.s32 @!p0 $0x16800;
	[sflag:s7] =	ssyncset.done @!p0 $0x0  }
.LBB2_4:
0x95: {  	s9 =	simm.s32 @p2 $0x3;
	[sflag:s7] =	ssyncadd.s32 @!p0 $0xFFFFC180  }
0x96: {  	s10 =	smov.u32 s3;
	s3 =	sadd.s32 $0x1, s3;
	s11 =	smov.u32 s30  }
0x97: {  	[spmem:s2] =	stream.indirect.scatter.add.f32 @!p0 [tilespmem:s8], [sflag:$0x3], $0x80, s0, s5, $0xb8;
	[tilespmem:$0x1E800] =	vst v63  }
0x98: {  	p1 =	sne.s32 s3, $0x27;
	s0 =	smov.u32 s31;
	_ =	swait.ge @p2 [sflag:s9], $0x3E80  }
0x99: {  	s5 =	simm.s32 @p2 $0x2;
	p0 =	por p2, p2;
	[sflag:s9] =	ssyncset.done @p2 $0x0  }
0x9a: {  	s7 =	simm.s32 @p0 $0x7D;
	s8 =	simm.s32 @p0 $0x16800;
	[sflag:s9] =	ssyncadd.s32 @p0 $0xFFFFC180  }
0x9b: {  	[tilespmem:s8], [sflag:$0x1] =	stream.indirect.gather @p0 [hbm4b:s1+s7], $0x80, s30, s7, $0xb8;
	[tilespmem:$0x1E800] =	vst v63  }
0x9c: {  	_ =	swait.ge @p0 [sflag:s5], $0x3E80  }
0x9d: {  	[sflag:s5] =	ssyncset.done @p0 $0x0  }
0x9e: {  	s8 =	simm.s32 @!p0 $0x4;
	[sflag:s5] =	ssyncadd.s32 @p0 $0xFFFFC180;
	s5 =	simm.s32 @p0 $0x1A800  }
0x9f: {  	[spmem:s2] =	stream.indirect.scatter.add.f32 @p0 [tilespmem:s5], [sflag:$0x4], $0x80, s31, s7, $0xb8;
	[tilespmem:$0x1E800] =	vst v63  }
0xa0: {  	s30 =	sadd.s32 $0x80, s30;
	_ =	swait.ge @!p0 [sflag:s8], $0x3E80  }
.Ltmp1:
0xa1: {  	s7 =	simm.s32 @!p0 $0x1;
	[sflag:s8] =	ssyncset.done @!p0 $0x0;
	(pc) =	sbr.rel @p1 .LBB2_4-.Ltmp1, $4  }
0xa2: {  	s5 =	simm.s32 @!p0 $0x7D;
	[sflag:s8] =	ssyncadd.s32 @!p0 $0xFFFFC180;
	s8 =	simm.s32 @!p0 $0x1A800  }
0xa3: {  	[tilespmem:s8], [sflag:$0x2] =	stream.indirect.gather @!p0 [hbm4b:s1+s5], $0x80, s11, s5, $0xb8;
	[tilespmem:$0x1E800] =	vst v63  }
0xa4: {  	s31 =	sadd.s32 $0x80, s31;
	s8 =	sand.u32 $0x1, s10;
	_ =	swait.ge @!p0 [sflag:s7], $0x3E80  }
0xa5: {  	p2 =	seq.s32 s8, $0x1;
	s8 =	simm.s32 @!p0 $0x16800;
	[sflag:s7] =	ssyncset.done @!p0 $0x0  }
0xa6: {  	s3 =	simm.s32 @p2 $0x3;
	[sflag:s7] =	ssyncadd.s32 @!p0 $0xFFFFC180  }
0xa7: {  	[spmem:s2] =	stream.indirect.scatter.add.f32 @!p0 [tilespmem:s8], [sflag:$0x3], $0x80, s0, s5, $0xb8;
	[tilespmem:$0x1E800] =	vst v63  }
0xa8: {  	_ =	swait.ge @p2 [sflag:s3], $0x3E80  }
0xa9: {  	s0 =	simm.s32 @p2 $0x2;
	p0 =	por p2, p2;
	[sflag:s3] =	ssyncset.done @p2 $0x0  }
0xaa: {  	s5 =	simm.s32 @p0 $0x16800;
	[sflag:s3] =	ssyncadd.s32 @p0 $0xFFFFC180;
	s3 =	simm.s32 @p0 $0x7D  }
0xab: {  	[tilespmem:s5], [sflag:$0x1] =	stream.indirect.gather @p0 [hbm4b:s1+s3], $0x80, s30, s3, $0xb8;
	[tilespmem:$0x1E800] =	vst v63  }
0xac: {  	_ =	swait.ge @p0 [sflag:s0], $0x3E80  }
0xad: {  	[sflag:s0] =	ssyncset.done @p0 $0x0  }
0xae: {  	s5 =	simm.s32 @!p0 $0x4;
	[sflag:s0] =	ssyncadd.s32 @p0 $0xFFFFC180;
	s0 =	simm.s32 @p0 $0x1A800  }
0xaf: {  	[spmem:s2] =	stream.indirect.scatter.add.f32 @p0 [tilespmem:s0], [sflag:$0x4], $0x80, s31, s3, $0xb8;
	[tilespmem:$0x1E800] =	vst v63  }
0xb0: {  	_ =	swait.ge @!p0 [sflag:s5], $0x3E80  }
0xb1: {  	s0 =	simm.s32 @!p0 $0x1;
	[sflag:s5] =	ssyncset.done @!p0 $0x0  }
0xb2: {  	s3 =	simm.s32 @!p0 $0x7D;
	[sflag:s5] =	ssyncadd.s32 @!p0 $0xFFFFC180;
	s5 =	simm.s32 @!p0 $0x1A800  }
0xb3: {  	[tilespmem:s5], [sflag:$0x2] =	stream.indirect.gather @!p0 [hbm4b:s1+s3], $0x80, s30, s3, $0xb8;
	[tilespmem:$0x1E800] =	vst v63  }
0xb4: {  	_ =	swait.ge @!p0 [sflag:s0], $0x3E80  }
0xb5: {  	[sflag:s0] =	ssyncset.done @!p0 $0x0  }
0xb6: {  	s5 =	simm.s32 @!p0 $0x16800;
	[sflag:s0] =	ssyncadd.s32 @!p0 $0xFFFFC180  }
0xb7: {  	[spmem:s2] =	stream.indirect.scatter.add.f32 @!p0 [tilespmem:s5], [sflag:$0x3], $0x80, s31, s3, $0xb8;
	[tilespmem:$0x1E800] =	vst v63  }
0xb8: {  	_ =	swait.ge [sflag:s28], $0x3E80  }
0xb9: {  	[sflag:s28] =	ssyncset.done $0x0  }
0xba: {  	[sflag:s28] =	ssyncadd.s32 $0xFFFFC180  }
0xbb: {  	[spmem:s2] =	stream.indirect.scatter.add.f32 [tilespmem:s20], [sflag:$0x4], $0x80, s25, s17, $0xb8;
	[tilespmem:$0x1E800] =	vst v63  }
0xbc: {  	_ =	swait.ge [sflag:s22], $0x3E80  }
0xbd: {  	[sflag:s22] =	ssyncset.done $0x0  }
0xbe: {  	[sflag:s22] =	ssyncadd.s32 $0xFFFFC180  }
0xbf: {  	_ =	swait.ge [sflag:s26], $0x3E80  }
0xc0: {  	[sflag:s26] =	ssyncset.done $0x0  }
0xc1: {  	s29 =	sadd.s32 $0x1, s29;
	[sflag:s26] =	ssyncadd.s32 $0xFFFFC180  }
0xc2: {  	p0 =	sne.s32 s29, s12;
	[bflag:$0x0] =	sbarrier.arrive $0xFFFF  }
.Ltmp2:
0xc3: {  	s31 =	rddreg [dreg:$0x9];
	(pc) =	sbr.rel @p0 .LBB2_1-.Ltmp2, $4  }
0xc4: {  	[hbm:s31], [sflag:s6] =	dma.local [spmem:s13], $0x2800  }
0xc5: {  	_ =	swait.ge [sflag:s14], $0x2800  }
0xc6: {  	[sflag:s14] =	ssyncset.done $0x0  }
0xc7: {  	[sflag:s14] =	ssyncadd.s32 $0xFFFFD800  }
0xc8: {  	_ =	sfence.sel $0x180000  }
0xc9: {  	[bflag:$0x0] =	sbarrier.arrive $0xFFFF  }
0xca: {  	_ =	strace $0x9000004D  }
0xcb: {  	s0 =	stileid.u32;
	[bflag:$0x2] =	sbarrier.arrive $0xFFFF  }
0xcc: {  	p0 =	sne.s32 s0, $0x0;
	s0 =	rddreg [dreg:$0x3]  }
0xcd: {  	s0 =	sadd.s32 @!p0 $0x100000, s0  }
0xce: {  	[sflag:s0] =	ssyncadd.tile.s32 @!p0 $0x1;
	_ =	shalt  }
.Lfunc_end2:
_tile_overlayer_lowered:
.L_overlay_start_2:
0xcf: {  	(tag) =	ssettag $0x2  }
0xd0: {  	s0 =	rddreg [dreg:$0x0];
	s2 =	stileid.u32  }
0xd1: {  	s1 =	rddreg [dreg:$0x1];
	p0 =	sne.s32 s2, $0x0  }
0xd2: {  	s3 =	rddreg [dreg:$0x2];
	[bflag:$0x3] =	sbarrier.arrive $0xFFFF;
	s2 =	simm.s32 @!p0 $0x1C05  }
0xd3: {  	[timem:s3], [sflag:s2] =	dma.local @!p0 [hbm:s0], s1  }
0xd4: {  	s0 =	simm.s32 @!p0 $0x5  }
0xd5: {  	_ =	swait.ge @!p0 [sflag:s0], s1  }
0xd6: {  	s1 =	ssub.s32 @!p0 $0x0, s1;
	[sflag:s0] =	ssyncset.done @!p0 $0x0  }
0xd7: {  	[sflag:s0] =	ssyncadd.s32 @!p0 s1  }
0xd8: {  	[bflag:$0x3] =	sbarrier.arrive $0xFFFF  }
0xd9: {  	_ =	shalt  }

// kernel: kernel.8.cloned.1.call-start
scs
__scs_entry_jumppad:
0x0: {  	(pc) =	sbr.rel $0x88, $3  }
0x1: {  	(tag) =	ssettag $0x0;
	lr =	simm.s32 $0x1  }
0x2: {  	[smem:$0x3F92] =	sst lr;
	_ =	strace $0xD0000000  }
0x3: {  	_ = 	snop  }
0x4: {  	_ = 	snop  }
0x5: {  	_ = 	snop  }
0x6: {  	_ = 	snop  }
0x7: {  	_ = 	snop  }
__scs_overlays_trampoline_lowered:
0x8: {  	[smem:$0x3FA1] =	sst s0  }
0x9: {  	[smem:$0x3FA2] =	sst s1  }
0xa: {  	[smem:$0x3FA3] =	sst s2  }
0xb: {  	[smem:$0x3FA4] =	sst s3  }
0xc: {  	[smem:$0x3FA5] =	sst s4  }
0xd: {  	[smem:$0x3FA6] =	sst s5  }
0xe: {  	[smem:$0x3FA7] =	sst s6  }
0xf: {  	[smem:$0x3FA8] =	sst s7  }
0x10: {  	[smem:$0x3FA9] =	sst s8  }
0x11: {  	[smem:$0x3FAA] =	sst s9;
	s0 =	simm.s32 @!p0 $0x0  }
0x12: {  	s1 =	sld [smem:$0x3F90];
	s0 =	simm.s32 @p0 $0x1  }
0x13: {  	[smem:$0x3FAB] =	sst s0;
	s0 =	simm.s32 @!p1 $0x0  }
0x14: {  	s2 =	sld [smem:$0x3F8F];
	s0 =	simm.s32 @p1 $0x1  }
0x15: {  	[smem:$0x3FAC] =	sst s0;
	s0 =	simm.s32 @!p2 $0x0  }
0x16: {  	s3 =	sld [smem:$0x3FDB];
	s0 =	simm.s32 @p2 $0x1  }
0x17: {  	s4 =	simm.s32 $0x1BF5;
	[smem:$0x3FAE] =	sst s0  }
0x18: {  	s0 =	sld [smem:$0x3F91];
	_ =	swait.ge [sflag:s4], $0x0  }
0x19: {  	s7 =	sld [smem:$0x3F92]  }
0x1a: {  	s8 =	sadd.s32 $0xFFFFE003, lr  }
0x1b: {  	s9 =	sadd.s32 $0xFFFFFEF7, lr;
	s5 =	simm.s32 $0xFFFFFFFF;
	p2 =	slt.u32 s8, $0xFFFFF086  }
0x1c: {  	p1 =	slt.u32 s9, $0xF7A;
	s5 =	simm.s32 @!p2 $0x0  }
0x1d: {  	s5 =	simm.s32 @p1 $0x1;
	p0 =	seq.s32 s7, s2  }
0x1e: {  	s7 =	smul.u32 @!p0 $0xF7A, s2;
	p2 =	seq.s32 @!p0 s5, $0x0  }
0x1f: {  	s9 =	smul.u32 $0xF7A, s1;
	s8 =	simm.s32 @!p0 $0x1BF5;
	p2 =	por !p2, p0  }
0x20: {  	[sflag:s8] =	ssyncset.s32 @!p0 $0xFFFFF086;
	s6 =	sadd.s32 @!p0 s3, s7;
	s7 =	simm.s32 @!p0 $0x108  }
0x21: {  	s3 =	sadd.s32 s3, s9;
	s6 =	sadd.s32 @!p0 $0x88, s6;
	s7 =	simm.s32 @p2 $0x1082  }
0x22: {  	[simem:s7], [sflag:s8] =	dma.local @!p0 [hbm:s6], $0xF7A  }
0x23: {  	s9 =	sor.u32 $0xD0000000, s2;
	s6 =	simm.s32 $0x108;
	_ =	swait.ge @!p0 [sflag:s8], $0x0  }
0x24: {  	s3 =	sadd.s32 $0x88, s3;
	s6 =	simm.s32 @!p1 $0x1082;
	[sflag:s4] =	ssyncset.s32 $0xFFFFF086  }
0x25: {  	[simem:s6], [sflag:s4] =	dma.local [hbm:s3], $0xF7A  }
0x26: {  	[smem:$0x3F92] =	sst s1;
	(tag) =	ssettag s2;
	_ =	strace s9  }
0x27: {  	s1 =	sld [smem:$0x3FA2]  }
0x28: {  	s2 =	sld [smem:$0x3FA3]  }
0x29: {  	s4 =	sld [smem:$0x3FA5]  }
0x2a: {  	p0 =	seq.s32 s5, $0x0;
	s5 =	sld [smem:$0x3FA6]  }
0x2b: {  	s6 =	sld [smem:$0x3FA7]  }
0x2c: {  	s7 =	sld [smem:$0x3FA8]  }
0x2d: {  	s3 =	simm.s32 $0x108;
	s8 =	sld [smem:$0x3FA9]  }
0x2e: {  	s3 =	simm.s32 @!p0 $0x1082;
	s9 =	sld [smem:$0x3FAA]  }
0x2f: {  	lr =	sadd.s32 s0, s3;
	s0 =	sld [smem:$0x3FA1]  }
0x30: {  	s3 =	sld [smem:$0x3FA4]  }
0x31: {  	[smem:$0x3FAD] =	sst s10  }
0x32: {  	s10 =	sld [smem:$0x3FAB];
	_ =	sdelay $0x3  }
0x33: {  	p0 =	seq.s32 s10, $0x1;
	s10 =	sld [smem:$0x3FAD];
	_ =	sdelay $0x3  }
0x34: {  	[smem:$0x3FAD] =	sst s10  }
0x35: {  	s10 =	sld [smem:$0x3FAC];
	_ =	sdelay $0x3  }
0x36: {  	p1 =	seq.s32 s10, $0x1;
	s10 =	sld [smem:$0x3FAD];
	_ =	sdelay $0x3  }
0x37: {  	[smem:$0x3FAD] =	sst s10  }
0x38: {  	s10 =	sld [smem:$0x3FAE]  }
0x39: {  	_ = 	snop;
	(pc) =	sbr.ind lr, $3  }
0x3a: {  	_ = 	snop  }
0x3b: {  	_ = 	snop  }
0x3c: {  	p2 =	seq.s32 s10, $0x1;
	s10 =	sld [smem:$0x3FAD]  }
0x3d: {  	_ =	shalt  }
0x3e: {  	_ =	shalt  }
0x3f: {  	_ =	shalt  }
0x40: {  	_ =	shalt  }
0x41: {  	_ =	shalt  }
0x42: {  	_ =	shalt  }
0x43: {  	_ =	shalt  }
0x44: {  	_ =	shalt  }
0x45: {  	_ =	shalt  }
0x46: {  	_ =	shalt  }
0x47: {  	_ =	shalt  }
0x48: {  	_ =	shalt  }
0x49: {  	_ =	shalt  }
0x4a: {  	_ =	shalt  }
0x4b: {  	_ =	shalt  }
0x4c: {  	_ =	shalt  }
0x4d: {  	_ =	shalt  }
0x4e: {  	_ =	shalt  }
0x4f: {  	_ =	shalt  }
0x50: {  	_ =	shalt  }
0x51: {  	_ =	shalt  }
0x52: {  	_ =	shalt  }
0x53: {  	_ =	shalt  }
0x54: {  	_ =	shalt  }
0x55: {  	_ =	shalt  }
0x56: {  	_ =	shalt  }
0x57: {  	_ =	shalt  }
0x58: {  	_ =	shalt  }
0x59: {  	_ =	shalt  }
0x5a: {  	_ =	shalt  }
0x5b: {  	_ =	shalt  }
0x5c: {  	_ =	shalt  }
0x5d: {  	_ =	shalt  }
0x5e: {  	_ =	shalt  }
0x5f: {  	_ =	shalt  }
0x60: {  	_ =	shalt  }
0x61: {  	_ =	shalt  }
0x62: {  	_ =	shalt  }
0x63: {  	_ =	shalt  }
0x64: {  	_ =	shalt  }
0x65: {  	_ =	shalt  }
0x66: {  	_ =	shalt  }
0x67: {  	_ =	shalt  }
0x68: {  	_ =	shalt  }
0x69: {  	_ =	shalt  }
0x6a: {  	_ =	shalt  }
0x6b: {  	_ =	shalt  }
0x6c: {  	_ =	shalt  }
0x6d: {  	_ =	shalt  }
0x6e: {  	_ =	shalt  }
0x6f: {  	_ =	shalt  }
0x70: {  	_ =	shalt  }
0x71: {  	_ =	shalt  }
0x72: {  	_ =	shalt  }
0x73: {  	_ =	shalt  }
0x74: {  	_ =	shalt  }
0x75: {  	_ =	shalt  }
0x76: {  	_ =	shalt  }
0x77: {  	_ =	shalt  }
0x78: {  	_ =	shalt  }
0x79: {  	_ =	shalt  }
0x7a: {  	_ =	shalt  }
0x7b: {  	_ =	shalt  }
0x7c: {  	_ =	shalt  }
0x7d: {  	_ =	shalt  }
0x7e: {  	_ =	shalt  }
0x7f: {  	_ =	shalt  }
0x80: {  	_ =	shalt  }
0x81: {  	_ =	shalt  }
0x82: {  	_ =	shalt  }
0x83: {  	_ =	shalt  }
0x84: {  	_ =	shalt  }
0x85: {  	_ =	shalt  }
0x86: {  	_ =	shalt  }
0x87: {  	_ =	shalt  }
.Lfunc_end0:
.L_simem_size_0:
called_computation_lowered:
.L_overlay_start_0:
0x88: {  	s2 =	sld [smem:$0x3FD9]  }
0x89: {  	s3 =	sld [smem:$0x3FFE];
	_ =	sdelay $0x1  }
0x8a: {  	s1 =	srdreg.scid  }
0x8b: {  	s0 =	sand.u32 $0x1, s1  }
0x8c: {  	s17 =	sshll.u32 s0, $0xA;
	s2 =	sadd.s32 s3, s2  }
0x8d: {  	s2 =	sadd.s32 s2, s17  }
0x8e: {  	[smem:$0x3FB9] =	sst s2  }
0x8f: {  	_ = 	snop  }
0x90: {  	s2 =	sld [smem:$0x3FC9]  }
0x91: {  	s18 =	sld [smem:$0x3FD0];
	(tm) =	ssettm $0x1  }
0x92: {  	s4 =	sld [smem:$0x3FFB];
	_ =	sdelay $0x3  }
0x93: {  	_ =	strace s4  }
0x94: {  	s4 =	sld [smem:$0x3FFC];
	_ =	sdelay $0x3  }
0x95: {  	_ =	strace s4  }
0x96: {  	s4 =	sld [smem:$0x3FFD];
	_ =	sdelay $0x3  }
0x97: {  	_ =	strace s4  }
0x98: {  	_ =	strace $0x8FFFFFFF  }
0x99: {  	s19 =	sld [smem:$0x3FDB];
	_ =	sdelay $0x1  }
0x9a: {  	s5 =	simm.s32 $_scs_section_size  }
0x9b: {  	s6 =	simm.s32 $_size__tile_overlayer_lowered;
	s7 =	simm.s32 $_tile_overlayer_lowered  }
0x9c: {  	s22 =	simm.s32 $0x1BFF;
	s21 =	sshll.u32 s7, $0x1;
	s4 =	sadd.s32 s5, s19  }
0x9d: {  	s8 =	simm.s32 $0x0;
	s20 =	sshll.u32 s6, $0x1;
	s6 =	sadd.s32 s21, s4  }
0x9e: {  	[timem:s8], [sflag:s22] =	dma.local [hbm:s6], s20  }
0x9f: {  	_ =	swait.ge [sflag:s22], s20  }
0xa0: {  	s5 =	ssub.s32 $0x0, s20;
	[sflag:s22] =	ssyncset.done $0x0  }
0xa1: {  	[sflag:s22] =	ssyncadd.s32 s5;
	_ =	sdelay $0x1  }
0xa2: {  	s23 =	simm.s32 $0x1B8B  }
0xa3: {  	_ =	swait.ge [sflag:s23], $0x1  }
0xa4: {  	[sflag:s23] =	ssyncset.done $0x0  }
0xa5: {  	s25 =	simm.s32 $0x1B8E;
	s24 =	sld [smem:$0x3FFE];
	[sflag:s23] =	ssyncadd.s32 $0xFFFFFFFF  }
0xa6: {  	s26 =	simm.s32 $execute0_lowered;
	[smem:$0x3FD2] =	sst s25  }
0xa7: {  	s6 =	sshll.u32 s26, $0x1;
	_ =	strace $0x80000046;
	[dreg:$0x1] =	wrdreg $0xFFFFFFFF  }
0xa8: {  	s28 =	simm.s32 $_size_execute0_lowered;
	s4 =	sadd.s32 s4, s6;
	[dreg:$0x0] =	wrdreg $0x0  }
0xa9: {  	s6 =	sshll.u32 s28, $0x1;
	[dreg:$0x2] =	wrdreg s4  }
0xaa: {  	[dreg:$0x3] =	wrdreg s6  }
0xab: {  	[dreg:$0x4] =	wrdreg $0xC0  }
0xac: {  	_ =	task [dreg:s8], $0x5FFFF  }
0xad: {  	[dreg:$0x1] =	wrdreg $0xFFFFFFFF  }
0xae: {  	[dreg:$0x0] =	wrdreg $0x60  }
0xaf: {  	[dreg:$0x2] =	wrdreg s2  }
0xb0: {  	[dreg:$0x3] =	wrdreg s24  }
0xb1: {  	[dreg:$0x4] =	wrdreg s18  }
0xb2: {  	[dreg:$0x5] =	wrdreg $0x0  }
0xb3: {  	[dreg:$0x6] =	wrdreg $0x9  }
0xb4: {  	_ =	task.clear_ibuf [dreg:s8], $0x7FFFF;
	_ =	strace $0x90000046  }
0xb5: {  	s29 =	simm.s32 $0x9;
	_ =	strace $0x80000048  }
0xb6: {  	_ =	swait.ge [sflag:s29], $0x1  }
0xb7: {  	[sflag:s29] =	ssyncadd.s32 $0xFFFFFFFF  }
0xb8: {  	_ =	strace $0x90000048  }
0xb9: {  	_ =	sfence  }
0xba: {  	s30 =	sld [smem:$0x0];
	_ =	sdelay $0x2  }
0xbb: {  	s31 =	sshll.u32 s1, $0xD;
	s1 =	sshrl.u32 s1, $0x2  }
0xbc: {  	s3 =	sand.u32 $0x4000, s31;
	s1 =	sadd.s32 s1, s30  }
0xbd: {  	s0 =	sor.u32 s3, s0;
	s1 =	sshll.u32 s1, $0x11  }
0xbe: {  	s0 =	sor.u32 s1, s0  }
0xbf: {  	s0 =	sadd.s32 $0x8F2B, s0  }
0xc0: {  	[sflag:s0] =	ssyncadd.remote.s32 $0x1  }
0xc1: {  	_ =	sfence.sel $0xFFFF  }
0xc2: {  	[dreg:$0x0] =	wrdreg $0xFFFFFFFF;
	(pc) =	sbr.abs _section_cstart, $3  }
0xc3: {  	[dreg:$0x1] =	wrdreg $0xFFFFFFFF  }
0xc4: {  	_ =	task.clear_ibuf [dreg:s8], $0x2FFFF;
	_ =	strace $0x9FFFFFFF  }
0xc5: {  	(tm) =	ssettm $0x7FFFFFFF  }
tec
execute0_lowered:
.L_overlay_start_1:
0x0: {  	(tag) =	ssettag $0x1  }
0x1: {  	s1 =	rddreg [dreg:$0x0]  }
0x2: {  	s0 =	rddreg [dreg:$0x1]  }
0x3: {  	s3 =	rddreg [dreg:$0x3]  }
0x4: {  	s2 =	srdreg.scid;
	s5 =	simm.s32 $0x0;
	s13 =	stileid.u32  }
0x5: {  	s16 =	simm.s32 $0x5;
	s17 =	simm.s32 $0x16800;
	s28 =	simm.s32 $0x15B80  }
0x6: {  	s29 =	simm.s32 $0x15C00;
	s31 =	simm.s32 $0x15C80;
	s2 =	sand.u32 $0x1, s2  }
0x7: {  	[smem:$0x7FF] =	sst s5;
	s6 =	smul.u32 $0x14000, s13;
	s10 =	sadd.s32 $0x4000, s0  }
0x8: {  	s9 =	sadd.s32 $0xE000, s0;
	s8 =	smul.u32 $0x50000, s13;
	s19 =	sadd.s32 $0x18000, s0  }
0x9: {  	s23 =	sshll.u32 s13, $0x6;
	s4 =	smul.u32 $0x140000, s2;
	_ =	strace $0x80000047  }
0xa: {  	s18 =	sshll.u32 s2, $0x4;
	s2 =	ssub.s32 $0x2, s2;
	[dreg:$0xa] =	wrdreg s19  }
0xb: {  	s19 =	simm.s32 $0x7D;
	s7 =	sor.u32 s13, s18;
	s11 =	sshrl.u32 s2, $0x1  }
0xc: {  	s20 =	sshrl.u32 s8, $0x2;
	s13 =	simm.s32 $0x15400;
	s12 =	smul.u32 $0x2800, s7  }
0xd: {  	s4 =	sadd.s32 s6, s4;
	s2 =	ssub.s32 s2, s11;
	s21 =	smul.u32 $0x500, s7  }
0xe: {  	s7 =	sor.u32 $0x1C05, s23;
	s4 =	sshrl.u32 s4, $0x3;
	s30 =	smax.u32 s2, $0x1  }
0xf: {  	s0 =	sadd.s32 s4, s0;
	s24 =	sadd.s32 s9, s21;
	[dreg:$0x9] =	wrdreg s30  }
0x10: {  	s22 =	sshrl.u32 s12, $0x3;
	s11 =	sadd.s32 s10, s21;
	[dreg:$0xb] =	wrdreg s24  }
0x11: {  	s4 =	sadd.s32 s20, s3;
	s26 =	sadd.s32 $0x6A800, s0;
	[dreg:$0x6] =	wrdreg s11  }
0x12: {  	s12 =	sadd.s32 $0x280, s22;
	s0 =	sadd.s32 $0x1A800, s0;
	[dreg:$0x5] =	wrdreg s26  }
0x13: {  	s20 =	simm.s32 $0x15480;
	s25 =	sadd.s32 s9, s12;
	[dreg:$0x8] =	wrdreg s0  }
0x14: {  	s10 =	sadd.s32 s10, s12;
	s0 =	sshrl.u32 s4, $0x3;
	[dreg:$0xc] =	wrdreg s25  }
0x15: {  	s26 =	simm.s32 $0x3;
	s4 =	simm.s32 $0x0;
	[dreg:$0x7] =	wrdreg s10  }
.LBB2_1:
0x16: {  	s8 =	rddreg [dreg:$0xa]  }
0x17: {  	[spmem:s0], [sflag:s7] =	dma.local [hbm:s8], $0x2800  }
0x18: {  	_ =	swait.ge [sflag:s16], $0x2800  }
0x19: {  	[sflag:s16] =	ssyncset.done $0x0  }
0x1a: {  	[sflag:s16] =	ssyncadd.s32 $0xFFFFD800  }
0x1b: {  	s2 =	rddreg [dreg:$0x2]  }
0x1c: {  	[tilespmem:s17], [sflag:$0x5] =	stream.linear.gather [hbm4b:s2+s5], $0x3E80, $0x38;
	[tilespmem:$0x1E800] =	vst v63  }
0x1d: {  	_ =	swait.ge [sflag:s16], $0x3E80  }
0x1e: {  	[sflag:s16] =	ssyncset.done $0x0  }
0x1f: {  	[sflag:s16] =	ssyncadd.s32 $0xFFFFC180  }
0x20: {  	[bflag:$0x0] =	sbarrier.arrive $0xFFFF  }
0x21: {  	s9 =	rddreg [dreg:$0xb]  }
0x22: {  	[tilespmem:s13], [sflag:$0x5] =	stream.linear.gather [hbm4b:s9+s5], $0x1400, $0x38;
	[tilespmem:$0x1E800] =	vst v63  }
0x23: {  	_ =	swait.ge [sflag:s16], $0x1400  }
0x24: {  	[sflag:s16] =	ssyncset.done $0x0  }
0x25: {  	[sflag:s16] =	ssyncadd.s32 $0xFFFFEC00  }
0x26: {  	[spmem:s3] =	stream.indirect.scatter.add.f32 [tilespmem:s17], [sflag:$0x3], $0x80, s13, s19, $0xb8;
	[tilespmem:$0x1E800] =	vst v63  }
0x27: {  	_ = 	snop  }
0x28: {  	[spmem:s3] =	stream.indirect.scatter.add.f32 [tilespmem:s17], [sflag:$0x3], $0x80, s20, s19, $0xb8;
	[tilespmem:$0x1E800] =	vst v63  }
0x29: {  	s2 =	simm.s32 $0x15500  }
0x2a: {  	[spmem:s3] =	stream.indirect.scatter.add.f32 [tilespmem:s17], [sflag:$0x3], $0x80, s2, s19, $0xb8;
	[tilespmem:$0x1E800] =	vst v63  }
0x2b: {  	s12 =	simm.s32 $0x15580  }
0x2c: {  	[spmem:s3] =	stream.indirect.scatter.add.f32 [tilespmem:s17], [sflag:$0x3], $0x80, s12, s19, $0xb8;
	[tilespmem:$0x1E800] =	vst v63  }
0x2d: {  	s13 =	simm.s32 $0x15600  }
0x2e: {  	[spmem:s3] =	stream.indirect.scatter.add.f32 [tilespmem:s17], [sflag:$0x3], $0x80, s13, s19, $0xb8;
	[tilespmem:$0x1E800] =	vst v63  }
0x2f: {  	s14 =	simm.s32 $0x15680  }
0x30: {  	[spmem:s3] =	stream.indirect.scatter.add.f32 [tilespmem:s17], [sflag:$0x3], $0x80, s14, s19, $0xb8;
	[tilespmem:$0x1E800] =	vst v63  }
0x31: {  	s14 =	simm.s32 $0x15700  }
0x32: {  	[spmem:s3] =	stream.indirect.scatter.add.f32 [tilespmem:s17], [sflag:$0x3], $0x80, s14, s19, $0xb8;
	[tilespmem:$0x1E800] =	vst v63  }
0x33: {  	s21 =	simm.s32 $0x15780  }
0x34: {  	[spmem:s3] =	stream.indirect.scatter.add.f32 [tilespmem:s17], [sflag:$0x3], $0x80, s21, s19, $0xb8;
	[tilespmem:$0x1E800] =	vst v63  }
0x35: {  	_ =	swait.ge [sflag:s26], $0x3E80  }
0x36: {  	[sflag:s26] =	ssyncset.done $0x0  }
0x37: {  	[sflag:s26] =	ssyncadd.s32 $0xFFFFC180  }
0x38: {  	_ =	swait.ge [sflag:s26], $0x3E80  }
0x39: {  	[sflag:s26] =	ssyncset.done $0x0  }
0x3a: {  	[sflag:s26] =	ssyncadd.s32 $0xFFFFC180  }
0x3b: {  	_ =	swait.ge [sflag:s26], $0x3E80  }
0x3c: {  	[sflag:s26] =	ssyncset.done $0x0  }
0x3d: {  	[sflag:s26] =	ssyncadd.s32 $0xFFFFC180  }
0x3e: {  	_ =	swait.ge [sflag:s26], $0x3E80  }
0x3f: {  	[sflag:s26] =	ssyncset.done $0x0  }
0x40: {  	[sflag:s26] =	ssyncadd.s32 $0xFFFFC180  }
0x41: {  	_ =	swait.ge [sflag:s26], $0x3E80  }
0x42: {  	[sflag:s26] =	ssyncset.done $0x0  }
0x43: {  	[sflag:s26] =	ssyncadd.s32 $0xFFFFC180  }
0x44: {  	_ =	swait.ge [sflag:s26], $0x3E80  }
0x45: {  	[sflag:s26] =	ssyncset.done $0x0  }
0x46: {  	[sflag:s26] =	ssyncadd.s32 $0xFFFFC180  }
0x47: {  	_ =	swait.ge [sflag:s26], $0x3E80  }
0x48: {  	[sflag:s26] =	ssyncset.done $0x0  }
0x49: {  	[sflag:s26] =	ssyncadd.s32 $0xFFFFC180  }
0x4a: {  	_ =	swait.ge [sflag:s26], $0x3E80  }
0x4b: {  	[sflag:s26] =	ssyncset.done $0x0  }
0x4c: {  	s22 =	simm.s32 $0x15800;
	[sflag:s26] =	ssyncadd.s32 $0xFFFFC180  }
0x4d: {  	[spmem:s3] =	stream.indirect.scatter.add.f32 [tilespmem:s17], [sflag:$0x3], $0x80, s22, s19, $0xb8;
	[tilespmem:$0x1E800] =	vst v63  }
0x4e: {  	s23 =	simm.s32 $0x15880  }
0x4f: {  	[spmem:s3] =	stream.indirect.scatter.add.f32 [tilespmem:s17], [sflag:$0x3], $0x80, s23, s19, $0xb8;
	[tilespmem:$0x1E800] =	vst v63  }
0x50: {  	s24 =	simm.s32 $0x15900  }
0x51: {  	[spmem:s3] =	stream.indirect.scatter.add.f32 [tilespmem:s17], [sflag:$0x3], $0x80, s24, s19, $0xb8;
	[tilespmem:$0x1E800] =	vst v63  }
0x52: {  	s30 =	simm.s32 $0x15980  }
0x53: {  	[spmem:s3] =	stream.indirect.scatter.add.f32 [tilespmem:s17], [sflag:$0x3], $0x80, s30, s19, $0xb8;
	[tilespmem:$0x1E800] =	vst v63  }
0x54: {  	s15 =	simm.s32 $0x15A00  }
0x55: {  	[spmem:s3] =	stream.indirect.scatter.add.f32 [tilespmem:s17], [sflag:$0x3], $0x80, s15, s19, $0xb8;
	[tilespmem:$0x1E800] =	vst v63  }
0x56: {  	s13 =	simm.s32 $0x15A80  }
0x57: {  	[spmem:s3] =	stream.indirect.scatter.add.f32 [tilespmem:s17], [sflag:$0x3], $0x80, s13, s19, $0xb8;
	[tilespmem:$0x1E800] =	vst v63  }
0x58: {  	s25 =	simm.s32 $0x15B00  }
0x59: {  	[spmem:s3] =	stream.indirect.scatter.add.f32 [tilespmem:s17], [sflag:$0x3], $0x80, s25, s19, $0xb8;
	[tilespmem:$0x1E800] =	vst v63  }
0x5a: {  	_ = 	snop  }
0x5b: {  	[spmem:s3] =	stream.indirect.scatter.add.f32 [tilespmem:s17], [sflag:$0x3], $0x80, s28, s19, $0xb8;
	[tilespmem:$0x1E800] =	vst v63  }
0x5c: {  	_ =	swait.ge [sflag:s26], $0x3E80  }
0x5d: {  	[sflag:s26] =	ssyncset.done $0x0  }
0x5e: {  	[sflag:s26] =	ssyncadd.s32 $0xFFFFC180  }
0x5f: {  	_ =	swait.ge [sflag:s26], $0x3E80  }
0x60: {  	[sflag:s26] =	ssyncset.done $0x0  }
0x61: {  	[sflag:s26] =	ssyncadd.s32 $0xFFFFC180  }
0x62: {  	_ =	swait.ge [sflag:s26], $0x3E80  }
0x63: {  	[sflag:s26] =	ssyncset.done $0x0  }
0x64: {  	[sflag:s26] =	ssyncadd.s32 $0xFFFFC180  }
0x65: {  	_ =	swait.ge [sflag:s26], $0x3E80  }
0x66: {  	[sflag:s26] =	ssyncset.done $0x0  }
0x67: {  	[sflag:s26] =	ssyncadd.s32 $0xFFFFC180  }
0x68: {  	_ =	swait.ge [sflag:s26], $0x3E80  }
0x69: {  	[sflag:s26] =	ssyncset.done $0x0  }
0x6a: {  	[sflag:s26] =	ssyncadd.s32 $0xFFFFC180  }
0x6b: {  	_ =	swait.ge [sflag:s26], $0x3E80  }
0x6c: {  	[sflag:s26] =	ssyncset.done $0x0  }
0x6d: {  	[sflag:s26] =	ssyncadd.s32 $0xFFFFC180  }
0x6e: {  	_ =	swait.ge [sflag:s26], $0x3E80  }
0x6f: {  	[sflag:s26] =	ssyncset.done $0x0  }
0x70: {  	[sflag:s26] =	ssyncadd.s32 $0xFFFFC180  }
0x71: {  	_ =	swait.ge [sflag:s26], $0x3E80  }
0x72: {  	[sflag:s26] =	ssyncset.done $0x0  }
0x73: {  	[sflag:s26] =	ssyncadd.s32 $0xFFFFC180  }
0x74: {  	[spmem:s3] =	stream.indirect.scatter.add.f32 [tilespmem:s17], [sflag:$0x3], $0x80, s29, s19, $0xb8;
	[tilespmem:$0x1E800] =	vst v63  }
0x75: {  	_ = 	snop  }
0x76: {  	[spmem:s3] =	stream.indirect.scatter.add.f32 [tilespmem:s17], [sflag:$0x3], $0x80, s31, s19, $0xb8;
	[tilespmem:$0x1E800] =	vst v63  }
0x77: {  	s6 =	simm.s32 $0x15D00  }
0x78: {  	[spmem:s3] =	stream.indirect.scatter.add.f32 [tilespmem:s17], [sflag:$0x3], $0x80, s6, s19, $0xb8;
	[tilespmem:$0x1E800] =	vst v63  }
0x79: {  	s15 =	simm.s32 $0x15D80  }
0x7a: {  	[spmem:s3] =	stream.indirect.scatter.add.f32 [tilespmem:s17], [sflag:$0x3], $0x80, s15, s19, $0xb8;
	[tilespmem:$0x1E800] =	vst v63  }
0x7b: {  	s6 =	simm.s32 $0x15E00  }
0x7c: {  	[spmem:s3] =	stream.indirect.scatter.add.f32 [tilespmem:s17], [sflag:$0x3], $0x80, s6, s19, $0xb8;
	[tilespmem:$0x1E800] =	vst v63  }
0x7d: {  	s10 =	simm.s32 $0x15E80  }
0x7e: {  	[spmem:s3] =	stream.indirect.scatter.add.f32 [tilespmem:s17], [sflag:$0x3], $0x80, s10, s19, $0xb8;
	[tilespmem:$0x1E800] =	vst v63  }
0x7f: {  	s11 =	simm.s32 $0x15F00  }
0x80: {  	[spmem:s3] =	stream.indirect.scatter.add.f32 [tilespmem:s17], [sflag:$0x3], $0x80, s11, s19, $0xb8;
	[tilespmem:$0x1E800] =	vst v63  }
0x81: {  	s12 =	simm.s32 $0x15F80  }
0x82: {  	[spmem:s3] =	stream.indirect.scatter.add.f32 [tilespmem:s17], [sflag:$0x3], $0x80, s12, s19, $0xb8;
	[tilespmem:$0x1E800] =	vst v63  }
0x83: {  	_ =	swait.ge [sflag:s26], $0x3E80  }
0x84: {  	[sflag:s26] =	ssyncset.done $0x0  }
0x85: {  	[sflag:s26] =	ssyncadd.s32 $0xFFFFC180  }
0x86: {  	_ =	swait.ge [sflag:s26], $0x3E80  }
0x87: {  	[sflag:s26] =	ssyncset.done $0x0  }
0x88: {  	[sflag:s26] =	ssyncadd.s32 $0xFFFFC180  }
0x89: {  	_ =	swait.ge [sflag:s26], $0x3E80  }
0x8a: {  	[sflag:s26] =	ssyncset.done $0x0  }
0x8b: {  	[sflag:s26] =	ssyncadd.s32 $0xFFFFC180  }
0x8c: {  	_ =	swait.ge [sflag:s26], $0x3E80  }
0x8d: {  	[sflag:s26] =	ssyncset.done $0x0  }
0x8e: {  	[sflag:s26] =	ssyncadd.s32 $0xFFFFC180  }
0x8f: {  	_ =	swait.ge [sflag:s26], $0x3E80  }
0x90: {  	[sflag:s26] =	ssyncset.done $0x0  }
0x91: {  	[sflag:s26] =	ssyncadd.s32 $0xFFFFC180  }
0x92: {  	_ =	swait.ge [sflag:s26], $0x3E80  }
0x93: {  	[sflag:s26] =	ssyncset.done $0x0  }
0x94: {  	[sflag:s26] =	ssyncadd.s32 $0xFFFFC180  }
0x95: {  	_ =	swait.ge [sflag:s26], $0x3E80  }
0x96: {  	[sflag:s26] =	ssyncset.done $0x0  }
0x97: {  	[sflag:s26] =	ssyncadd.s32 $0xFFFFC180  }
0x98: {  	_ =	swait.ge [sflag:s26], $0x3E80  }
0x99: {  	[sflag:s26] =	ssyncset.done $0x0  }
0x9a: {  	s12 =	simm.s32 $0x16000;
	[sflag:s26] =	ssyncadd.s32 $0xFFFFC180  }
0x9b: {  	[spmem:s3] =	stream.indirect.scatter.add.f32 [tilespmem:s17], [sflag:$0x3], $0x80, s12, s19, $0xb8;
	[tilespmem:$0x1E800] =	vst v63  }
0x9c: {  	s12 =	simm.s32 $0x16080  }
0x9d: {  	[spmem:s3] =	stream.indirect.scatter.add.f32 [tilespmem:s17], [sflag:$0x3], $0x80, s12, s19, $0xb8;
	[tilespmem:$0x1E800] =	vst v63  }
0x9e: {  	s12 =	simm.s32 $0x16100  }
0x9f: {  	[spmem:s3] =	stream.indirect.scatter.add.f32 [tilespmem:s17], [sflag:$0x3], $0x80, s12, s19, $0xb8;
	[tilespmem:$0x1E800] =	vst v63  }
0xa0: {  	s12 =	simm.s32 $0x16180  }
0xa1: {  	[spmem:s3] =	stream.indirect.scatter.add.f32 [tilespmem:s17], [sflag:$0x3], $0x80, s12, s19, $0xb8;
	[tilespmem:$0x1E800] =	vst v63  }
0xa2: {  	s12 =	simm.s32 $0x16200  }
0xa3: {  	[spmem:s3] =	stream.indirect.scatter.add.f32 [tilespmem:s17], [sflag:$0x3], $0x80, s12, s19, $0xb8;
	[tilespmem:$0x1E800] =	vst v63  }
0xa4: {  	s12 =	simm.s32 $0x16280  }
0xa5: {  	[spmem:s3] =	stream.indirect.scatter.add.f32 [tilespmem:s17], [sflag:$0x3], $0x80, s12, s19, $0xb8;
	[tilespmem:$0x1E800] =	vst v63  }
0xa6: {  	s12 =	simm.s32 $0x16300  }
0xa7: {  	[spmem:s3] =	stream.indirect.scatter.add.f32 [tilespmem:s17], [sflag:$0x3], $0x80, s12, s19, $0xb8;
	[tilespmem:$0x1E800] =	vst v63  }
0xa8: {  	s12 =	simm.s32 $0x16380  }
0xa9: {  	[spmem:s3] =	stream.indirect.scatter.add.f32 [tilespmem:s17], [sflag:$0x3], $0x80, s12, s19, $0xb8;
	[tilespmem:$0x1E800] =	vst v63  }
0xaa: {  	_ =	swait.ge [sflag:s26], $0x3E80  }
0xab: {  	[sflag:s26] =	ssyncset.done $0x0  }
0xac: {  	[sflag:s26] =	ssyncadd.s32 $0xFFFFC180  }
0xad: {  	_ =	swait.ge [sflag:s26], $0x3E80  }
0xae: {  	[sflag:s26] =	ssyncset.done $0x0  }
0xaf: {  	[sflag:s26] =	ssyncadd.s32 $0xFFFFC180  }
0xb0: {  	_ =	swait.ge [sflag:s26], $0x3E80  }
0xb1: {  	[sflag:s26] =	ssyncset.done $0x0  }
0xb2: {  	[sflag:s26] =	ssyncadd.s32 $0xFFFFC180  }
0xb3: {  	_ =	swait.ge [sflag:s26], $0x3E80  }
0xb4: {  	[sflag:s26] =	ssyncset.done $0x0  }
0xb5: {  	[sflag:s26] =	ssyncadd.s32 $0xFFFFC180  }
0xb6: {  	_ =	swait.ge [sflag:s26], $0x3E80  }
0xb7: {  	[sflag:s26] =	ssyncset.done $0x0  }
0xb8: {  	[sflag:s26] =	ssyncadd.s32 $0xFFFFC180  }
0xb9: {  	_ =	swait.ge [sflag:s26], $0x3E80  }
0xba: {  	[sflag:s26] =	ssyncset.done $0x0  }
0xbb: {  	[sflag:s26] =	ssyncadd.s32 $0xFFFFC180  }
0xbc: {  	_ =	swait.ge [sflag:s26], $0x3E80  }
0xbd: {  	[sflag:s26] =	ssyncset.done $0x0  }
0xbe: {  	[sflag:s26] =	ssyncadd.s32 $0xFFFFC180  }
0xbf: {  	_ =	swait.ge [sflag:s26], $0x3E80  }
0xc0: {  	[sflag:s26] =	ssyncset.done $0x0  }
0xc1: {  	s12 =	simm.s32 $0x16400;
	[sflag:s26] =	ssyncadd.s32 $0xFFFFC180  }
0xc2: {  	[spmem:s3] =	stream.indirect.scatter.add.f32 [tilespmem:s17], [sflag:$0x3], $0x80, s12, s19, $0xb8;
	[tilespmem:$0x1E800] =	vst v63  }
0xc3: {  	s12 =	simm.s32 $0x16480  }
0xc4: {  	[spmem:s3] =	stream.indirect.scatter.add.f32 [tilespmem:s17], [sflag:$0x3], $0x80, s12, s19, $0xb8;
	[tilespmem:$0x1E800] =	vst v63  }
0xc5: {  	s12 =	simm.s32 $0x16500  }
0xc6: {  	[spmem:s3] =	stream.indirect.scatter.add.f32 [tilespmem:s17], [sflag:$0x3], $0x80, s12, s19, $0xb8;
	[tilespmem:$0x1E800] =	vst v63  }
0xc7: {  	s12 =	simm.s32 $0x16580  }
0xc8: {  	[spmem:s3] =	stream.indirect.scatter.add.f32 [tilespmem:s17], [sflag:$0x3], $0x80, s12, s19, $0xb8;
	[tilespmem:$0x1E800] =	vst v63  }
0xc9: {  	s12 =	simm.s32 $0x16600  }
0xca: {  	[spmem:s3] =	stream.indirect.scatter.add.f32 [tilespmem:s17], [sflag:$0x3], $0x80, s12, s19, $0xb8;
	[tilespmem:$0x1E800] =	vst v63  }
0xcb: {  	s12 =	simm.s32 $0x16680  }
0xcc: {  	[spmem:s3] =	stream.indirect.scatter.add.f32 [tilespmem:s17], [sflag:$0x3], $0x80, s12, s19, $0xb8;
	[tilespmem:$0x1E800] =	vst v63  }
0xcd: {  	s12 =	simm.s32 $0x16700  }
0xce: {  	[spmem:s3] =	stream.indirect.scatter.add.f32 [tilespmem:s17], [sflag:$0x3], $0x80, s12, s19, $0xb8;
	[tilespmem:$0x1E800] =	vst v63  }
0xcf: {  	s20 =	simm.s32 $0x16780  }
0xd0: {  	[spmem:s3] =	stream.indirect.scatter.add.f32 [tilespmem:s17], [sflag:$0x3], $0x80, s20, s19, $0xb8;
	[tilespmem:$0x1E800] =	vst v63  }
0xd1: {  	_ =	swait.ge [sflag:s26], $0x3E80  }
0xd2: {  	[sflag:s26] =	ssyncset.done $0x0  }
0xd3: {  	[sflag:s26] =	ssyncadd.s32 $0xFFFFC180  }
0xd4: {  	_ =	swait.ge [sflag:s26], $0x3E80  }
0xd5: {  	[sflag:s26] =	ssyncset.done $0x0  }
0xd6: {  	[sflag:s26] =	ssyncadd.s32 $0xFFFFC180  }
0xd7: {  	_ =	swait.ge [sflag:s26], $0x3E80  }
0xd8: {  	[sflag:s26] =	ssyncset.done $0x0  }
0xd9: {  	[sflag:s26] =	ssyncadd.s32 $0xFFFFC180  }
0xda: {  	_ =	swait.ge [sflag:s26], $0x3E80  }
0xdb: {  	[sflag:s26] =	ssyncset.done $0x0  }
0xdc: {  	[sflag:s26] =	ssyncadd.s32 $0xFFFFC180  }
0xdd: {  	_ =	swait.ge [sflag:s26], $0x3E80  }
0xde: {  	[sflag:s26] =	ssyncset.done $0x0  }
0xdf: {  	[sflag:s26] =	ssyncadd.s32 $0xFFFFC180  }
0xe0: {  	_ =	swait.ge [sflag:s26], $0x3E80  }
0xe1: {  	[sflag:s26] =	ssyncset.done $0x0  }
0xe2: {  	[sflag:s26] =	ssyncadd.s32 $0xFFFFC180  }
0xe3: {  	_ =	swait.ge [sflag:s26], $0x3E80  }
0xe4: {  	[sflag:s26] =	ssyncset.done $0x0  }
0xe5: {  	[sflag:s26] =	ssyncadd.s32 $0xFFFFC180  }
0xe6: {  	_ =	swait.ge [sflag:s26], $0x3E80  }
0xe7: {  	s18 =	simm.s32 $0x0;
	[sflag:s26] =	ssyncset.done $0x0  }
0xe8: {  	s5 =	simm.s32 $0x15400;
	s20 =	rddreg [dreg:$0xc];
	[sflag:s26] =	ssyncadd.s32 $0xFFFFC180  }
0xe9: {  	[tilespmem:s5], [sflag:$0x5] =	stream.linear.gather [hbm4b:s20+s18], $0x1400, $0x38;
	[tilespmem:$0x1E800] =	vst v63  }
0xea: {  	_ =	swait.ge [sflag:s16], $0x1400  }
0xeb: {  	[sflag:s16] =	ssyncset.done $0x0  }
0xec: {  	[sflag:s16] =	ssyncadd.s32 $0xFFFFEC00  }
0xed: {  	[spmem:s3] =	stream.indirect.scatter.add.f32 [tilespmem:s17], [sflag:$0x3], $0x80, s5, s19, $0xb8;
	[tilespmem:$0x1E800] =	vst v63  }
0xee: {  	s20 =	simm.s32 $0x15480  }
0xef: {  	[spmem:s3] =	stream.indirect.scatter.add.f32 [tilespmem:s17], [sflag:$0x3], $0x80, s20, s19, $0xb8;
	[tilespmem:$0x1E800] =	vst v63  }
0xf0: {  	_ = 	snop  }
0xf1: {  	[spmem:s3] =	stream.indirect.scatter.add.f32 [tilespmem:s17], [sflag:$0x3], $0x80, s2, s19, $0xb8;
	[tilespmem:$0x1E800] =	vst v63  }
0xf2: {  	s18 =	simm.s32 $0x15580  }
0xf3: {  	[spmem:s3] =	stream.indirect.scatter.add.f32 [tilespmem:s17], [sflag:$0x3], $0x80, s18, s19, $0xb8;
	[tilespmem:$0x1E800] =	vst v63  }
0xf4: {  	s18 =	simm.s32 $0x15600  }
0xf5: {  	[spmem:s3] =	stream.indirect.scatter.add.f32 [tilespmem:s17], [sflag:$0x3], $0x80, s18, s19, $0xb8;
	[tilespmem:$0x1E800] =	vst v63  }
0xf6: {  	s18 =	simm.s32 $0x15680  }
0xf7: {  	[spmem:s3] =	stream.indirect.scatter.add.f32 [tilespmem:s17], [sflag:$0x3], $0x80, s18, s19, $0xb8;
	[tilespmem:$0x1E800] =	vst v63  }
0xf8: {  	_ = 	snop  }
0xf9: {  	[spmem:s3] =	stream.indirect.scatter.add.f32 [tilespmem:s17], [sflag:$0x3], $0x80, s14, s19, $0xb8;
	[tilespmem:$0x1E800] =	vst v63  }
0xfa: {  	_ = 	snop  }
0xfb: {  	[spmem:s3] =	stream.indirect.scatter.add.f32 [tilespmem:s17], [sflag:$0x3], $0x80, s21, s19, $0xb8;
	[tilespmem:$0x1E800] =	vst v63  }
0xfc: {  	_ =	swait.ge [sflag:s26], $0x3E80  }
0xfd: {  	[sflag:s26] =	ssyncset.done $0x0  }
0xfe: {  	[sflag:s26] =	ssyncadd.s32 $0xFFFFC180  }
0xff: {  	_ =	swait.ge [sflag:s26], $0x3E80  }
0x100: {  	[sflag:s26] =	ssyncset.done $0x0  }
0x101: {  	[sflag:s26] =	ssyncadd.s32 $0xFFFFC180  }
0x102: {  	_ =	swait.ge [sflag:s26], $0x3E80  }
0x103: {  	[sflag:s26] =	ssyncset.done $0x0  }
0x104: {  	[sflag:s26] =	ssyncadd.s32 $0xFFFFC180  }
0x105: {  	_ =	swait.ge [sflag:s26], $0x3E80  }
0x106: {  	[sflag:s26] =	ssyncset.done $0x0  }
0x107: {  	[sflag:s26] =	ssyncadd.s32 $0xFFFFC180  }
0x108: {  	_ =	swait.ge [sflag:s26], $0x3E80  }
0x109: {  	[sflag:s26] =	ssyncset.done $0x0  }
0x10a: {  	[sflag:s26] =	ssyncadd.s32 $0xFFFFC180  }
0x10b: {  	_ =	swait.ge [sflag:s26], $0x3E80  }
0x10c: {  	[sflag:s26] =	ssyncset.done $0x0  }
0x10d: {  	[sflag:s26] =	ssyncadd.s32 $0xFFFFC180  }
0x10e: {  	_ =	swait.ge [sflag:s26], $0x3E80  }
0x10f: {  	[sflag:s26] =	ssyncset.done $0x0  }
0x110: {  	[sflag:s26] =	ssyncadd.s32 $0xFFFFC180  }
0x111: {  	_ =	swait.ge [sflag:s26], $0x3E80  }
0x112: {  	[sflag:s26] =	ssyncset.done $0x0  }
0x113: {  	[sflag:s26] =	ssyncadd.s32 $0xFFFFC180  }
0x114: {  	[spmem:s3] =	stream.indirect.scatter.add.f32 [tilespmem:s17], [sflag:$0x3], $0x80, s22, s19, $0xb8;
	[tilespmem:$0x1E800] =	vst v63  }
0x115: {  	_ = 	snop  }
0x116: {  	[spmem:s3] =	stream.indirect.scatter.add.f32 [tilespmem:s17], [sflag:$0x3], $0x80, s23, s19, $0xb8;
	[tilespmem:$0x1E800] =	vst v63  }
0x117: {  	_ = 	snop  }
0x118: {  	[spmem:s3] =	stream.indirect.scatter.add.f32 [tilespmem:s17], [sflag:$0x3], $0x80, s24, s19, $0xb8;
	[tilespmem:$0x1E800] =	vst v63  }
0x119: {  	_ = 	snop  }
0x11a: {  	[spmem:s3] =	stream.indirect.scatter.add.f32 [tilespmem:s17], [sflag:$0x3], $0x80, s30, s19, $0xb8;
	[tilespmem:$0x1E800] =	vst v63  }
0x11b: {  	s24 =	simm.s32 $0x15A00  }
0x11c: {  	[spmem:s3] =	stream.indirect.scatter.add.f32 [tilespmem:s17], [sflag:$0x3], $0x80, s24, s19, $0xb8;
	[tilespmem:$0x1E800] =	vst v63  }
0x11d: {  	_ = 	snop  }
0x11e: {  	[spmem:s3] =	stream.indirect.scatter.add.f32 [tilespmem:s17], [sflag:$0x3], $0x80, s13, s19, $0xb8;
	[tilespmem:$0x1E800] =	vst v63  }
0x11f: {  	_ = 	snop  }
0x120: {  	[spmem:s3] =	stream.indirect.scatter.add.f32 [tilespmem:s17], [sflag:$0x3], $0x80, s25, s19, $0xb8;
	[tilespmem:$0x1E800] =	vst v63  }
0x121: {  	_ = 	snop  }
0x122: {  	[spmem:s3] =	stream.indirect.scatter.add.f32 [tilespmem:s17], [sflag:$0x3], $0x80, s28, s19, $0xb8;
	[tilespmem:$0x1E800] =	vst v63  }
0x123: {  	_ =	swait.ge [sflag:s26], $0x3E80  }
0x124: {  	[sflag:s26] =	ssyncset.done $0x0  }
0x125: {  	[sflag:s26] =	ssyncadd.s32 $0xFFFFC180  }
0x126: {  	_ =	swait.ge [sflag:s26], $0x3E80  }
0x127: {  	[sflag:s26] =	ssyncset.done $0x0  }
0x128: {  	[sflag:s26] =	ssyncadd.s32 $0xFFFFC180  }
0x129: {  	_ =	swait.ge [sflag:s26], $0x3E80  }
0x12a: {  	[sflag:s26] =	ssyncset.done $0x0  }
0x12b: {  	[sflag:s26] =	ssyncadd.s32 $0xFFFFC180  }
0x12c: {  	_ =	swait.ge [sflag:s26], $0x3E80  }
0x12d: {  	[sflag:s26] =	ssyncset.done $0x0  }
0x12e: {  	[sflag:s26] =	ssyncadd.s32 $0xFFFFC180  }
0x12f: {  	_ =	swait.ge [sflag:s26], $0x3E80  }
0x130: {  	[sflag:s26] =	ssyncset.done $0x0  }
0x131: {  	[sflag:s26] =	ssyncadd.s32 $0xFFFFC180  }
0x132: {  	_ =	swait.ge [sflag:s26], $0x3E80  }
0x133: {  	[sflag:s26] =	ssyncset.done $0x0  }
0x134: {  	[sflag:s26] =	ssyncadd.s32 $0xFFFFC180  }
0x135: {  	_ =	swait.ge [sflag:s26], $0x3E80  }
0x136: {  	[sflag:s26] =	ssyncset.done $0x0  }
0x137: {  	[sflag:s26] =	ssyncadd.s32 $0xFFFFC180  }
0x138: {  	_ =	swait.ge [sflag:s26], $0x3E80  }
0x139: {  	[sflag:s26] =	ssyncset.done $0x0  }
0x13a: {  	[sflag:s26] =	ssyncadd.s32 $0xFFFFC180  }
0x13b: {  	[spmem:s3] =	stream.indirect.scatter.add.f32 [tilespmem:s17], [sflag:$0x3], $0x80, s29, s19, $0xb8;
	[tilespmem:$0x1E800] =	vst v63  }
0x13c: {  	_ = 	snop  }
0x13d: {  	[spmem:s3] =	stream.indirect.scatter.add.f32 [tilespmem:s17], [sflag:$0x3], $0x80, s31, s19, $0xb8;
	[tilespmem:$0x1E800] =	vst v63  }
0x13e: {  	s30 =	simm.s32 $0x15D00  }
0x13f: {  	[spmem:s3] =	stream.indirect.scatter.add.f32 [tilespmem:s17], [sflag:$0x3], $0x80, s30, s19, $0xb8;
	[tilespmem:$0x1E800] =	vst v63  }
0x140: {  	_ = 	snop  }
0x141: {  	[spmem:s3] =	stream.indirect.scatter.add.f32 [tilespmem:s17], [sflag:$0x3], $0x80, s15, s19, $0xb8;
	[tilespmem:$0x1E800] =	vst v63  }
0x142: {  	_ = 	snop  }
0x143: {  	[spmem:s3] =	stream.indirect.scatter.add.f32 [tilespmem:s17], [sflag:$0x3], $0x80, s6, s19, $0xb8;
	[tilespmem:$0x1E800] =	vst v63  }
0x144: {  	_ = 	snop  }
0x145: {  	[spmem:s3] =	stream.indirect.scatter.add.f32 [tilespmem:s17], [sflag:$0x3], $0x80, s10, s19, $0xb8;
	[tilespmem:$0x1E800] =	vst v63  }
0x146: {  	_ = 	snop  }
0x147: {  	[spmem:s3] =	stream.indirect.scatter.add.f32 [tilespmem:s17], [sflag:$0x3], $0x80, s11, s19, $0xb8;
	[tilespmem:$0x1E800] =	vst v63  }
0x148: {  	s14 =	simm.s32 $0x15F80  }
0x149: {  	[spmem:s3] =	stream.indirect.scatter.add.f32 [tilespmem:s17], [sflag:$0x3], $0x80, s14, s19, $0xb8;
	[tilespmem:$0x1E800] =	vst v63  }
0x14a: {  	_ =	swait.ge [sflag:s26], $0x3E80  }
0x14b: {  	[sflag:s26] =	ssyncset.done $0x0  }
0x14c: {  	[sflag:s26] =	ssyncadd.s32 $0xFFFFC180  }
0x14d: {  	_ =	swait.ge [sflag:s26], $0x3E80  }
0x14e: {  	[sflag:s26] =	ssyncset.done $0x0  }
0x14f: {  	[sflag:s26] =	ssyncadd.s32 $0xFFFFC180  }
0x150: {  	_ =	swait.ge [sflag:s26], $0x3E80  }
0x151: {  	[sflag:s26] =	ssyncset.done $0x0  }
0x152: {  	[sflag:s26] =	ssyncadd.s32 $0xFFFFC180  }
0x153: {  	_ =	swait.ge [sflag:s26], $0x3E80  }
0x154: {  	[sflag:s26] =	ssyncset.done $0x0  }
0x155: {  	[sflag:s26] =	ssyncadd.s32 $0xFFFFC180  }
0x156: {  	_ =	swait.ge [sflag:s26], $0x3E80  }
0x157: {  	[sflag:s26] =	ssyncset.done $0x0  }
0x158: {  	[sflag:s26] =	ssyncadd.s32 $0xFFFFC180  }
0x159: {  	_ =	swait.ge [sflag:s26], $0x3E80  }
0x15a: {  	[sflag:s26] =	ssyncset.done $0x0  }
0x15b: {  	[sflag:s26] =	ssyncadd.s32 $0xFFFFC180  }
0x15c: {  	_ =	swait.ge [sflag:s26], $0x3E80  }
0x15d: {  	[sflag:s26] =	ssyncset.done $0x0  }
0x15e: {  	[sflag:s26] =	ssyncadd.s32 $0xFFFFC180  }
0x15f: {  	_ =	swait.ge [sflag:s26], $0x3E80  }
0x160: {  	[sflag:s26] =	ssyncset.done $0x0  }
0x161: {  	s18 =	simm.s32 $0x16000;
	[sflag:s26] =	ssyncadd.s32 $0xFFFFC180  }
0x162: {  	[spmem:s3] =	stream.indirect.scatter.add.f32 [tilespmem:s17], [sflag:$0x3], $0x80, s18, s19, $0xb8;
	[tilespmem:$0x1E800] =	vst v63  }
0x163: {  	s21 =	simm.s32 $0x16080  }
0x164: {  	[spmem:s3] =	stream.indirect.scatter.add.f32 [tilespmem:s17], [sflag:$0x3], $0x80, s21, s19, $0xb8;
	[tilespmem:$0x1E800] =	vst v63  }
0x165: {  	s22 =	simm.s32 $0x16100  }
0x166: {  	[spmem:s3] =	stream.indirect.scatter.add.f32 [tilespmem:s17], [sflag:$0x3], $0x80, s22, s19, $0xb8;
	[tilespmem:$0x1E800] =	vst v63  }
0x167: {  	s23 =	simm.s32 $0x16180  }
0x168: {  	[spmem:s3] =	stream.indirect.scatter.add.f32 [tilespmem:s17], [sflag:$0x3], $0x80, s23, s19, $0xb8;
	[tilespmem:$0x1E800] =	vst v63  }
0x169: {  	s24 =	simm.s32 $0x16200  }
0x16a: {  	[spmem:s3] =	stream.indirect.scatter.add.f32 [tilespmem:s17], [sflag:$0x3], $0x80, s24, s19, $0xb8;
	[tilespmem:$0x1E800] =	vst v63  }
0x16b: {  	s30 =	simm.s32 $0x16280  }
0x16c: {  	[spmem:s3] =	stream.indirect.scatter.add.f32 [tilespmem:s17], [sflag:$0x3], $0x80, s30, s19, $0xb8;
	[tilespmem:$0x1E800] =	vst v63  }
0x16d: {  	s10 =	simm.s32 $0x16300  }
0x16e: {  	[spmem:s3] =	stream.indirect.scatter.add.f32 [tilespmem:s17], [sflag:$0x3], $0x80, s10, s19, $0xb8;
	[tilespmem:$0x1E800] =	vst v63  }
0x16f: {  	s11 =	simm.s32 $0x16380  }
0x170: {  	[spmem:s3] =	stream.indirect.scatter.add.f32 [tilespmem:s17], [sflag:$0x3], $0x80, s11, s19, $0xb8;
	[tilespmem:$0x1E800] =	vst v63  }
0x171: {  	_ =	swait.ge [sflag:s26], $0x3E80  }
0x172: {  	[sflag:s26] =	ssyncset.done $0x0  }
0x173: {  	[sflag:s26] =	ssyncadd.s32 $0xFFFFC180  }
0x174: {  	_ =	swait.ge [sflag:s26], $0x3E80  }
0x175: {  	[sflag:s26] =	ssyncset.done $0x0  }
0x176: {  	[sflag:s26] =	ssyncadd.s32 $0xFFFFC180  }
0x177: {  	_ =	swait.ge [sflag:s26], $0x3E80  }
0x178: {  	[sflag:s26] =	ssyncset.done $0x0  }
0x179: {  	[sflag:s26] =	ssyncadd.s32 $0xFFFFC180  }
0x17a: {  	_ =	swait.ge [sflag:s26], $0x3E80  }
0x17b: {  	[sflag:s26] =	ssyncset.done $0x0  }
0x17c: {  	[sflag:s26] =	ssyncadd.s32 $0xFFFFC180  }
0x17d: {  	_ =	swait.ge [sflag:s26], $0x3E80  }
0x17e: {  	[sflag:s26] =	ssyncset.done $0x0  }
0x17f: {  	[sflag:s26] =	ssyncadd.s32 $0xFFFFC180  }
0x180: {  	_ =	swait.ge [sflag:s26], $0x3E80  }
0x181: {  	[sflag:s26] =	ssyncset.done $0x0  }
0x182: {  	[sflag:s26] =	ssyncadd.s32 $0xFFFFC180  }
0x183: {  	_ =	swait.ge [sflag:s26], $0x3E80  }
0x184: {  	[sflag:s26] =	ssyncset.done $0x0  }
0x185: {  	[sflag:s26] =	ssyncadd.s32 $0xFFFFC180  }
0x186: {  	_ =	swait.ge [sflag:s26], $0x3E80  }
0x187: {  	[sflag:s26] =	ssyncset.done $0x0  }
0x188: {  	s14 =	simm.s32 $0x16400;
	[sflag:s26] =	ssyncadd.s32 $0xFFFFC180  }
0x189: {  	[spmem:s3] =	stream.indirect.scatter.add.f32 [tilespmem:s17], [sflag:$0x3], $0x80, s14, s19, $0xb8;
	[tilespmem:$0x1E800] =	vst v63  }
0x18a: {  	s18 =	simm.s32 $0x16480  }
0x18b: {  	[spmem:s3] =	stream.indirect.scatter.add.f32 [tilespmem:s17], [sflag:$0x3], $0x80, s18, s19, $0xb8;
	[tilespmem:$0x1E800] =	vst v63  }
0x18c: {  	s21 =	simm.s32 $0x16500  }
0x18d: {  	[spmem:s3] =	stream.indirect.scatter.add.f32 [tilespmem:s17], [sflag:$0x3], $0x80, s21, s19, $0xb8;
	[tilespmem:$0x1E800] =	vst v63  }
0x18e: {  	s22 =	simm.s32 $0x16580  }
0x18f: {  	[spmem:s3] =	stream.indirect.scatter.add.f32 [tilespmem:s17], [sflag:$0x3], $0x80, s22, s19, $0xb8;
	[tilespmem:$0x1E800] =	vst v63  }
0x190: {  	s23 =	simm.s32 $0x16600  }
0x191: {  	[spmem:s3] =	stream.indirect.scatter.add.f32 [tilespmem:s17], [sflag:$0x3], $0x80, s23, s19, $0xb8;
	[tilespmem:$0x1E800] =	vst v63  }
0x192: {  	s24 =	simm.s32 $0x16680  }
0x193: {  	[spmem:s3] =	stream.indirect.scatter.add.f32 [tilespmem:s17], [sflag:$0x3], $0x80, s24, s19, $0xb8;
	[tilespmem:$0x1E800] =	vst v63  }
0x194: {  	_ = 	snop  }
0x195: {  	[spmem:s3] =	stream.indirect.scatter.add.f32 [tilespmem:s17], [sflag:$0x3], $0x80, s12, s19, $0xb8;
	[tilespmem:$0x1E800] =	vst v63  }
0x196: {  	s15 =	simm.s32 $0x16780  }
0x197: {  	[spmem:s3] =	stream.indirect.scatter.add.f32 [tilespmem:s17], [sflag:$0x3], $0x80, s15, s19, $0xb8;
	[tilespmem:$0x1E800] =	vst v63  }
0x198: {  	_ =	swait.ge [sflag:s26], $0x3E80  }
0x199: {  	[sflag:s26] =	ssyncset.done $0x0  }
0x19a: {  	[sflag:s26] =	ssyncadd.s32 $0xFFFFC180  }
0x19b: {  	_ =	swait.ge [sflag:s26], $0x3E80  }
0x19c: {  	[sflag:s26] =	ssyncset.done $0x0  }
0x19d: {  	[sflag:s26] =	ssyncadd.s32 $0xFFFFC180  }
0x19e: {  	_ =	swait.ge [sflag:s26], $0x3E80  }
0x19f: {  	[sflag:s26] =	ssyncset.done $0x0  }
0x1a0: {  	[sflag:s26] =	ssyncadd.s32 $0xFFFFC180  }
0x1a1: {  	_ =	swait.ge [sflag:s26], $0x3E80  }
0x1a2: {  	[sflag:s26] =	ssyncset.done $0x0  }
0x1a3: {  	[sflag:s26] =	ssyncadd.s32 $0xFFFFC180  }
0x1a4: {  	_ =	swait.ge [sflag:s26], $0x3E80  }
0x1a5: {  	[sflag:s26] =	ssyncset.done $0x0  }
0x1a6: {  	[sflag:s26] =	ssyncadd.s32 $0xFFFFC180  }
0x1a7: {  	_ =	swait.ge [sflag:s26], $0x3E80  }
0x1a8: {  	[sflag:s26] =	ssyncset.done $0x0  }
0x1a9: {  	[sflag:s26] =	ssyncadd.s32 $0xFFFFC180  }
0x1aa: {  	_ =	swait.ge [sflag:s26], $0x3E80  }
0x1ab: {  	[sflag:s26] =	ssyncset.done $0x0  }
0x1ac: {  	[sflag:s26] =	ssyncadd.s32 $0xFFFFC180  }
0x1ad: {  	_ =	swait.ge [sflag:s26], $0x3E80  }
0x1ae: {  	[sflag:s26] =	ssyncset.done $0x0  }
0x1af: {  	[sflag:s26] =	ssyncadd.s32 $0xFFFFC180  }
0x1b0: {  	[bflag:$0x0] =	sbarrier.arrive $0xFFFF  }
0x1b1: {  	s30 =	rddreg [dreg:$0x5]  }
0x1b2: {  	[hbm:s30], [sflag:s7] =	dma.local [spmem:s0], $0x2800  }
0x1b3: {  	_ =	swait.ge [sflag:s16], $0x2800  }
0x1b4: {  	[sflag:s16] =	ssyncset.done $0x0  }
0x1b5: {  	[sflag:s16] =	ssyncadd.s32 $0xFFFFD800  }
0x1b6: {  	[bflag:$0x0] =	sbarrier.arrive $0xFFFF  }
0x1b7: {  	[spmem:s0], [sflag:s7] =	dma.local [hbm:s8], $0x2800  }
0x1b8: {  	_ =	swait.ge [sflag:s16], $0x2800  }
0x1b9: {  	[sflag:s16] =	ssyncset.done $0x0  }
0x1ba: {  	[sflag:s16] =	ssyncadd.s32 $0xFFFFD800  }
0x1bb: {  	[bflag:$0x0] =	sbarrier.arrive $0xFFFF  }
0x1bc: {  	s5 =	simm.s32 $0x0;
	s8 =	simm.s32 $0x14000;
	s6 =	rddreg [dreg:$0x6]  }
0x1bd: {  	[tilespmem:s8], [sflag:$0x5] =	stream.linear.gather [hbm4b:s6+s5], $0x1400, $0x38;
	[tilespmem:$0x1E800] =	vst v63  }
0x1be: {  	_ =	swait.ge [sflag:s16], $0x1400  }
0x1bf: {  	[sflag:s16] =	ssyncset.done $0x0  }
0x1c0: {  	s13 =	simm.s32 $0x15400;
	[sflag:s16] =	ssyncadd.s32 $0xFFFFEC00  }
0x1c1: {  	[tilespmem:s13], [sflag:$0x5] =	stream.linear.gather [hbm4b:s9+s5], $0x1400, $0x38;
	[tilespmem:$0x1E800] =	vst v63  }
0x1c2: {  	_ =	swait.ge [sflag:s16], $0x1400  }
0x1c3: {  	[sflag:s16] =	ssyncset.done $0x0  }
0x1c4: {  	[sflag:s16] =	ssyncadd.s32 $0xFFFFEC00  }
0x1c5: {  	[tilespmem:s17], [sflag:$0x1] =	stream.indirect.gather [hbm4b:s1+s19], $0x80, s8, s19, $0xb8;
	[tilespmem:$0x1E800] =	vst v63  }
0x1c6: {  	s10 =	simm.s32 $0x14080;
	s11 =	simm.s32 $0x1;
	s9 =	simm.s32 $0x1A800  }
0x1c7: {  	[tilespmem:s9], [sflag:$0x2] =	stream.indirect.gather [hbm4b:s1+s19], $0x80, s10, s19, $0xb8;
	[tilespmem:$0x1E800] =	vst v63  }
0x1c8: {  	_ =	swait.ge [sflag:s11], $0x3E80  }
0x1c9: {  	[sflag:s11] =	ssyncset.done $0x0  }
0x1ca: {  	[sflag:s11] =	ssyncadd.s32 $0xFFFFC180  }
0x1cb: {  	[spmem:s3] =	stream.indirect.scatter.add.f32 [tilespmem:s17], [sflag:$0x3], $0x80, s13, s19, $0xb8;
	[tilespmem:$0x1E800] =	vst v63  }
0x1cc: {  	_ =	swait.ge [sflag:s26], $0x3E80  }
0x1cd: {  	[sflag:s26] =	ssyncset.done $0x0  }
0x1ce: {  	s25 =	simm.s32 $0x2;
	s12 =	simm.s32 $0x14100;
	[sflag:s26] =	ssyncadd.s32 $0xFFFFC180  }
0x1cf: {  	[tilespmem:s17], [sflag:$0x1] =	stream.indirect.gather [hbm4b:s1+s19], $0x80, s12, s19, $0xb8;
	[tilespmem:$0x1E800] =	vst v63  }
0x1d0: {  	s14 =	sand.u32 $0x1, s25;
	_ =	swait.ge [sflag:s25], $0x3E80  }
0x1d1: {  	p0 =	seq.s32 s14, $0x1;
	[sflag:s25] =	ssyncset.done $0x0  }
0x1d2: {  	s10 =	simm.s32 @p0 $0x3;
	[sflag:s25] =	ssyncadd.s32 $0xFFFFC180  }
0x1d3: {  	[spmem:s3] =	stream.indirect.scatter.add.f32 [tilespmem:s9], [sflag:$0x4], $0x80, s20, s19, $0xb8;
	[tilespmem:$0x1E800] =	vst v63  }
0x1d4: {  	s11 =	simm.s32 @p0 $0x2;
	_ =	swait.ge @p0 [sflag:s10], $0x3E80  }
0x1d5: {  	s12 =	simm.s32 $0x14180;
	[sflag:s10] =	ssyncset.done @p0 $0x0;
	p0 =	por p0, p0  }
0x1d6: {  	[sflag:s10] =	ssyncadd.s32 @p0 $0xFFFFC180;
	s10 =	simm.s32 @p0 $0x7D;
	s21 =	simm.s32 @p0 $0x16800  }
0x1d7: {  	[tilespmem:s21], [sflag:$0x1] =	stream.indirect.gather @p0 [hbm4b:s1+s10], $0x80, s12, s10, $0xb8;
	[tilespmem:$0x1E800] =	vst v63  }
0x1d8: {  	_ =	swait.ge @p0 [sflag:s11], $0x3E80  }
0x1d9: {  	[sflag:s11] =	ssyncset.done @p0 $0x0  }
0x1da: {  	s21 =	simm.s32 @!p0 $0x4;
	[sflag:s11] =	ssyncadd.s32 @p0 $0xFFFFC180;
	s11 =	simm.s32 @p0 $0x1A800  }
0x1db: {  	[spmem:s3] =	stream.indirect.scatter.add.f32 @p0 [tilespmem:s11], [sflag:$0x4], $0x80, s2, s10, $0xb8;
	[tilespmem:$0x1E800] =	vst v63  }
0x1dc: {  	s18 =	simm.s32 $0x3;
	s22 =	simm.s32 $0x4;
	_ =	swait.ge @!p0 [sflag:s21], $0x3E80  }
0x1dd: {  	s30 =	sand.u32 $0x1, s18;
	s23 =	simm.s32 @!p0 $0x1;
	[sflag:s21] =	ssyncset.done @!p0 $0x0  }
0x1de: {  	s11 =	simm.s32 @!p0 $0x7D;
	s10 =	simm.s32 @!p0 $0x1A800;
	[sflag:s21] =	ssyncadd.s32 @!p0 $0xFFFFC180  }
0x1df: {  	[tilespmem:s10], [sflag:$0x2] =	stream.indirect.gather @!p0 [hbm4b:s1+s11], $0x80, s12, s11, $0xb8;
	[tilespmem:$0x1E800] =	vst v63  }
0x1e0: {  	p2 =	seq.s32 s30, $0x1;
	s21 =	simm.s32 $0x15580;
	_ =	swait.ge @!p0 [sflag:s23], $0x3E80  }
0x1e1: {  	s10 =	simm.s32 $0x14200;
	s12 =	simm.s32 @!p0 $0x16800;
	[sflag:s23] =	ssyncset.done @!p0 $0x0  }
.LBB2_2:
0x1e2: {  	s24 =	simm.s32 @p2 $0x3;
	[sflag:s23] =	ssyncadd.s32 @!p0 $0xFFFFC180  }
0x1e3: {  	s14 =	smov.u32 s22;
	s22 =	sadd.s32 $0x1, s22;
	s30 =	smov.u32 s10  }
0x1e4: {  	[spmem:s3] =	stream.indirect.scatter.add.f32 @!p0 [tilespmem:s12], [sflag:$0x3], $0x80, s2, s11, $0xb8;
	[tilespmem:$0x1E800] =	vst v63  }
0x1e5: {  	p1 =	sne.s32 s22, $0x27;
	s2 =	smov.u32 s21;
	_ =	swait.ge @p2 [sflag:s24], $0x3E80  }
0x1e6: {  	s11 =	simm.s32 @p2 $0x2;
	p0 =	por p2, p2;
	[sflag:s24] =	ssyncset.done @p2 $0x0  }
0x1e7: {  	s12 =	simm.s32 @p0 $0x7D;
	s23 =	simm.s32 @p0 $0x16800;
	[sflag:s24] =	ssyncadd.s32 @p0 $0xFFFFC180  }
0x1e8: {  	[tilespmem:s23], [sflag:$0x1] =	stream.indirect.gather @p0 [hbm4b:s1+s12], $0x80, s10, s12, $0xb8;
	[tilespmem:$0x1E800] =	vst v63  }
0x1e9: {  	_ =	swait.ge @p0 [sflag:s11], $0x3E80  }
0x1ea: {  	[sflag:s11] =	ssyncset.done @p0 $0x0  }
0x1eb: {  	s24 =	simm.s32 @!p0 $0x4;
	[sflag:s11] =	ssyncadd.s32 @p0 $0xFFFFC180;
	s11 =	simm.s32 @p0 $0x1A800  }
0x1ec: {  	[spmem:s3] =	stream.indirect.scatter.add.f32 @p0 [tilespmem:s11], [sflag:$0x4], $0x80, s21, s12, $0xb8;
	[tilespmem:$0x1E800] =	vst v63  }
0x1ed: {  	s10 =	sadd.s32 $0x80, s10;
	_ =	swait.ge @!p0 [sflag:s24], $0x3E80  }
.Ltmp0:
0x1ee: {  	s23 =	simm.s32 @!p0 $0x1;
	[sflag:s24] =	ssyncset.done @!p0 $0x0;
	(pc) =	sbr.rel @p1 .LBB2_2-.Ltmp0, $4  }
0x1ef: {  	s11 =	simm.s32 @!p0 $0x7D;
	s12 =	simm.s32 @!p0 $0x1A800;
	[sflag:s24] =	ssyncadd.s32 @!p0 $0xFFFFC180  }
0x1f0: {  	[tilespmem:s12], [sflag:$0x2] =	stream.indirect.gather @!p0 [hbm4b:s1+s11], $0x80, s30, s11, $0xb8;
	[tilespmem:$0x1E800] =	vst v63  }
0x1f1: {  	s21 =	sadd.s32 $0x80, s21;
	s12 =	sand.u32 $0x1, s14;
	_ =	swait.ge @!p0 [sflag:s23], $0x3E80  }
0x1f2: {  	p2 =	seq.s32 s12, $0x1;
	s12 =	simm.s32 @!p0 $0x16800;
	[sflag:s23] =	ssyncset.done @!p0 $0x0  }
0x1f3: {  	s14 =	simm.s32 @p2 $0x3;
	[sflag:s23] =	ssyncadd.s32 @!p0 $0xFFFFC180  }
0x1f4: {  	[spmem:s3] =	stream.indirect.scatter.add.f32 @!p0 [tilespmem:s12], [sflag:$0x3], $0x80, s2, s11, $0xb8;
	[tilespmem:$0x1E800] =	vst v63  }
0x1f5: {  	_ =	swait.ge @p2 [sflag:s14], $0x3E80  }
0x1f6: {  	s2 =	simm.s32 @p2 $0x2;
	p0 =	por p2, p2;
	[sflag:s14] =	ssyncset.done @p2 $0x0  }
0x1f7: {  	s11 =	simm.s32 @p0 $0x7D;
	s12 =	simm.s32 @p0 $0x16800;
	[sflag:s14] =	ssyncadd.s32 @p0 $0xFFFFC180  }
0x1f8: {  	[tilespmem:s12], [sflag:$0x1] =	stream.indirect.gather @p0 [hbm4b:s1+s11], $0x80, s10, s11, $0xb8;
	[tilespmem:$0x1E800] =	vst v63  }
0x1f9: {  	_ =	swait.ge @p0 [sflag:s2], $0x3E80  }
0x1fa: {  	[sflag:s2] =	ssyncset.done @p0 $0x0  }
0x1fb: {  	s12 =	simm.s32 @!p0 $0x4;
	[sflag:s2] =	ssyncadd.s32 @p0 $0xFFFFC180;
	s2 =	simm.s32 @p0 $0x1A800  }
0x1fc: {  	[spmem:s3] =	stream.indirect.scatter.add.f32 @p0 [tilespmem:s2], [sflag:$0x4], $0x80, s21, s11, $0xb8;
	[tilespmem:$0x1E800] =	vst v63  }
0x1fd: {  	_ =	swait.ge @!p0 [sflag:s12], $0x3E80  }
0x1fe: {  	s2 =	simm.s32 @!p0 $0x1;
	[sflag:s12] =	ssyncset.done @!p0 $0x0  }
0x1ff: {  	s11 =	simm.s32 @!p0 $0x7D;
	[sflag:s12] =	ssyncadd.s32 @!p0 $0xFFFFC180;
	s12 =	simm.s32 @!p0 $0x1A800  }
0x200: {  	[tilespmem:s12], [sflag:$0x2] =	stream.indirect.gather @!p0 [hbm4b:s1+s11], $0x80, s10, s11, $0xb8;
	[tilespmem:$0x1E800] =	vst v63  }
0x201: {  	_ =	swait.ge @!p0 [sflag:s2], $0x3E80  }
0x202: {  	[sflag:s2] =	ssyncset.done @!p0 $0x0  }
0x203: {  	s10 =	simm.s32 @!p0 $0x16800;
	s12 =	simm.s32 $0x2;
	[sflag:s2] =	ssyncadd.s32 @!p0 $0xFFFFC180  }
0x204: {  	[spmem:s3] =	stream.indirect.scatter.add.f32 @!p0 [tilespmem:s10], [sflag:$0x3], $0x80, s21, s11, $0xb8;
	[tilespmem:$0x1E800] =	vst v63  }
0x205: {  	_ =	swait.ge [sflag:s12], $0x3E80  }
0x206: {  	[sflag:s12] =	ssyncset.done $0x0  }
0x207: {  	[sflag:s12] =	ssyncadd.s32 $0xFFFFC180  }
0x208: {  	[spmem:s3] =	stream.indirect.scatter.add.f32 [tilespmem:s9], [sflag:$0x4], $0x80, s15, s19, $0xb8;
	[tilespmem:$0x1E800] =	vst v63  }
0x209: {  	_ =	swait.ge [sflag:s26], $0x3E80  }
0x20a: {  	[sflag:s26] =	ssyncset.done $0x0  }
0x20b: {  	s18 =	simm.s32 $0x4;
	[sflag:s26] =	ssyncadd.s32 $0xFFFFC180  }
0x20c: {  	_ =	swait.ge [sflag:s18], $0x3E80  }
0x20d: {  	[sflag:s18] =	ssyncset.done $0x0  }
0x20e: {  	s8 =	simm.s32 $0x14000;
	s14 =	rddreg [dreg:$0x7];
	[sflag:s18] =	ssyncadd.s32 $0xFFFFC180  }
0x20f: {  	[tilespmem:s8], [sflag:$0x5] =	stream.linear.gather [hbm4b:s14+s5], $0x1400, $0x38;
	[tilespmem:$0x1E800] =	vst v63  }
0x210: {  	_ =	swait.ge [sflag:s16], $0x1400  }
0x211: {  	[sflag:s16] =	ssyncset.done $0x0  }
0x212: {  	s6 =	rddreg [dreg:$0xc];
	[sflag:s16] =	ssyncadd.s32 $0xFFFFEC00  }
0x213: {  	[tilespmem:s13], [sflag:$0x5] =	stream.linear.gather [hbm4b:s6+s5], $0x1400, $0x38;
	[tilespmem:$0x1E800] =	vst v63  }
0x214: {  	_ =	swait.ge [sflag:s16], $0x1400  }
0x215: {  	[sflag:s16] =	ssyncset.done $0x0  }
0x216: {  	[sflag:s16] =	ssyncadd.s32 $0xFFFFEC00  }
0x217: {  	[tilespmem:s17], [sflag:$0x1] =	stream.indirect.gather [hbm4b:s1+s19], $0x80, s8, s19, $0xb8;
	[tilespmem:$0x1E800] =	vst v63  }
0x218: {  	s22 =	simm.s32 $0x1;
	s21 =	simm.s32 $0x14080  }
0x219: {  	[tilespmem:s9], [sflag:$0x2] =	stream.indirect.gather [hbm4b:s1+s19], $0x80, s21, s19, $0xb8;
	[tilespmem:$0x1E800] =	vst v63  }
0x21a: {  	_ =	swait.ge [sflag:s22], $0x3E80  }
0x21b: {  	[sflag:s22] =	ssyncset.done $0x0  }
0x21c: {  	[sflag:s22] =	ssyncadd.s32 $0xFFFFC180  }
0x21d: {  	[spmem:s3] =	stream.indirect.scatter.add.f32 [tilespmem:s17], [sflag:$0x3], $0x80, s13, s19, $0xb8;
	[tilespmem:$0x1E800] =	vst v63  }
0x21e: {  	_ =	swait.ge [sflag:s26], $0x3E80  }
0x21f: {  	[sflag:s26] =	ssyncset.done $0x0  }
0x220: {  	s23 =	simm.s32 $0x14100;
	[sflag:s26] =	ssyncadd.s32 $0xFFFFC180  }
0x221: {  	[tilespmem:s17], [sflag:$0x1] =	stream.indirect.gather [hbm4b:s1+s19], $0x80, s23, s19, $0xb8;
	[tilespmem:$0x1E800] =	vst v63  }
0x222: {  	s2 =	sand.u32 $0x1, s12;
	_ =	swait.ge [sflag:s12], $0x3E80  }
0x223: {  	p0 =	seq.s32 s2, $0x1;
	[sflag:s12] =	ssyncset.done $0x0  }
0x224: {  	s2 =	simm.s32 @p0 $0x3;
	[sflag:s12] =	ssyncadd.s32 $0xFFFFC180  }
0x225: {  	[spmem:s3] =	stream.indirect.scatter.add.f32 [tilespmem:s9], [sflag:$0x4], $0x80, s20, s19, $0xb8;
	[tilespmem:$0x1E800] =	vst v63  }
0x226: {  	s11 =	simm.s32 @p0 $0x2;
	_ =	swait.ge @p0 [sflag:s2], $0x3E80  }
0x227: {  	s12 =	simm.s32 $0x14180;
	[sflag:s2] =	ssyncset.done @p0 $0x0;
	p0 =	por p0, p0  }
0x228: {  	[sflag:s2] =	ssyncadd.s32 @p0 $0xFFFFC180;
	s2 =	simm.s32 @p0 $0x7D;
	s10 =	simm.s32 @p0 $0x16800  }
0x229: {  	[tilespmem:s10], [sflag:$0x1] =	stream.indirect.gather @p0 [hbm4b:s1+s2], $0x80, s12, s2, $0xb8;
	[tilespmem:$0x1E800] =	vst v63  }
0x22a: {  	_ =	swait.ge @p0 [sflag:s11], $0x3E80  }
0x22b: {  	s24 =	simm.s32 $0x3;
	s14 =	simm.s32 @!p0 $0x4;
	[sflag:s11] =	ssyncset.done @p0 $0x0  }
0x22c: {  	s10 =	simm.s32 $0x15500;
	[sflag:s11] =	ssyncadd.s32 @p0 $0xFFFFC180;
	s11 =	simm.s32 @p0 $0x1A800  }
0x22d: {  	[spmem:s3] =	stream.indirect.scatter.add.f32 @p0 [tilespmem:s11], [sflag:$0x4], $0x80, s10, s2, $0xb8;
	[tilespmem:$0x1E800] =	vst v63  }
0x22e: {  	s30 =	sand.u32 $0x1, s24;
	_ =	swait.ge @!p0 [sflag:s14], $0x3E80  }
0x22f: {  	p2 =	seq.s32 s30, $0x1;
	s23 =	simm.s32 @!p0 $0x1;
	[sflag:s14] =	ssyncset.done @!p0 $0x0  }
0x230: {  	s11 =	simm.s32 @!p0 $0x7D;
	[sflag:s14] =	ssyncadd.s32 @!p0 $0xFFFFC180;
	s14 =	simm.s32 @!p0 $0x1A800  }
0x231: {  	[tilespmem:s14], [sflag:$0x2] =	stream.indirect.gather @!p0 [hbm4b:s1+s11], $0x80, s12, s11, $0xb8;
	[tilespmem:$0x1E800] =	vst v63  }
0x232: {  	s21 =	simm.s32 $0x15580;
	s22 =	simm.s32 $0x4;
	_ =	swait.ge @!p0 [sflag:s23], $0x3E80  }
0x233: {  	s2 =	simm.s32 $0x14200;
	s12 =	simm.s32 @!p0 $0x16800;
	[sflag:s23] =	ssyncset.done @!p0 $0x0  }
.LBB2_4:
0x234: {  	s14 =	simm.s32 @p2 $0x3;
	[sflag:s23] =	ssyncadd.s32 @!p0 $0xFFFFC180  }
0x235: {  	s24 =	smov.u32 s22;
	s22 =	sadd.s32 $0x1, s22;
	s30 =	smov.u32 s2  }
0x236: {  	[spmem:s3] =	stream.indirect.scatter.add.f32 @!p0 [tilespmem:s12], [sflag:$0x3], $0x80, s10, s11, $0xb8;
	[tilespmem:$0x1E800] =	vst v63  }
0x237: {  	p1 =	sne.s32 s22, $0x27;
	s10 =	smov.u32 s21;
	_ =	swait.ge @p2 [sflag:s14], $0x3E80  }
0x238: {  	s11 =	simm.s32 @p2 $0x2;
	p0 =	por p2, p2;
	[sflag:s14] =	ssyncset.done @p2 $0x0  }
0x239: {  	s12 =	simm.s32 @p0 $0x7D;
	[sflag:s14] =	ssyncadd.s32 @p0 $0xFFFFC180;
	s14 =	simm.s32 @p0 $0x16800  }
0x23a: {  	[tilespmem:s14], [sflag:$0x1] =	stream.indirect.gather @p0 [hbm4b:s1+s12], $0x80, s2, s12, $0xb8;
	[tilespmem:$0x1E800] =	vst v63  }
0x23b: {  	_ =	swait.ge @p0 [sflag:s11], $0x3E80  }
0x23c: {  	[sflag:s11] =	ssyncset.done @p0 $0x0  }
0x23d: {  	s14 =	simm.s32 @!p0 $0x4;
	[sflag:s11] =	ssyncadd.s32 @p0 $0xFFFFC180;
	s11 =	simm.s32 @p0 $0x1A800  }
0x23e: {  	[spmem:s3] =	stream.indirect.scatter.add.f32 @p0 [tilespmem:s11], [sflag:$0x4], $0x80, s21, s12, $0xb8;
	[tilespmem:$0x1E800] =	vst v63  }
0x23f: {  	s2 =	sadd.s32 $0x80, s2;
	_ =	swait.ge @!p0 [sflag:s14], $0x3E80  }
.Ltmp1:
0x240: {  	s23 =	simm.s32 @!p0 $0x1;
	[sflag:s14] =	ssyncset.done @!p0 $0x0;
	(pc) =	sbr.rel @p1 .LBB2_4-.Ltmp1, $4  }
0x241: {  	s11 =	simm.s32 @!p0 $0x7D;
	s12 =	simm.s32 @!p0 $0x1A800;
	[sflag:s14] =	ssyncadd.s32 @!p0 $0xFFFFC180  }
0x242: {  	[tilespmem:s12], [sflag:$0x2] =	stream.indirect.gather @!p0 [hbm4b:s1+s11], $0x80, s30, s11, $0xb8;
	[tilespmem:$0x1E800] =	vst v63  }
0x243: {  	s21 =	sadd.s32 $0x80, s21;
	s12 =	sand.u32 $0x1, s24;
	_ =	swait.ge @!p0 [sflag:s23], $0x3E80  }
0x244: {  	p2 =	seq.s32 s12, $0x1;
	s12 =	simm.s32 @!p0 $0x16800;
	[sflag:s23] =	ssyncset.done @!p0 $0x0  }
0x245: {  	s14 =	simm.s32 @p2 $0x3;
	[sflag:s23] =	ssyncadd.s32 @!p0 $0xFFFFC180  }
0x246: {  	[spmem:s3] =	stream.indirect.scatter.add.f32 @!p0 [tilespmem:s12], [sflag:$0x3], $0x80, s10, s11, $0xb8;
	[tilespmem:$0x1E800] =	vst v63  }
0x247: {  	_ =	swait.ge @p2 [sflag:s14], $0x3E80  }
0x248: {  	s10 =	simm.s32 @p2 $0x2;
	p0 =	por p2, p2;
	[sflag:s14] =	ssyncset.done @p2 $0x0  }
0x249: {  	s11 =	simm.s32 @p0 $0x7D;
	s12 =	simm.s32 @p0 $0x16800;
	[sflag:s14] =	ssyncadd.s32 @p0 $0xFFFFC180  }
0x24a: {  	[tilespmem:s12], [sflag:$0x1] =	stream.indirect.gather @p0 [hbm4b:s1+s11], $0x80, s2, s11, $0xb8;
	[tilespmem:$0x1E800] =	vst v63  }
0x24b: {  	_ =	swait.ge @p0 [sflag:s10], $0x3E80  }
0x24c: {  	[sflag:s10] =	ssyncset.done @p0 $0x0  }
0x24d: {  	s12 =	simm.s32 @!p0 $0x4;
	[sflag:s10] =	ssyncadd.s32 @p0 $0xFFFFC180;
	s10 =	simm.s32 @p0 $0x1A800  }
0x24e: {  	[spmem:s3] =	stream.indirect.scatter.add.f32 @p0 [tilespmem:s10], [sflag:$0x4], $0x80, s21, s11, $0xb8;
	[tilespmem:$0x1E800] =	vst v63  }
0x24f: {  	_ =	swait.ge @!p0 [sflag:s12], $0x3E80  }
0x250: {  	s10 =	simm.s32 @!p0 $0x1;
	[sflag:s12] =	ssyncset.done @!p0 $0x0  }
0x251: {  	s11 =	simm.s32 @!p0 $0x7D;
	[sflag:s12] =	ssyncadd.s32 @!p0 $0xFFFFC180;
	s12 =	simm.s32 @!p0 $0x1A800  }
0x252: {  	[tilespmem:s12], [sflag:$0x2] =	stream.indirect.gather @!p0 [hbm4b:s1+s11], $0x80, s2, s11, $0xb8;
	[tilespmem:$0x1E800] =	vst v63  }
0x253: {  	_ =	swait.ge @!p0 [sflag:s10], $0x3E80  }
0x254: {  	[sflag:s10] =	ssyncset.done @!p0 $0x0  }
0x255: {  	s2 =	simm.s32 @!p0 $0x16800;
	[sflag:s10] =	ssyncadd.s32 @!p0 $0xFFFFC180  }
0x256: {  	[spmem:s3] =	stream.indirect.scatter.add.f32 @!p0 [tilespmem:s2], [sflag:$0x3], $0x80, s21, s11, $0xb8;
	[tilespmem:$0x1E800] =	vst v63  }
0x257: {  	_ =	swait.ge [sflag:s25], $0x3E80  }
0x258: {  	[sflag:s25] =	ssyncset.done $0x0  }
0x259: {  	[sflag:s25] =	ssyncadd.s32 $0xFFFFC180  }
0x25a: {  	[spmem:s3] =	stream.indirect.scatter.add.f32 [tilespmem:s9], [sflag:$0x4], $0x80, s15, s19, $0xb8;
	[tilespmem:$0x1E800] =	vst v63  }
0x25b: {  	_ =	swait.ge [sflag:s26], $0x3E80  }
0x25c: {  	[sflag:s26] =	ssyncset.done $0x0  }
0x25d: {  	[sflag:s26] =	ssyncadd.s32 $0xFFFFC180  }
0x25e: {  	_ =	swait.ge [sflag:s18], $0x3E80  }
0x25f: {  	[sflag:s18] =	ssyncset.done $0x0  }
0x260: {  	[sflag:s18] =	ssyncadd.s32 $0xFFFFC180  }
0x261: {  	[bflag:$0x0] =	sbarrier.arrive $0xFFFF  }
0x262: {  	s25 =	rddreg [dreg:$0x8]  }
0x263: {  	[hbm:s25], [sflag:s7] =	dma.local [spmem:s0], $0x2800  }
0x264: {  	_ =	swait.ge [sflag:s16], $0x2800  }
0x265: {  	s4 =	sadd.s32 $0x1, s4;
	s30 =	rddreg [dreg:$0x9]  }
0x266: {  	p0 =	sne.s32 s4, s30  }
.Ltmp2:
0x267: {  	_ = 	snop;
	(pc) =	sbr.rel @p0 .LBB2_1-.Ltmp2, $3  }
0x268: {  	_ =	sdelay $0x1  }
0x269: {  	[sflag:s16] =	ssyncset.done $0x0  }
0x26a: {  	[sflag:s16] =	ssyncadd.s32 $0xFFFFD800  }
0x26b: {  	_ =	sfence.sel $0x180000  }
0x26c: {  	[bflag:$0x0] =	sbarrier.arrive $0xFFFF  }
0x26d: {  	_ =	strace $0x90000047  }
0x26e: {  	s0 =	stileid.u32;
	[bflag:$0x2] =	sbarrier.arrive $0xFFFF  }
0x26f: {  	p0 =	sne.s32 s0, $0x0;
	s0 =	rddreg [dreg:$0x4]  }
0x270: {  	s0 =	sadd.s32 @!p0 $0x100000, s0  }
0x271: {  	[sflag:s0] =	ssyncadd.tile.s32 @!p0 $0x1;
	_ =	shalt  }
.Lfunc_end2:
_tile_overlayer_lowered:
.L_overlay_start_2:
0x272: {  	(tag) =	ssettag $0x2  }
0x273: {  	s0 =	rddreg [dreg:$0x0];
	s2 =	stileid.u32  }
0x274: {  	s1 =	rddreg [dreg:$0x1];
	p0 =	sne.s32 s2, $0x0  }
0x275: {  	s3 =	rddreg [dreg:$0x2];
	[bflag:$0x3] =	sbarrier.arrive $0xFFFF;
	s2 =	simm.s32 @!p0 $0x1C05  }
0x276: {  	[timem:s3], [sflag:s2] =	dma.local @!p0 [hbm:s0], s1  }
0x277: {  	s0 =	simm.s32 @!p0 $0x5  }
0x278: {  	_ =	swait.ge @!p0 [sflag:s0], s1  }
0x279: {  	s1 =	ssub.s32 @!p0 $0x0, s1;
	[sflag:s0] =	ssyncset.done @!p0 $0x0  }
0x27a: {  	[sflag:s0] =	ssyncadd.s32 @!p0 s1  }
0x27b: {  	[bflag:$0x3] =	sbarrier.arrive $0xFFFF  }
0x27c: {  	_ =	shalt  }

</sc_bundles>
